<compile_context>
chip_gen: v7x
topology: tpu7x:2x2x1
jax: 0.10.2.dev20260603
libtpu: 0.0.44.dev20260713+nightly
codegen_flags: <defaults>
</compile_context>

<pallas_src>
import functools

import jax
import jax.numpy as jnp
from jax import lax
from jax.experimental import pallas as pl
from jax.experimental.pallas import tpu as pltpu
from jax.experimental.pallas import tpu_sc as plsc

NEG = -1e30


def _k1_body(N, T, Npad, KTOP, xs_ref, xf_ref, A1_ref, V1_ref,
             idx_ref, u_ref, v_ref):
    xs = xs_ref[0]
    xf = xf_ref[0]
    C = xs.shape[0]
    st = 2.0 * lax.dot_general(xf, xs, (((0,), (0,)), ((), ())),
                               preferred_element_type=jnp.float32)
    xxl = jnp.sum(xf * xf, axis=0, keepdims=True)
    xx = xxl.T
    row = lax.broadcasted_iota(jnp.int32, (Npad, T), 0)
    st = jnp.where(row < N, st - xx, NEG)
    base = pl.program_id(0) * Npad
    am0 = None
    for k in range(KTOP):
        m = jnp.max(st, axis=0, keepdims=True)
        cand = jnp.where(st == m, row, Npad)
        am = jnp.min(cand, axis=0, keepdims=True)
        am = jnp.minimum(am, N - 1)
        idx_ref[k, 0, 0, :] = (am + base)[0]
        if k < KTOP - 1:
            st = jnp.where(row == am, NEG, st)
        if k == 0:
            am0 = am
    idx_ref[KTOP, 0, 0, :] = (am0 + base)[0]
    u_ref[0] = lax.dot_general(xs, A1_ref[...], (((0,), (0,)), ((), ())),
                               preferred_element_type=jnp.float32)
    v_ref[0] = lax.dot_general(xs, V1_ref[...], (((0,), (0,)), ((), ())),
                               preferred_element_type=jnp.float32)


def _k3_body(KP, *refs):
    vg_refs = refs[:KP]
    u_ref, W2t_ref, b1_ref, b2_ref, out_ref = refs[KP:]
    u = u_ref[...]
    W2t = W2t_ref[...]
    b1 = b1_ref[...]
    b2 = b2_ref[...]
    acc = None
    for k in range(KP):
        h1 = jnp.maximum(u - vg_refs[k][0] + b1, 0.0)
        h2 = lax.dot_general(h1, W2t, (((1,), (0,)), ((), ())),
                             preferred_element_type=jnp.float32)
        h2 = jnp.maximum(h2 + b2, 0.0)
        acc = h2 if acc is None else jnp.maximum(acc, h2)
    out_ref[...] = acc


def kernel(features, W1, b1, g1, be1, W2, b2, g2, be2):
    B, C, N, _ = features.shape
    KTOP = 9
    KP = 10
    T = 256
    Npad = ((N + T - 1) // T) * T
    NT = Npad // T

    x = features.reshape(B, C, N)

    inv = 1.0 / jnp.sqrt(jnp.float32(1.0 + 1e-5))
    a1 = g1 * inv
    A1 = (a1[:, None] * (W1[:, :C] + W1[:, C:])).T
    V1 = (a1[:, None] * W1[:, C:]).T
    beta1 = (a1 * b1 + be1)[None, :]
    a2 = g2 * inv
    W2t = (a2[:, None] * W2).T
    beta2 = (a2 * b2 + be2)[None, :]

    def run_chain(xh, Bh):
        idx, u, v = pl.pallas_call(
            functools.partial(_k1_body, N, T, Npad, KTOP),
            grid=(Bh, NT),
            in_specs=[
                pl.BlockSpec((1, C, T), lambda b, t: (b, 0, t)),
                pl.BlockSpec((1, C, Npad), lambda b, t: (b, 0, 0)),
                pl.BlockSpec((C, C), lambda b, t: (0, 0)),
                pl.BlockSpec((C, C), lambda b, t: (0, 0)),
            ],
            out_specs=[
                pl.BlockSpec((KP, 1, 1, T),
                             lambda b, t: (0, b * NT + t, 0, 0)),
                pl.BlockSpec((1, T, C), lambda b, t: (b, t, 0)),
                pl.BlockSpec((1, T, C), lambda b, t: (b, t, 0)),
            ],
            out_shape=[
                jax.ShapeDtypeStruct((KP, Bh * NT, 1, T), jnp.int32),
                jax.ShapeDtypeStruct((Bh, Npad, C), jnp.float32),
                jax.ShapeDtypeStruct((Bh, Npad, C), jnp.float32),
            ],
        )(xh, xh, A1, V1)

        M = Bh * Npad
        TOTAL = M * KP
        NW = 32
        PER_W = TOTAL // NW
        CHUNK = 128
        NCH = PER_W // CHUNK

        v_flat = v.reshape(M, C)
        idx_flat = idx.reshape(TOTAL)

        mesh = plsc.VectorSubcoreMesh(core_axis_name="c",
                                      subcore_axis_name="s")

        NBUF = 4 if NCH % 4 == 0 else 2
        NOUTER = NCH // NBUF

        @functools.partial(
            pl.kernel, mesh=mesh,
            out_type=jax.ShapeDtypeStruct((TOTAL, C), jnp.float32),
            scratch_types=[
                pltpu.VMEM((PER_W,), jnp.int32),
                pltpu.VMEM((NBUF, CHUNK, C), jnp.float32),
            ] + [pltpu.SemaphoreType.DMA] * (2 * NBUF),
        )
        def gather_v(table_hbm, idx_hbm, out_hbm, idx_v, rows_v, *sems):
            gsem = sems[:NBUF]
            ssem = sems[NBUF:]
            wid = lax.axis_index("s") * 2 + lax.axis_index("c")
            wbase = wid * PER_W
            pltpu.sync_copy(idx_hbm.at[pl.ds(wbase, PER_W)], idx_v)

            def body(j, carry):
                for b in range(NBUF):
                    i = j * NBUF + b
                    off = wbase + i * CHUNK

                    @pl.when(j > 0)
                    def _():
                        pltpu.make_async_copy(
                            rows_v.at[b],
                            out_hbm.at[pl.ds(off - NBUF * CHUNK, CHUNK)],
                            ssem[b]).wait()

                    pltpu.async_copy(
                        table_hbm.at[idx_v.at[pl.ds(i * CHUNK, CHUNK)]],
                        rows_v.at[b], gsem[b]).wait()
                    pltpu.async_copy(rows_v.at[b],
                                     out_hbm.at[pl.ds(off, CHUNK)], ssem[b])
                return carry

            lax.fori_loop(0, NOUTER, body, 0)
            for b in range(NBUF):
                i = (NOUTER - 1) * NBUF + b
                pltpu.make_async_copy(
                    rows_v.at[b],
                    out_hbm.at[pl.ds(wbase + i * CHUNK, CHUNK)],
                    ssem[b]).wait()

        vg = gather_v(v_flat, idx_flat).reshape(KP, M, C)

        u_flat = u.reshape(M, C)
        vg_specs = [
            pl.BlockSpec((1, T, C),
                         functools.partial(lambda k, i: (k, i, 0), k))
            for k in range(KP)
        ]
        return pl.pallas_call(
            functools.partial(_k3_body, KP),
            grid=(Bh * NT,),
            in_specs=vg_specs + [
                pl.BlockSpec((T, C), lambda i: (i, 0)),
                pl.BlockSpec((C, C), lambda i: (0, 0)),
                pl.BlockSpec((1, C), lambda i: (0, 0)),
                pl.BlockSpec((1, C), lambda i: (0, 0)),
            ],
            out_specs=pl.BlockSpec((T, C), lambda i: (i, 0)),
            out_shape=jax.ShapeDtypeStruct((M, C), jnp.float32),
        )(*([vg] * KP), u_flat, W2t, beta1, beta2)

    NSPLIT = 4
    Bh = B // NSPLIT
    out_flat = jnp.concatenate(
        [run_chain(x[i * Bh:(i + 1) * Bh], Bh) for i in range(NSPLIT)],
        axis=0)

    out = out_flat.reshape(B, Npad, C)[:, :N].transpose(0, 2, 1)[..., None]
    return out

# --- scband reference (transcript-rebuilt; emitter-appended) ---
"""Pipeline reference for scband-ds-block-26560077759184 (READ-ONLY COPY).

The authoritative reference and input builder live on the scoring server;
editing this copy changes nothing except your own understanding.
"""

import jax, jax.numpy as jnp
import numpy as np

B, C, N, K = 8, 128, 2000, 9


def setup_inputs(seed: int = 0):
    key = jax.random.key(seed)
    ks = jax.random.split(key, 4)
    features = jax.random.normal(ks[0], (B, C, N, 1), dtype=jnp.float32)
    W1 = (jax.random.normal(ks[1], (C, 2 * C), dtype=jnp.float32) / np.sqrt(2 * C)).astype(jnp.float32)
    b1 = jnp.zeros((C,), jnp.float32)
    g1 = jnp.ones((C,), jnp.float32)
    be1 = jnp.zeros((C,), jnp.float32)
    W2 = (jax.random.normal(ks[2], (C, C), dtype=jnp.float32) / np.sqrt(C)).astype(jnp.float32)
    b2 = jnp.zeros((C,), jnp.float32)
    g2 = jnp.ones((C,), jnp.float32)
    be2 = jnp.zeros((C,), jnp.float32)
    return {"features": features, "W1": W1, "b1": b1, "g1": g1, "be1": be1,
            "W2": W2, "b2": b2, "g2": g2, "be2": be2}


def _bn(y, g, b):
    # eval-mode BatchNorm with running_mean=0, running_var=1
    return g[None, :, None, None] * y / jnp.sqrt(1.0 + 1e-5) + b[None, :, None, None]


def reference(features, W1, b1, g1, be1, W2, b2, g2, be2):
    Bq, Cq, Nq, _ = features.shape
    x = features.reshape(Bq, Cq, Nq)
    xt = x.transpose(0, 2, 1)  # [B, N, C]
    # knn(): negative squared pairwise distance, then top-k neighbor retrieval
    inner = -2.0 * jnp.matmul(xt, x)                      # [B, N, N]
    xx = jnp.sum(x ** 2, axis=1, keepdims=True)           # [B, 1, N]
    pdist = -xx - inner - xx.transpose(0, 2, 1)           # [B, N, N]
    _, idx = jax.lax.top_k(pdist, K)                      # [B, N, K]
    # get_graph_feature(): gather neighbor features
    feat = jax.vmap(lambda xb, ib: xb[ib])(xt, idx)       # [B, N, K, C]
    xrep = jnp.broadcast_to(xt[:, :, None, :], (Bq, Nq, K, Cq))
    gfeat = jnp.concatenate([xrep, xrep - feat], axis=3)  # [B, N, K, 2C]
    gfeat = gfeat.transpose(0, 3, 1, 2)                   # [B, 2C, N, K]
    # 1x1 conv -> BN -> ReLU, twice (DGCNN_MAX_Block conv stack)
    h = jnp.einsum('oc,bcnk->bonk', W1, gfeat) + b1[None, :, None, None]
    h = jax.nn.relu(_bn(h, g1, be1))
    h = jnp.einsum('oc,bcnk->bonk', W2, h) + b2[None, :, None, None]
    h = jax.nn.relu(_bn(h, g2, be2))
    # max over the k neighbors, keep trailing singleton dim
    out = jnp.max(h, axis=-1)[..., None]                  # [B, C, N, 1]
    return out

if __name__ == "__main__":
    import jax
    _d = setup_inputs()
    print(jax.jit(kernel)(*tuple(_d.values())))

</pallas_src>

<mosaic_0001>
#map = affine_map<(d0, d1) -> (0, 0)>
#map1 = affine_map<(d0, d1) -> (0)>
module attributes {stable_mosaic.version = 14 : i64} {
  func.func @gather_v(%arg0: i32, %arg1: i32, %arg2: memref<4096x128xf32, #tpu.memory_space<hbm>>, %arg3: memref<40960xi32, #tpu.memory_space<hbm>>, %arg4: memref<40960x128xf32, #tpu.memory_space<hbm>>, %arg5: memref<1280xi32, #tpu.memory_space<vmem>>, %arg6: memref<2x128x128xf32, #tpu.memory_space<vmem>>, %arg7: memref<!tpu.dma_semaphore, #tpu.memory_space<semaphore_mem>>, %arg8: memref<!tpu.dma_semaphore, #tpu.memory_space<semaphore_mem>>, %arg9: memref<!tpu.dma_semaphore, #tpu.memory_space<semaphore_mem>>, %arg10: memref<!tpu.dma_semaphore, #tpu.memory_space<semaphore_mem>>) attributes {dimension_semantics = [#tpu.dimension_semantics<core_parallel>, #tpu.dimension_semantics<subcore_parallel>], iteration_bounds = array<i64: 2, 16>, scalar_prefetch = 0 : i64, scratch_operands = 6 : i64, tpu.core_type = #tpu.core_type<sc_vector_subcore>, window_params = [{transform_indices = #map}, {transform_indices = #map1}, {transform_indices = #map}]} {
    %mul3A = arith.constant 2 : i32
    %mul3A_0 = arith.muli %arg1, %mul3A : i32
    %add3A = arith.addi %mul3A_0, %arg0 : i32
    %mul3A_1 = arith.constant 1280 : i32
    %mul3A_2 = arith.muli %add3A, %mul3A_1 : i32
    "tpu.region"() ({
      %run_scoped3A = tpu.sem_alloc : memref<!tpu.dma_semaphore, #tpu.memory_space<semaphore_mem>>
      %dma_start3A = tpu.memref_slice %arg3[%mul3A_2] : memref<40960xi32, #tpu.memory_space<hbm>> -> memref<1280xi32, #tpu.memory_space<hbm>>
      %dma_start3A_37 = tpu.memref_slice %arg3[%mul3A_2] : memref<40960xi32, #tpu.memory_space<hbm>> -> memref<1280xi32, #tpu.memory_space<hbm>>
      tpu.enqueue_dma source(%dma_start3A_37 : memref<1280xi32, #tpu.memory_space<hbm>>) target(%arg5 : memref<1280xi32, #tpu.memory_space<vmem>>) target_semaphore(%run_scoped3A : memref<!tpu.dma_semaphore, #tpu.memory_space<semaphore_mem>>)
      %dma_wait3A_38 = tpu.memref_slice %arg3[%mul3A_2] : memref<40960xi32, #tpu.memory_space<hbm>> -> memref<1280xi32, #tpu.memory_space<hbm>>
      %dma_wait3A_39 = tpu.memref_slice %arg3[%mul3A_2] : memref<40960xi32, #tpu.memory_space<hbm>> -> memref<1280xi32, #tpu.memory_space<hbm>>
      tpu.wait_dma2 semaphore(%run_scoped3A : memref<!tpu.dma_semaphore, #tpu.memory_space<semaphore_mem>>) src(%dma_wait3A_39 : memref<1280xi32, #tpu.memory_space<hbm>>) dst(%arg5 : memref<1280xi32, #tpu.memory_space<vmem>>)
      tpu.yield
    }) : () -> ()
    %scan3A = arith.constant 0 : i32
    %scan3A_3 = arith.constant 0 : i32
    %scan3A_4 = arith.constant 5 : i32
    %scan3A_5 = arith.addi %scan3A_3, %scan3A_4 : i32
    %scan3A_6 = arith.constant 1 : i32
    scf.for %scan3A_37 = %scan3A_3 to %scan3A_5 step %scan3A_6  : i32 {
      %mul3A_38 = arith.constant 2 : i32
      %mul3A_39 = arith.muli %scan3A_37, %mul3A_38 : i32
      %add3A_40 = arith.constant 0 : i32
      %add3A_41 = arith.addi %mul3A_39, %add3A_40 : i32
      %mul3A_42 = arith.constant 128 : i32
      %mul3A_43 = arith.muli %add3A_41, %mul3A_42 : i32
      %add3A_44 = arith.addi %mul3A_2, %mul3A_43 : i32
      %gt3A = arith.constant 0 : i32
      %gt3A_45 = arith.cmpi sgt, %scan3A_37, %gt3A : i32
      %convert_element_type3A = arith.extui %gt3A_45 : i1 to i32
      %cond3A = arith.constant 0 : i32
      %cond3A_46 = arith.cmpi ne, %convert_element_type3A, %cond3A : i32
      scf.if %cond3A_46 {
        %sub3A = arith.constant 256 : i32
        %sub3A_124 = arith.subi %add3A_44, %sub3A : i32
        %dma_wait3A_125 = arith.constant 0 : i32
        %dma_wait3A_126 = arith.constant 0 : i32
        %dma_wait3A_127 = arith.constant 0 : i32
        %dma_wait3A_128 = tpu.memref_slice %arg6[%dma_wait3A_125, %dma_wait3A_126, %dma_wait3A_127] : memref<2x128x128xf32, #tpu.memory_space<vmem>> -> memref<1x128x128xf32, #tpu.memory_space<vmem>>
        %dma_wait3A_129 = tpu.memref_squeeze %dma_wait3A_128 : memref<1x128x128xf32, #tpu.memory_space<vmem>> -> memref<128x128xf32, #tpu.memory_space<vmem>>
        %dma_wait3A_130 = arith.constant 0 : i32
        %dma_wait3A_131 = tpu.memref_slice %arg4[%sub3A_124, %dma_wait3A_130] : memref<40960x128xf32, #tpu.memory_space<hbm>> -> memref<128x128xf32, #tpu.memory_space<hbm>>
        %dma_wait3A_132 = arith.constant 0 : i32
        %dma_wait3A_133 = tpu.memref_slice %arg4[%sub3A_124, %dma_wait3A_132] : memref<40960x128xf32, #tpu.memory_space<hbm>> -> memref<128x128xf32, #tpu.memory_space<hbm>>
        %dma_wait3A_134 = arith.constant 0 : i32
        %dma_wait3A_135 = arith.constant 0 : i32
        %dma_wait3A_136 = tpu.memref_slice %arg6[%dma_wait3A_125, %dma_wait3A_134, %dma_wait3A_135] : memref<2x128x128xf32, #tpu.memory_space<vmem>> -> memref<1x128x128xf32, #tpu.memory_space<vmem>>
        %dma_wait3A_137 = tpu.memref_squeeze %dma_wait3A_136 : memref<1x128x128xf32, #tpu.memory_space<vmem>> -> memref<128x128xf32, #tpu.memory_space<vmem>>
        tpu.wait_dma2 semaphore(%arg9 : memref<!tpu.dma_semaphore, #tpu.memory_space<semaphore_mem>>) src(%dma_wait3A_137 : memref<128x128xf32, #tpu.memory_space<vmem>>) dst(%dma_wait3A_133 : memref<128x128xf32, #tpu.memory_space<hbm>>)
      } else {
      }
      %mul3A_47 = arith.constant 128 : i32
      %mul3A_48 = arith.muli %add3A_41, %mul3A_47 : i32
      %dma_start3A = arith.constant 0 : i32
      %dma_start3A_49 = arith.constant 0 : i32
      %dma_start3A_50 = arith.constant 0 : i32
      %dma_start3A_51 = tpu.memref_slice %arg6[%dma_start3A, %dma_start3A_49, %dma_start3A_50] : memref<2x128x128xf32, #tpu.memory_space<vmem>> -> memref<1x128x128xf32, #tpu.memory_space<vmem>>
      %dma_start3A_52 = tpu.memref_squeeze %dma_start3A_51 : memref<1x128x128xf32, #tpu.memory_space<vmem>> -> memref<128x128xf32, #tpu.memory_space<vmem>>
      %dma_start3A_53 = tpu.memref_slice %arg5[%mul3A_48] : memref<1280xi32, #tpu.memory_space<vmem>> -> memref<128xi32, #tpu.memory_space<vmem>>
      %dma_start3A_54 = arith.constant 0 : i32
      %dma_start3A_55 = arith.constant 0 : i32
      %dma_start3A_56 = tpu.memref_slice %arg2[%dma_start3A_54, %dma_start3A_55] : memref<4096x128xf32, #tpu.memory_space<hbm>> -> memref<4096x128xf32, #tpu.memory_space<hbm>>
      tpu.enqueue_indirect_dma source(%dma_start3A_56 : memref<4096x128xf32, #tpu.memory_space<hbm>>) target(%dma_start3A_52 : memref<128x128xf32, #tpu.memory_space<vmem>>) offsets(%dma_start3A_53 : memref<128xi32, #tpu.memory_space<vmem>>) semaphore(%arg7 : memref<!tpu.dma_semaphore, #tpu.memory_space<semaphore_mem>>)
      %dma_wait3A_57 = arith.constant 0 : i32
      %dma_wait3A_58 = arith.constant 0 : i32
      %dma_wait3A_59 = arith.constant 0 : i32
      %dma_wait3A_60 = tpu.memref_slice %arg6[%dma_wait3A_57, %dma_wait3A_58, %dma_wait3A_59] : memref<2x128x128xf32, #tpu.memory_space<vmem>> -> memref<1x128x128xf32, #tpu.memory_space<vmem>>
      %dma_wait3A_61 = tpu.memref_squeeze %dma_wait3A_60 : memref<1x128x128xf32, #tpu.memory_space<vmem>> -> memref<128x128xf32, #tpu.memory_space<vmem>>
      %dma_wait3A_62 = tpu.memref_slice %arg5[%mul3A_48] : memref<1280xi32, #tpu.memory_space<vmem>> -> memref<128xi32, #tpu.memory_space<vmem>>
      %dma_wait3A_63 = arith.constant 0 : i32
      %dma_wait3A_64 = arith.constant 0 : i32
      %dma_wait3A_65 = tpu.memref_slice %arg2[%dma_wait3A_63, %dma_wait3A_64] : memref<4096x128xf32, #tpu.memory_space<hbm>> -> memref<4096x128xf32, #tpu.memory_space<hbm>>
      tpu.wait_indirect_dma semaphore(%arg7 : memref<!tpu.dma_semaphore, #tpu.memory_space<semaphore_mem>>) src(%dma_wait3A_65 : memref<4096x128xf32, #tpu.memory_space<hbm>>) dst(%dma_wait3A_61 : memref<128x128xf32, #tpu.memory_space<vmem>>)
      %dma_start3A_66 = arith.constant 0 : i32
      %dma_start3A_67 = arith.constant 0 : i32
      %dma_start3A_68 = arith.constant 0 : i32
      %dma_start3A_69 = tpu.memref_slice %arg6[%dma_start3A_66, %dma_start3A_67, %dma_start3A_68] : memref<2x128x128xf32, #tpu.memory_space<vmem>> -> memref<1x128x128xf32, #tpu.memory_space<vmem>>
      %dma_start3A_70 = tpu.memref_squeeze %dma_start3A_69 : memref<1x128x128xf32, #tpu.memory_space<vmem>> -> memref<128x128xf32, #tpu.memory_space<vmem>>
      %dma_start3A_71 = arith.constant 0 : i32
      %dma_start3A_72 = tpu.memref_slice %arg4[%add3A_44, %dma_start3A_71] : memref<40960x128xf32, #tpu.memory_space<hbm>> -> memref<128x128xf32, #tpu.memory_space<hbm>>
      %dma_start3A_73 = arith.constant 0 : i32
      %dma_start3A_74 = tpu.memref_slice %arg4[%add3A_44, %dma_start3A_73] : memref<40960x128xf32, #tpu.memory_space<hbm>> -> memref<128x128xf32, #tpu.memory_space<hbm>>
      %dma_start3A_75 = arith.constant 0 : i32
      %dma_start3A_76 = arith.constant 0 : i32
      %dma_start3A_77 = tpu.memref_slice %arg6[%dma_start3A_66, %dma_start3A_75, %dma_start3A_76] : memref<2x128x128xf32, #tpu.memory_space<vmem>> -> memref<1x128x128xf32, #tpu.memory_space<vmem>>
      %dma_start3A_78 = tpu.memref_squeeze %dma_start3A_77 : memref<1x128x128xf32, #tpu.memory_space<vmem>> -> memref<128x128xf32, #tpu.memory_space<vmem>>
      tpu.enqueue_dma source(%dma_start3A_78 : memref<128x128xf32, #tpu.memory_space<vmem>>) target(%dma_start3A_74 : memref<128x128xf32, #tpu.memory_space<hbm>>) target_semaphore(%arg9 : memref<!tpu.dma_semaphore, #tpu.memory_space<semaphore_mem>>)
      %mul3A_79 = arith.constant 2 : i32
      %mul3A_80 = arith.muli %scan3A_37, %mul3A_79 : i32
      %add3A_81 = arith.constant 1 : i32
      %add3A_82 = arith.addi %mul3A_80, %add3A_81 : i32
      %mul3A_83 = arith.constant 128 : i32
      %mul3A_84 = arith.muli %add3A_82, %mul3A_83 : i32
      %add3A_85 = arith.addi %mul3A_2, %mul3A_84 : i32
      %gt3A_86 = arith.constant 0 : i32
      %gt3A_87 = arith.cmpi sgt, %scan3A_37, %gt3A_86 : i32
      %convert_element_type3A_88 = arith.extui %gt3A_87 : i1 to i32
      %cond3A_89 = arith.constant 0 : i32
      %cond3A_90 = arith.cmpi ne, %convert_element_type3A_88, %cond3A_89 : i32
      scf.if %cond3A_90 {
        %sub3A = arith.constant 256 : i32
        %sub3A_124 = arith.subi %add3A_85, %sub3A : i32
        %dma_wait3A_125 = arith.constant 1 : i32
        %dma_wait3A_126 = arith.constant 0 : i32
        %dma_wait3A_127 = arith.constant 0 : i32
        %dma_wait3A_128 = tpu.memref_slice %arg6[%dma_wait3A_125, %dma_wait3A_126, %dma_wait3A_127] : memref<2x128x128xf32, #tpu.memory_space<vmem>> -> memref<1x128x128xf32, #tpu.memory_space<vmem>>
        %dma_wait3A_129 = tpu.memref_squeeze %dma_wait3A_128 : memref<1x128x128xf32, #tpu.memory_space<vmem>> -> memref<128x128xf32, #tpu.memory_space<vmem>>
        %dma_wait3A_130 = arith.constant 0 : i32
        %dma_wait3A_131 = tpu.memref_slice %arg4[%sub3A_124, %dma_wait3A_130] : memref<40960x128xf32, #tpu.memory_space<hbm>> -> memref<128x128xf32, #tpu.memory_space<hbm>>
        %dma_wait3A_132 = arith.constant 0 : i32
        %dma_wait3A_133 = tpu.memref_slice %arg4[%sub3A_124, %dma_wait3A_132] : memref<40960x128xf32, #tpu.memory_space<hbm>> -> memref<128x128xf32, #tpu.memory_space<hbm>>
        %dma_wait3A_134 = arith.constant 0 : i32
        %dma_wait3A_135 = arith.constant 0 : i32
        %dma_wait3A_136 = tpu.memref_slice %arg6[%dma_wait3A_125, %dma_wait3A_134, %dma_wait3A_135] : memref<2x128x128xf32, #tpu.memory_space<vmem>> -> memref<1x128x128xf32, #tpu.memory_space<vmem>>
        %dma_wait3A_137 = tpu.memref_squeeze %dma_wait3A_136 : memref<1x128x128xf32, #tpu.memory_space<vmem>> -> memref<128x128xf32, #tpu.memory_space<vmem>>
        tpu.wait_dma2 semaphore(%arg10 : memref<!tpu.dma_semaphore, #tpu.memory_space<semaphore_mem>>) src(%dma_wait3A_137 : memref<128x128xf32, #tpu.memory_space<vmem>>) dst(%dma_wait3A_133 : memref<128x128xf32, #tpu.memory_space<hbm>>)
      } else {
      }
      %mul3A_91 = arith.constant 128 : i32
      %mul3A_92 = arith.muli %add3A_82, %mul3A_91 : i32
      %dma_start3A_93 = arith.constant 1 : i32
      %dma_start3A_94 = arith.constant 0 : i32
      %dma_start3A_95 = arith.constant 0 : i32
      %dma_start3A_96 = tpu.memref_slice %arg6[%dma_start3A_93, %dma_start3A_94, %dma_start3A_95] : memref<2x128x128xf32, #tpu.memory_space<vmem>> -> memref<1x128x128xf32, #tpu.memory_space<vmem>>
      %dma_start3A_97 = tpu.memref_squeeze %dma_start3A_96 : memref<1x128x128xf32, #tpu.memory_space<vmem>> -> memref<128x128xf32, #tpu.memory_space<vmem>>
      %dma_start3A_98 = tpu.memref_slice %arg5[%mul3A_92] : memref<1280xi32, #tpu.memory_space<vmem>> -> memref<128xi32, #tpu.memory_space<vmem>>
      %dma_start3A_99 = arith.constant 0 : i32
      %dma_start3A_100 = arith.constant 0 : i32
      %dma_start3A_101 = tpu.memref_slice %arg2[%dma_start3A_99, %dma_start3A_100] : memref<4096x128xf32, #tpu.memory_space<hbm>> -> memref<4096x128xf32, #tpu.memory_space<hbm>>
      tpu.enqueue_indirect_dma source(%dma_start3A_101 : memref<4096x128xf32, #tpu.memory_space<hbm>>) target(%dma_start3A_97 : memref<128x128xf32, #tpu.memory_space<vmem>>) offsets(%dma_start3A_98 : memref<128xi32, #tpu.memory_space<vmem>>) semaphore(%arg8 : memref<!tpu.dma_semaphore, #tpu.memory_space<semaphore_mem>>)
      %dma_wait3A_102 = arith.constant 1 : i32
      %dma_wait3A_103 = arith.constant 0 : i32
      %dma_wait3A_104 = arith.constant 0 : i32
      %dma_wait3A_105 = tpu.memref_slice %arg6[%dma_wait3A_102, %dma_wait3A_103, %dma_wait3A_104] : memref<2x128x128xf32, #tpu.memory_space<vmem>> -> memref<1x128x128xf32, #tpu.memory_space<vmem>>
      %dma_wait3A_106 = tpu.memref_squeeze %dma_wait3A_105 : memref<1x128x128xf32, #tpu.memory_space<vmem>> -> memref<128x128xf32, #tpu.memory_space<vmem>>
      %dma_wait3A_107 = tpu.memref_slice %arg5[%mul3A_92] : memref<1280xi32, #tpu.memory_space<vmem>> -> memref<128xi32, #tpu.memory_space<vmem>>
      %dma_wait3A_108 = arith.constant 0 : i32
      %dma_wait3A_109 = arith.constant 0 : i32
      %dma_wait3A_110 = tpu.memref_slice %arg2[%dma_wait3A_108, %dma_wait3A_109] : memref<4096x128xf32, #tpu.memory_space<hbm>> -> memref<4096x128xf32, #tpu.memory_space<hbm>>
      tpu.wait_indirect_dma semaphore(%arg8 : memref<!tpu.dma_semaphore, #tpu.memory_space<semaphore_mem>>) src(%dma_wait3A_110 : memref<4096x128xf32, #tpu.memory_space<hbm>>) dst(%dma_wait3A_106 : memref<128x128xf32, #tpu.memory_space<vmem>>)
      %dma_start3A_111 = arith.constant 1 : i32
      %dma_start3A_112 = arith.constant 0 : i32
      %dma_start3A_113 = arith.constant 0 : i32
      %dma_start3A_114 = tpu.memref_slice %arg6[%dma_start3A_111, %dma_start3A_112, %dma_start3A_113] : memref<2x128x128xf32, #tpu.memory_space<vmem>> -> memref<1x128x128xf32, #tpu.memory_space<vmem>>
      %dma_start3A_115 = tpu.memref_squeeze %dma_start3A_114 : memref<1x128x128xf32, #tpu.memory_space<vmem>> -> memref<128x128xf32, #tpu.memory_space<vmem>>
      %dma_start3A_116 = arith.constant 0 : i32
      %dma_start3A_117 = tpu.memref_slice %arg4[%add3A_85, %dma_start3A_116] : memref<40960x128xf32, #tpu.memory_space<hbm>> -> memref<128x128xf32, #tpu.memory_space<hbm>>
      %dma_start3A_118 = arith.constant 0 : i32
      %dma_start3A_119 = tpu.memref_slice %arg4[%add3A_85, %dma_start3A_118] : memref<40960x128xf32, #tpu.memory_space<hbm>> -> memref<128x128xf32, #tpu.memory_space<hbm>>
      %dma_start3A_120 = arith.constant 0 : i32
      %dma_start3A_121 = arith.constant 0 : i32
      %dma_start3A_122 = tpu.memref_slice %arg6[%dma_start3A_111, %dma_start3A_120, %dma_start3A_121] : memref<2x128x128xf32, #tpu.memory_space<vmem>> -> memref<1x128x128xf32, #tpu.memory_space<vmem>>
      %dma_start3A_123 = tpu.memref_squeeze %dma_start3A_122 : memref<1x128x128xf32, #tpu.memory_space<vmem>> -> memref<128x128xf32, #tpu.memory_space<vmem>>
      tpu.enqueue_dma source(%dma_start3A_123 : memref<128x128xf32, #tpu.memory_space<vmem>>) target(%dma_start3A_119 : memref<128x128xf32, #tpu.memory_space<hbm>>) target_semaphore(%arg10 : memref<!tpu.dma_semaphore, #tpu.memory_space<semaphore_mem>>)
    }
    %scan3A_7 = arith.constant 5 : i32
    %add3A_8 = arith.constant 1024 : i32
    %add3A_9 = arith.addi %mul3A_2, %add3A_8 : i32
    %dma_wait3A = arith.constant 0 : i32
    %dma_wait3A_10 = arith.constant 0 : i32
    %dma_wait3A_11 = arith.constant 0 : i32
    %dma_wait3A_12 = tpu.memref_slice %arg6[%dma_wait3A, %dma_wait3A_10, %dma_wait3A_11] : memref<2x128x128xf32, #tpu.memory_space<vmem>> -> memref<1x128x128xf32, #tpu.memory_space<vmem>>
    %dma_wait3A_13 = tpu.memref_squeeze %dma_wait3A_12 : memref<1x128x128xf32, #tpu.memory_space<vmem>> -> memref<128x128xf32, #tpu.memory_space<vmem>>
    %dma_wait3A_14 = arith.constant 0 : i32
    %dma_wait3A_15 = tpu.memref_slice %arg4[%add3A_9, %dma_wait3A_14] : memref<40960x128xf32, #tpu.memory_space<hbm>> -> memref<128x128xf32, #tpu.memory_space<hbm>>
    %dma_wait3A_16 = arith.constant 0 : i32
    %dma_wait3A_17 = tpu.memref_slice %arg4[%add3A_9, %dma_wait3A_16] : memref<40960x128xf32, #tpu.memory_space<hbm>> -> memref<128x128xf32, #tpu.memory_space<hbm>>
    %dma_wait3A_18 = arith.constant 0 : i32
    %dma_wait3A_19 = arith.constant 0 : i32
    %dma_wait3A_20 = tpu.memref_slice %arg6[%dma_wait3A, %dma_wait3A_18, %dma_wait3A_19] : memref<2x128x128xf32, #tpu.memory_space<vmem>> -> memref<1x128x128xf32, #tpu.memory_space<vmem>>
    %dma_wait3A_21 = tpu.memref_squeeze %dma_wait3A_20 : memref<1x128x128xf32, #tpu.memory_space<vmem>> -> memref<128x128xf32, #tpu.memory_space<vmem>>
    tpu.wait_dma2 semaphore(%arg9 : memref<!tpu.dma_semaphore, #tpu.memory_space<semaphore_mem>>) src(%dma_wait3A_21 : memref<128x128xf32, #tpu.memory_space<vmem>>) dst(%dma_wait3A_17 : memref<128x128xf32, #tpu.memory_space<hbm>>)
    %add3A_22 = arith.constant 1152 : i32
    %add3A_23 = arith.addi %mul3A_2, %add3A_22 : i32
    %dma_wait3A_24 = arith.constant 1 : i32
    %dma_wait3A_25 = arith.constant 0 : i32
    %dma_wait3A_26 = arith.constant 0 : i32
    %dma_wait3A_27 = tpu.memref_slice %arg6[%dma_wait3A_24, %dma_wait3A_25, %dma_wait3A_26] : memref<2x128x128xf32, #tpu.memory_space<vmem>> -> memref<1x128x128xf32, #tpu.memory_space<vmem>>
    %dma_wait3A_28 = tpu.memref_squeeze %dma_wait3A_27 : memref<1x128x128xf32, #tpu.memory_space<vmem>> -> memref<128x128xf32, #tpu.memory_space<vmem>>
    %dma_wait3A_29 = arith.constant 0 : i32
    %dma_wait3A_30 = tpu.memref_slice %arg4[%add3A_23, %dma_wait3A_29] : memref<40960x128xf32, #tpu.memory_space<hbm>> -> memref<128x128xf32, #tpu.memory_space<hbm>>
    %dma_wait3A_31 = arith.constant 0 : i32
    %dma_wait3A_32 = tpu.memref_slice %arg4[%add3A_23, %dma_wait3A_31] : memref<40960x128xf32, #tpu.memory_space<hbm>> -> memref<128x128xf32, #tpu.memory_space<hbm>>
    %dma_wait3A_33 = arith.constant 0 : i32
    %dma_wait3A_34 = arith.constant 0 : i32
    %dma_wait3A_35 = tpu.memref_slice %arg6[%dma_wait3A_24, %dma_wait3A_33, %dma_wait3A_34] : memref<2x128x128xf32, #tpu.memory_space<vmem>> -> memref<1x128x128xf32, #tpu.memory_space<vmem>>
    %dma_wait3A_36 = tpu.memref_squeeze %dma_wait3A_35 : memref<1x128x128xf32, #tpu.memory_space<vmem>> -> memref<128x128xf32, #tpu.memory_space<vmem>>
    tpu.wait_dma2 semaphore(%arg10 : memref<!tpu.dma_semaphore, #tpu.memory_space<semaphore_mem>>) src(%dma_wait3A_36 : memref<128x128xf32, #tpu.memory_space<vmem>>) dst(%dma_wait3A_32 : memref<128x128xf32, #tpu.memory_space<hbm>>)
    return
  }
}

#map = affine_map<(d0, d1) -> (0, 0)>
#map1 = affine_map<(d0, d1) -> (0)>
module attributes {stable_mosaic.version = 14 : i64} {
  func.func @gather_v(%arg0: i32, %arg1: i32, %arg2: memref<4096x128xf32, #tpu.memory_space<hbm>>, %arg3: memref<40960xi32, #tpu.memory_space<hbm>>, %arg4: memref<40960x128xf32, #tpu.memory_space<hbm>>, %arg5: memref<1280xi32, #tpu.memory_space<vmem>>, %arg6: memref<2x128x128xf32, #tpu.memory_space<vmem>>, %arg7: memref<!tpu.dma_semaphore, #tpu.memory_space<semaphore_mem>>, %arg8: memref<!tpu.dma_semaphore, #tpu.memory_space<semaphore_mem>>, %arg9: memref<!tpu.dma_semaphore, #tpu.memory_space<semaphore_mem>>, %arg10: memref<!tpu.dma_semaphore, #tpu.memory_space<semaphore_mem>>) attributes {dimension_semantics = [#tpu.dimension_semantics<core_parallel>, #tpu.dimension_semantics<subcore_parallel>], iteration_bounds = array<i64: 2, 16>, scalar_prefetch = 0 : i64, scratch_operands = 6 : i64, tpu.core_type = #tpu.core_type<sc_vector_subcore>, window_params = [{transform_indices = #map}, {transform_indices = #map1}, {transform_indices = #map}]} {
    %mul3A = arith.constant 2 : i32
    %mul3A_0 = arith.muli %arg1, %mul3A : i32
    %add3A = arith.addi %mul3A_0, %arg0 : i32
    %mul3A_1 = arith.constant 1280 : i32
    %mul3A_2 = arith.muli %add3A, %mul3A_1 : i32
    "tpu.region"() ({
      %run_scoped3A = tpu.sem_alloc : memref<!tpu.dma_semaphore, #tpu.memory_space<semaphore_mem>>
      %dma_start3A = tpu.memref_slice %arg3[%mul3A_2] : memref<40960xi32, #tpu.memory_space<hbm>> -> memref<1280xi32, #tpu.memory_space<hbm>>
      %dma_start3A_37 = tpu.memref_slice %arg3[%mul3A_2] : memref<40960xi32, #tpu.memory_space<hbm>> -> memref<1280xi32, #tpu.memory_space<hbm>>
      tpu.enqueue_dma source(%dma_start3A_37 : memref<1280xi32, #tpu.memory_space<hbm>>) target(%arg5 : memref<1280xi32, #tpu.memory_space<vmem>>) target_semaphore(%run_scoped3A : memref<!tpu.dma_semaphore, #tpu.memory_space<semaphore_mem>>)
      %dma_wait3A_38 = tpu.memref_slice %arg3[%mul3A_2] : memref<40960xi32, #tpu.memory_space<hbm>> -> memref<1280xi32, #tpu.memory_space<hbm>>
      %dma_wait3A_39 = tpu.memref_slice %arg3[%mul3A_2] : memref<40960xi32, #tpu.memory_space<hbm>> -> memref<1280xi32, #tpu.memory_space<hbm>>
      tpu.wait_dma2 semaphore(%run_scoped3A : memref<!tpu.dma_semaphore, #tpu.memory_space<semaphore_mem>>) src(%dma_wait3A_39 : memref<1280xi32, #tpu.memory_space<hbm>>) dst(%arg5 : memref<1280xi32, #tpu.memory_space<vmem>>)
      tpu.yield
    }) : () -> ()
    %scan3A = arith.constant 0 : i32
    %scan3A_3 = arith.constant 0 : i32
    %scan3A_4 = arith.constant 5 : i32
    %scan3A_5 = arith.addi %scan3A_3, %scan3A_4 : i32
    %scan3A_6 = arith.constant 1 : i32
    scf.for %scan3A_37 = %scan3A_3 to %scan3A_5 step %scan3A_6  : i32 {
      %mul3A_38 = arith.constant 2 : i32
      %mul3A_39 = arith.muli %scan3A_37, %mul3A_38 : i32
      %add3A_40 = arith.constant 0 : i32
      %add3A_41 = arith.addi %mul3A_39, %add3A_40 : i32
      %mul3A_42 = arith.constant 128 : i32
      %mul3A_43 = arith.muli %add3A_41, %mul3A_42 : i32
      %add3A_44 = arith.addi %mul3A_2, %mul3A_43 : i32
      %gt3A = arith.constant 0 : i32
      %gt3A_45 = arith.cmpi sgt, %scan3A_37, %gt3A : i32
      %convert_element_type3A = arith.extui %gt3A_45 : i1 to i32
      %cond3A = arith.constant 0 : i32
      %cond3A_46 = arith.cmpi ne, %convert_element_type3A, %cond3A : i32
      scf.if %cond3A_46 {
        %sub3A = arith.constant 256 : i32
        %sub3A_124 = arith.subi %add3A_44, %sub3A : i32
        %dma_wait3A_125 = arith.constant 0 : i32
        %dma_wait3A_126 = arith.constant 0 : i32
        %dma_wait3A_127 = arith.constant 0 : i32
        %dma_wait3A_128 = tpu.memref_slice %arg6[%dma_wait3A_125, %dma_wait3A_126, %dma_wait3A_127] : memref<2x128x128xf32, #tpu.memory_space<vmem>> -> memref<1x128x128xf32, #tpu.memory_space<vmem>>
        %dma_wait3A_129 = tpu.memref_squeeze %dma_wait3A_128 : memref<1x128x128xf32, #tpu.memory_space<vmem>> -> memref<128x128xf32, #tpu.memory_space<vmem>>
        %dma_wait3A_130 = arith.constant 0 : i32
        %dma_wait3A_131 = tpu.memref_slice %arg4[%sub3A_124, %dma_wait3A_130] : memref<40960x128xf32, #tpu.memory_space<hbm>> -> memref<128x128xf32, #tpu.memory_space<hbm>>
        %dma_wait3A_132 = arith.constant 0 : i32
        %dma_wait3A_133 = tpu.memref_slice %arg4[%sub3A_124, %dma_wait3A_132] : memref<40960x128xf32, #tpu.memory_space<hbm>> -> memref<128x128xf32, #tpu.memory_space<hbm>>
        %dma_wait3A_134 = arith.constant 0 : i32
        %dma_wait3A_135 = arith.constant 0 : i32
        %dma_wait3A_136 = tpu.memref_slice %arg6[%dma_wait3A_125, %dma_wait3A_134, %dma_wait3A_135] : memref<2x128x128xf32, #tpu.memory_space<vmem>> -> memref<1x128x128xf32, #tpu.memory_space<vmem>>
        %dma_wait3A_137 = tpu.memref_squeeze %dma_wait3A_136 : memref<1x128x128xf32, #tpu.memory_space<vmem>> -> memref<128x128xf32, #tpu.memory_space<vmem>>
        tpu.wait_dma2 semaphore(%arg9 : memref<!tpu.dma_semaphore, #tpu.memory_space<semaphore_mem>>) src(%dma_wait3A_137 : memref<128x128xf32, #tpu.memory_space<vmem>>) dst(%dma_wait3A_133 : memref<128x128xf32, #tpu.memory_space<hbm>>)
      } else {
      }
      %mul3A_47 = arith.constant 128 : i32
      %mul3A_48 = arith.muli %add3A_41, %mul3A_47 : i32
      %dma_start3A = arith.constant 0 : i32
      %dma_start3A_49 = arith.constant 0 : i32
      %dma_start3A_50 = arith.constant 0 : i32
      %dma_start3A_51 = tpu.memref_slice %arg6[%dma_start3A, %dma_start3A_49, %dma_start3A_50] : memref<2x128x128xf32, #tpu.memory_space<vmem>> -> memref<1x128x128xf32, #tpu.memory_space<vmem>>
      %dma_start3A_52 = tpu.memref_squeeze %dma_start3A_51 : memref<1x128x128xf32, #tpu.memory_space<vmem>> -> memref<128x128xf32, #tpu.memory_space<vmem>>
      %dma_start3A_53 = tpu.memref_slice %arg5[%mul3A_48] : memref<1280xi32, #tpu.memory_space<vmem>> -> memref<128xi32, #tpu.memory_space<vmem>>
      %dma_start3A_54 = arith.constant 0 : i32
      %dma_start3A_55 = arith.constant 0 : i32
      %dma_start3A_56 = tpu.memref_slice %arg2[%dma_start3A_54, %dma_start3A_55] : memref<4096x128xf32, #tpu.memory_space<hbm>> -> memref<4096x128xf32, #tpu.memory_space<hbm>>
      tpu.enqueue_indirect_dma source(%dma_start3A_56 : memref<4096x128xf32, #tpu.memory_space<hbm>>) target(%dma_start3A_52 : memref<128x128xf32, #tpu.memory_space<vmem>>) offsets(%dma_start3A_53 : memref<128xi32, #tpu.memory_space<vmem>>) semaphore(%arg7 : memref<!tpu.dma_semaphore, #tpu.memory_space<semaphore_mem>>)
      %dma_wait3A_57 = arith.constant 0 : i32
      %dma_wait3A_58 = arith.constant 0 : i32
      %dma_wait3A_59 = arith.constant 0 : i32
      %dma_wait3A_60 = tpu.memref_slice %arg6[%dma_wait3A_57, %dma_wait3A_58, %dma_wait3A_59] : memref<2x128x128xf32, #tpu.memory_space<vmem>> -> memref<1x128x128xf32, #tpu.memory_space<vmem>>
      %dma_wait3A_61 = tpu.memref_squeeze %dma_wait3A_60 : memref<1x128x128xf32, #tpu.memory_space<vmem>> -> memref<128x128xf32, #tpu.memory_space<vmem>>
      %dma_wait3A_62 = tpu.memref_slice %arg5[%mul3A_48] : memref<1280xi32, #tpu.memory_space<vmem>> -> memref<128xi32, #tpu.memory_space<vmem>>
      %dma_wait3A_63 = arith.constant 0 : i32
      %dma_wait3A_64 = arith.constant 0 : i32
      %dma_wait3A_65 = tpu.memref_slice %arg2[%dma_wait3A_63, %dma_wait3A_64] : memref<4096x128xf32, #tpu.memory_space<hbm>> -> memref<4096x128xf32, #tpu.memory_space<hbm>>
      tpu.wait_indirect_dma semaphore(%arg7 : memref<!tpu.dma_semaphore, #tpu.memory_space<semaphore_mem>>) src(%dma_wait3A_65 : memref<4096x128xf32, #tpu.memory_space<hbm>>) dst(%dma_wait3A_61 : memref<128x128xf32, #tpu.memory_space<vmem>>)
      %dma_start3A_66 = arith.constant 0 : i32
      %dma_start3A_67 = arith.constant 0 : i32
      %dma_start3A_68 = arith.constant 0 : i32
      %dma_start3A_69 = tpu.memref_slice %arg6[%dma_start3A_66, %dma_start3A_67, %dma_start3A_68] : memref<2x128x128xf32, #tpu.memory_space<vmem>> -> memref<1x128x128xf32, #tpu.memory_space<vmem>>
      %dma_start3A_70 = tpu.memref_squeeze %dma_start3A_69 : memref<1x128x128xf32, #tpu.memory_space<vmem>> -> memref<128x128xf32, #tpu.memory_space<vmem>>
      %dma_start3A_71 = arith.constant 0 : i32
      %dma_start3A_72 = tpu.memref_slice %arg4[%add3A_44, %dma_start3A_71] : memref<40960x128xf32, #tpu.memory_space<hbm>> -> memref<128x128xf32, #tpu.memory_space<hbm>>
      %dma_start3A_73 = arith.constant 0 : i32
      %dma_start3A_74 = tpu.memref_slice %arg4[%add3A_44, %dma_start3A_73] : memref<40960x128xf32, #tpu.memory_space<hbm>> -> memref<128x128xf32, #tpu.memory_space<hbm>>
      %dma_start3A_75 = arith.constant 0 : i32
      %dma_start3A_76 = arith.constant 0 : i32
      %dma_start3A_77 = tpu.memref_slice %arg6[%dma_start3A_66, %dma_start3A_75, %dma_start3A_76] : memref<2x128x128xf32, #tpu.memory_space<vmem>> -> memref<1x128x128xf32, #tpu.memory_space<vmem>>
      %dma_start3A_78 = tpu.memref_squeeze %dma_start3A_77 : memref<1x128x128xf32, #tpu.memory_space<vmem>> -> memref<128x128xf32, #tpu.memory_space<vmem>>
      tpu.enqueue_dma source(%dma_start3A_78 : memref<128x128xf32, #tpu.memory_space<vmem>>) target(%dma_start3A_74 : memref<128x128xf32, #tpu.memory_space<hbm>>) target_semaphore(%arg9 : memref<!tpu.dma_semaphore, #tpu.memory_space<semaphore_mem>>)
      %mul3A_79 = arith.constant 2 : i32
      %mul3A_80 = arith.muli %scan3A_37, %mul3A_79 : i32
      %add3A_81 = arith.constant 1 : i32
      %add3A_82 = arith.addi %mul3A_80, %add3A_81 : i32
      %mul3A_83 = arith.constant 128 : i32
      %mul3A_84 = arith.muli %add3A_82, %mul3A_83 : i32
      %add3A_85 = arith.addi %mul3A_2, %mul3A_84 : i32
      %gt3A_86 = arith.constant 0 : i32
      %gt3A_87 = arith.cmpi sgt, %scan3A_37, %gt3A_86 : i32
      %convert_element_type3A_88 = arith.extui %gt3A_87 : i1 to i32
      %cond3A_89 = arith.constant 0 : i32
      %cond3A_90 = arith.cmpi ne, %convert_element_type3A_88, %cond3A_89 : i32
      scf.if %cond3A_90 {
        %sub3A = arith.constant 256 : i32
        %sub3A_124 = arith.subi %add3A_85, %sub3A : i32
        %dma_wait3A_125 = arith.constant 1 : i32
        %dma_wait3A_126 = arith.constant 0 : i32
        %dma_wait3A_127 = arith.constant 0 : i32
        %dma_wait3A_128 = tpu.memref_slice %arg6[%dma_wait3A_125, %dma_wait3A_126, %dma_wait3A_127] : memref<2x128x128xf32, #tpu.memory_space<vmem>> -> memref<1x128x128xf32, #tpu.memory_space<vmem>>
        %dma_wait3A_129 = tpu.memref_squeeze %dma_wait3A_128 : memref<1x128x128xf32, #tpu.memory_space<vmem>> -> memref<128x128xf32, #tpu.memory_space<vmem>>
        %dma_wait3A_130 = arith.constant 0 : i32
        %dma_wait3A_131 = tpu.memref_slice %arg4[%sub3A_124, %dma_wait3A_130] : memref<40960x128xf32, #tpu.memory_space<hbm>> -> memref<128x128xf32, #tpu.memory_space<hbm>>
        %dma_wait3A_132 = arith.constant 0 : i32
        %dma_wait3A_133 = tpu.memref_slice %arg4[%sub3A_124, %dma_wait3A_132] : memref<40960x128xf32, #tpu.memory_space<hbm>> -> memref<128x128xf32, #tpu.memory_space<hbm>>
        %dma_wait3A_134 = arith.constant 0 : i32
        %dma_wait3A_135 = arith.constant 0 : i32
        %dma_wait3A_136 = tpu.memref_slice %arg6[%dma_wait3A_125, %dma_wait3A_134, %dma_wait3A_135] : memref<2x128x128xf32, #tpu.memory_space<vmem>> -> memref<1x128x128xf32, #tpu.memory_space<vmem>>
        %dma_wait3A_137 = tpu.memref_squeeze %dma_wait3A_136 : memref<1x128x128xf32, #tpu.memory_space<vmem>> -> memref<128x128xf32, #tpu.memory_space<vmem>>
        tpu.wait_dma2 semaphore(%arg10 : memref<!tpu.dma_semaphore, #tpu.memory_space<semaphore_mem>>) src(%dma_wait3A_137 : memref<128x128xf32, #tpu.memory_space<vmem>>) dst(%dma_wait3A_133 : memref<128x128xf32, #tpu.memory_space<hbm>>)
      } else {
      }
      %mul3A_91 = arith.constant 128 : i32
      %mul3A_92 = arith.muli %add3A_82, %mul3A_91 : i32
      %dma_start3A_93 = arith.constant 1 : i32
      %dma_start3A_94 = arith.constant 0 : i32
      %dma_start3A_95 = arith.constant 0 : i32
      %dma_start3A_96 = tpu.memref_slice %arg6[%dma_start3A_93, %dma_start3A_94, %dma_start3A_95] : memref<2x128x128xf32, #tpu.memory_space<vmem>> -> memref<1x128x128xf32, #tpu.memory_space<vmem>>
      %dma_start3A_97 = tpu.memref_squeeze %dma_start3A_96 : memref<1x128x128xf32, #tpu.memory_space<vmem>> -> memref<128x128xf32, #tpu.memory_space<vmem>>
      %dma_start3A_98 = tpu.memref_slice %arg5[%mul3A_92] : memref<1280xi32, #tpu.memory_space<vmem>> -> memref<128xi32, #tpu.memory_space<vmem>>
      %dma_start3A_99 = arith.constant 0 : i32
      %dma_start3A_100 = arith.constant 0 : i32
      %dma_start3A_101 = tpu.memref_slice %arg2[%dma_start3A_99, %dma_start3A_100] : memref<4096x128xf32, #tpu.memory_space<hbm>> -> memref<4096x128xf32, #tpu.memory_space<hbm>>
      tpu.enqueue_indirect_dma source(%dma_start3A_101 : memref<4096x128xf32, #tpu.memory_space<hbm>>) target(%dma_start3A_97 : memref<128x128xf32, #tpu.memory_space<vmem>>) offsets(%dma_start3A_98 : memref<128xi32, #tpu.memory_space<vmem>>) semaphore(%arg8 : memref<!tpu.dma_semaphore, #tpu.memory_space<semaphore_mem>>)
      %dma_wait3A_102 = arith.constant 1 : i32
      %dma_wait3A_103 = arith.constant 0 : i32
      %dma_wait3A_104 = arith.constant 0 : i32
      %dma_wait3A_105 = tpu.memref_slice %arg6[%dma_wait3A_102, %dma_wait3A_103, %dma_wait3A_104] : memref<2x128x128xf32, #tpu.memory_space<vmem>> -> memref<1x128x128xf32, #tpu.memory_space<vmem>>
      %dma_wait3A_106 = tpu.memref_squeeze %dma_wait3A_105 : memref<1x128x128xf32, #tpu.memory_space<vmem>> -> memref<128x128xf32, #tpu.memory_space<vmem>>
      %dma_wait3A_107 = tpu.memref_slice %arg5[%mul3A_92] : memref<1280xi32, #tpu.memory_space<vmem>> -> memref<128xi32, #tpu.memory_space<vmem>>
      %dma_wait3A_108 = arith.constant 0 : i32
      %dma_wait3A_109 = arith.constant 0 : i32
      %dma_wait3A_110 = tpu.memref_slice %arg2[%dma_wait3A_108, %dma_wait3A_109] : memref<4096x128xf32, #tpu.memory_space<hbm>> -> memref<4096x128xf32, #tpu.memory_space<hbm>>
      tpu.wait_indirect_dma semaphore(%arg8 : memref<!tpu.dma_semaphore, #tpu.memory_space<semaphore_mem>>) src(%dma_wait3A_110 : memref<4096x128xf32, #tpu.memory_space<hbm>>) dst(%dma_wait3A_106 : memref<128x128xf32, #tpu.memory_space<vmem>>)
      %dma_start3A_111 = arith.constant 1 : i32
      %dma_start3A_112 = arith.constant 0 : i32
      %dma_start3A_113 = arith.constant 0 : i32
      %dma_start3A_114 = tpu.memref_slice %arg6[%dma_start3A_111, %dma_start3A_112, %dma_start3A_113] : memref<2x128x128xf32, #tpu.memory_space<vmem>> -> memref<1x128x128xf32, #tpu.memory_space<vmem>>
      %dma_start3A_115 = tpu.memref_squeeze %dma_start3A_114 : memref<1x128x128xf32, #tpu.memory_space<vmem>> -> memref<128x128xf32, #tpu.memory_space<vmem>>
      %dma_start3A_116 = arith.constant 0 : i32
      %dma_start3A_117 = tpu.memref_slice %arg4[%add3A_85, %dma_start3A_116] : memref<40960x128xf32, #tpu.memory_space<hbm>> -> memref<128x128xf32, #tpu.memory_space<hbm>>
      %dma_start3A_118 = arith.constant 0 : i32
      %dma_start3A_119 = tpu.memref_slice %arg4[%add3A_85, %dma_start3A_118] : memref<40960x128xf32, #tpu.memory_space<hbm>> -> memref<128x128xf32, #tpu.memory_space<hbm>>
      %dma_start3A_120 = arith.constant 0 : i32
      %dma_start3A_121 = arith.constant 0 : i32
      %dma_start3A_122 = tpu.memref_slice %arg6[%dma_start3A_111, %dma_start3A_120, %dma_start3A_121] : memref<2x128x128xf32, #tpu.memory_space<vmem>> -> memref<1x128x128xf32, #tpu.memory_space<vmem>>
      %dma_start3A_123 = tpu.memref_squeeze %dma_start3A_122 : memref<1x128x128xf32, #tpu.memory_space<vmem>> -> memref<128x128xf32, #tpu.memory_space<vmem>>
      tpu.enqueue_dma source(%dma_start3A_123 : memref<128x128xf32, #tpu.memory_space<vmem>>) target(%dma_start3A_119 : memref<128x128xf32, #tpu.memory_space<hbm>>) target_semaphore(%arg10 : memref<!tpu.dma_semaphore, #tpu.memory_space<semaphore_mem>>)
    }
    %scan3A_7 = arith.constant 5 : i32
    %add3A_8 = arith.constant 1024 : i32
    %add3A_9 = arith.addi %mul3A_2, %add3A_8 : i32
    %dma_wait3A = arith.constant 0 : i32
    %dma_wait3A_10 = arith.constant 0 : i32
    %dma_wait3A_11 = arith.constant 0 : i32
    %dma_wait3A_12 = tpu.memref_slice %arg6[%dma_wait3A, %dma_wait3A_10, %dma_wait3A_11] : memref<2x128x128xf32, #tpu.memory_space<vmem>> -> memref<1x128x128xf32, #tpu.memory_space<vmem>>
    %dma_wait3A_13 = tpu.memref_squeeze %dma_wait3A_12 : memref<1x128x128xf32, #tpu.memory_space<vmem>> -> memref<128x128xf32, #tpu.memory_space<vmem>>
    %dma_wait3A_14 = arith.constant 0 : i32
    %dma_wait3A_15 = tpu.memref_slice %arg4[%add3A_9, %dma_wait3A_14] : memref<40960x128xf32, #tpu.memory_space<hbm>> -> memref<128x128xf32, #tpu.memory_space<hbm>>
    %dma_wait3A_16 = arith.constant 0 : i32
    %dma_wait3A_17 = tpu.memref_slice %arg4[%add3A_9, %dma_wait3A_16] : memref<40960x128xf32, #tpu.memory_space<hbm>> -> memref<128x128xf32, #tpu.memory_space<hbm>>
    %dma_wait3A_18 = arith.constant 0 : i32
    %dma_wait3A_19 = arith.constant 0 : i32
    %dma_wait3A_20 = tpu.memref_slice %arg6[%dma_wait3A, %dma_wait3A_18, %dma_wait3A_19] : memref<2x128x128xf32, #tpu.memory_space<vmem>> -> memref<1x128x128xf32, #tpu.memory_space<vmem>>
    %dma_wait3A_21 = tpu.memref_squeeze %dma_wait3A_20 : memref<1x128x128xf32, #tpu.memory_space<vmem>> -> memref<128x128xf32, #tpu.memory_space<vmem>>
    tpu.wait_dma2 semaphore(%arg9 : memref<!tpu.dma_semaphore, #tpu.memory_space<semaphore_mem>>) src(%dma_wait3A_21 : memref<128x128xf32, #tpu.memory_space<vmem>>) dst(%dma_wait3A_17 : memref<128x128xf32, #tpu.memory_space<hbm>>)
    %add3A_22 = arith.constant 1152 : i32
    %add3A_23 = arith.addi %mul3A_2, %add3A_22 : i32
    %dma_wait3A_24 = arith.constant 1 : i32
    %dma_wait3A_25 = arith.constant 0 : i32
    %dma_wait3A_26 = arith.constant 0 : i32
    %dma_wait3A_27 = tpu.memref_slice %arg6[%dma_wait3A_24, %dma_wait3A_25, %dma_wait3A_26] : memref<2x128x128xf32, #tpu.memory_space<vmem>> -> memref<1x128x128xf32, #tpu.memory_space<vmem>>
    %dma_wait3A_28 = tpu.memref_squeeze %dma_wait3A_27 : memref<1x128x128xf32, #tpu.memory_space<vmem>> -> memref<128x128xf32, #tpu.memory_space<vmem>>
    %dma_wait3A_29 = arith.constant 0 : i32
    %dma_wait3A_30 = tpu.memref_slice %arg4[%add3A_23, %dma_wait3A_29] : memref<40960x128xf32, #tpu.memory_space<hbm>> -> memref<128x128xf32, #tpu.memory_space<hbm>>
    %dma_wait3A_31 = arith.constant 0 : i32
    %dma_wait3A_32 = tpu.memref_slice %arg4[%add3A_23, %dma_wait3A_31] : memref<40960x128xf32, #tpu.memory_space<hbm>> -> memref<128x128xf32, #tpu.memory_space<hbm>>
    %dma_wait3A_33 = arith.constant 0 : i32
    %dma_wait3A_34 = arith.constant 0 : i32
    %dma_wait3A_35 = tpu.memref_slice %arg6[%dma_wait3A_24, %dma_wait3A_33, %dma_wait3A_34] : memref<2x128x128xf32, #tpu.memory_space<vmem>> -> memref<1x128x128xf32, #tpu.memory_space<vmem>>
    %dma_wait3A_36 = tpu.memref_squeeze %dma_wait3A_35 : memref<1x128x128xf32, #tpu.memory_space<vmem>> -> memref<128x128xf32, #tpu.memory_space<vmem>>
    tpu.wait_dma2 semaphore(%arg10 : memref<!tpu.dma_semaphore, #tpu.memory_space<semaphore_mem>>) src(%dma_wait3A_36 : memref<128x128xf32, #tpu.memory_space<vmem>>) dst(%dma_wait3A_32 : memref<128x128xf32, #tpu.memory_space<hbm>>)
    return
  }
}

#map = affine_map<(d0, d1) -> (0, 0)>
#map1 = affine_map<(d0, d1) -> (0)>
module attributes {stable_mosaic.version = 14 : i64} {
  func.func @gather_v(%arg0: i32, %arg1: i32, %arg2: memref<4096x128xf32, #tpu.memory_space<hbm>>, %arg3: memref<40960xi32, #tpu.memory_space<hbm>>, %arg4: memref<40960x128xf32, #tpu.memory_space<hbm>>, %arg5: memref<1280xi32, #tpu.memory_space<vmem>>, %arg6: memref<2x128x128xf32, #tpu.memory_space<vmem>>, %arg7: memref<!tpu.dma_semaphore, #tpu.memory_space<semaphore_mem>>, %arg8: memref<!tpu.dma_semaphore, #tpu.memory_space<semaphore_mem>>, %arg9: memref<!tpu.dma_semaphore, #tpu.memory_space<semaphore_mem>>, %arg10: memref<!tpu.dma_semaphore, #tpu.memory_space<semaphore_mem>>) attributes {dimension_semantics = [#tpu.dimension_semantics<core_parallel>, #tpu.dimension_semantics<subcore_parallel>], iteration_bounds = array<i64: 2, 16>, scalar_prefetch = 0 : i64, scratch_operands = 6 : i64, tpu.core_type = #tpu.core_type<sc_vector_subcore>, window_params = [{transform_indices = #map}, {transform_indices = #map1}, {transform_indices = #map}]} {
    %mul3A = arith.constant 2 : i32
    %mul3A_0 = arith.muli %arg1, %mul3A : i32
    %add3A = arith.addi %mul3A_0, %arg0 : i32
    %mul3A_1 = arith.constant 1280 : i32
    %mul3A_2 = arith.muli %add3A, %mul3A_1 : i32
    "tpu.region"() ({
      %run_scoped3A = tpu.sem_alloc : memref<!tpu.dma_semaphore, #tpu.memory_space<semaphore_mem>>
      %dma_start3A = tpu.memref_slice %arg3[%mul3A_2] : memref<40960xi32, #tpu.memory_space<hbm>> -> memref<1280xi32, #tpu.memory_space<hbm>>
      %dma_start3A_37 = tpu.memref_slice %arg3[%mul3A_2] : memref<40960xi32, #tpu.memory_space<hbm>> -> memref<1280xi32, #tpu.memory_space<hbm>>
      tpu.enqueue_dma source(%dma_start3A_37 : memref<1280xi32, #tpu.memory_space<hbm>>) target(%arg5 : memref<1280xi32, #tpu.memory_space<vmem>>) target_semaphore(%run_scoped3A : memref<!tpu.dma_semaphore, #tpu.memory_space<semaphore_mem>>)
      %dma_wait3A_38 = tpu.memref_slice %arg3[%mul3A_2] : memref<40960xi32, #tpu.memory_space<hbm>> -> memref<1280xi32, #tpu.memory_space<hbm>>
      %dma_wait3A_39 = tpu.memref_slice %arg3[%mul3A_2] : memref<40960xi32, #tpu.memory_space<hbm>> -> memref<1280xi32, #tpu.memory_space<hbm>>
      tpu.wait_dma2 semaphore(%run_scoped3A : memref<!tpu.dma_semaphore, #tpu.memory_space<semaphore_mem>>) src(%dma_wait3A_39 : memref<1280xi32, #tpu.memory_space<hbm>>) dst(%arg5 : memref<1280xi32, #tpu.memory_space<vmem>>)
      tpu.yield
    }) : () -> ()
    %scan3A = arith.constant 0 : i32
    %scan3A_3 = arith.constant 0 : i32
    %scan3A_4 = arith.constant 5 : i32
    %scan3A_5 = arith.addi %scan3A_3, %scan3A_4 : i32
    %scan3A_6 = arith.constant 1 : i32
    scf.for %scan3A_37 = %scan3A_3 to %scan3A_5 step %scan3A_6  : i32 {
      %mul3A_38 = arith.constant 2 : i32
      %mul3A_39 = arith.muli %scan3A_37, %mul3A_38 : i32
      %add3A_40 = arith.constant 0 : i32
      %add3A_41 = arith.addi %mul3A_39, %add3A_40 : i32
      %mul3A_42 = arith.constant 128 : i32
      %mul3A_43 = arith.muli %add3A_41, %mul3A_42 : i32
      %add3A_44 = arith.addi %mul3A_2, %mul3A_43 : i32
      %gt3A = arith.constant 0 : i32
      %gt3A_45 = arith.cmpi sgt, %scan3A_37, %gt3A : i32
      %convert_element_type3A = arith.extui %gt3A_45 : i1 to i32
      %cond3A = arith.constant 0 : i32
      %cond3A_46 = arith.cmpi ne, %convert_element_type3A, %cond3A : i32
      scf.if %cond3A_46 {
        %sub3A = arith.constant 256 : i32
        %sub3A_124 = arith.subi %add3A_44, %sub3A : i32
        %dma_wait3A_125 = arith.constant 0 : i32
        %dma_wait3A_126 = arith.constant 0 : i32
        %dma_wait3A_127 = arith.constant 0 : i32
        %dma_wait3A_128 = tpu.memref_slice %arg6[%dma_wait3A_125, %dma_wait3A_126, %dma_wait3A_127] : memref<2x128x128xf32, #tpu.memory_space<vmem>> -> memref<1x128x128xf32, #tpu.memory_space<vmem>>
        %dma_wait3A_129 = tpu.memref_squeeze %dma_wait3A_128 : memref<1x128x128xf32, #tpu.memory_space<vmem>> -> memref<128x128xf32, #tpu.memory_space<vmem>>
        %dma_wait3A_130 = arith.constant 0 : i32
        %dma_wait3A_131 = tpu.memref_slice %arg4[%sub3A_124, %dma_wait3A_130] : memref<40960x128xf32, #tpu.memory_space<hbm>> -> memref<128x128xf32, #tpu.memory_space<hbm>>
        %dma_wait3A_132 = arith.constant 0 : i32
        %dma_wait3A_133 = tpu.memref_slice %arg4[%sub3A_124, %dma_wait3A_132] : memref<40960x128xf32, #tpu.memory_space<hbm>> -> memref<128x128xf32, #tpu.memory_space<hbm>>
        %dma_wait3A_134 = arith.constant 0 : i32
        %dma_wait3A_135 = arith.constant 0 : i32
        %dma_wait3A_136 = tpu.memref_slice %arg6[%dma_wait3A_125, %dma_wait3A_134, %dma_wait3A_135] : memref<2x128x128xf32, #tpu.memory_space<vmem>> -> memref<1x128x128xf32, #tpu.memory_space<vmem>>
        %dma_wait3A_137 = tpu.memref_squeeze %dma_wait3A_136 : memref<1x128x128xf32, #tpu.memory_space<vmem>> -> memref<128x128xf32, #tpu.memory_space<vmem>>
        tpu.wait_dma2 semaphore(%arg9 : memref<!tpu.dma_semaphore, #tpu.memory_space<semaphore_mem>>) src(%dma_wait3A_137 : memref<128x128xf32, #tpu.memory_space<vmem>>) dst(%dma_wait3A_133 : memref<128x128xf32, #tpu.memory_space<hbm>>)
      } else {
      }
      %mul3A_47 = arith.constant 128 : i32
      %mul3A_48 = arith.muli %add3A_41, %mul3A_47 : i32
      %dma_start3A = arith.constant 0 : i32
      %dma_start3A_49 = arith.constant 0 : i32
      %dma_start3A_50 = arith.constant 0 : i32
      %dma_start3A_51 = tpu.memref_slice %arg6[%dma_start3A, %dma_start3A_49, %dma_start3A_50] : memref<2x128x128xf32, #tpu.memory_space<vmem>> -> memref<1x128x128xf32, #tpu.memory_space<vmem>>
      %dma_start3A_52 = tpu.memref_squeeze %dma_start3A_51 : memref<1x128x128xf32, #tpu.memory_space<vmem>> -> memref<128x128xf32, #tpu.memory_space<vmem>>
      %dma_start3A_53 = tpu.memref_slice %arg5[%mul3A_48] : memref<1280xi32, #tpu.memory_space<vmem>> -> memref<128xi32, #tpu.memory_space<vmem>>
      %dma_start3A_54 = arith.constant 0 : i32
      %dma_start3A_55 = arith.constant 0 : i32
      %dma_start3A_56 = tpu.memref_slice %arg2[%dma_start3A_54, %dma_start3A_55] : memref<4096x128xf32, #tpu.memory_space<hbm>> -> memref<4096x128xf32, #tpu.memory_space<hbm>>
      tpu.enqueue_indirect_dma source(%dma_start3A_56 : memref<4096x128xf32, #tpu.memory_space<hbm>>) target(%dma_start3A_52 : memref<128x128xf32, #tpu.memory_space<vmem>>) offsets(%dma_start3A_53 : memref<128xi32, #tpu.memory_space<vmem>>) semaphore(%arg7 : memref<!tpu.dma_semaphore, #tpu.memory_space<semaphore_mem>>)
      %dma_wait3A_57 = arith.constant 0 : i32
      %dma_wait3A_58 = arith.constant 0 : i32
      %dma_wait3A_59 = arith.constant 0 : i32
      %dma_wait3A_60 = tpu.memref_slice %arg6[%dma_wait3A_57, %dma_wait3A_58, %dma_wait3A_59] : memref<2x128x128xf32, #tpu.memory_space<vmem>> -> memref<1x128x128xf32, #tpu.memory_space<vmem>>
      %dma_wait3A_61 = tpu.memref_squeeze %dma_wait3A_60 : memref<1x128x128xf32, #tpu.memory_space<vmem>> -> memref<128x128xf32, #tpu.memory_space<vmem>>
      %dma_wait3A_62 = tpu.memref_slice %arg5[%mul3A_48] : memref<1280xi32, #tpu.memory_space<vmem>> -> memref<128xi32, #tpu.memory_space<vmem>>
      %dma_wait3A_63 = arith.constant 0 : i32
      %dma_wait3A_64 = arith.constant 0 : i32
      %dma_wait3A_65 = tpu.memref_slice %arg2[%dma_wait3A_63, %dma_wait3A_64] : memref<4096x128xf32, #tpu.memory_space<hbm>> -> memref<4096x128xf32, #tpu.memory_space<hbm>>
      tpu.wait_indirect_dma semaphore(%arg7 : memref<!tpu.dma_semaphore, #tpu.memory_space<semaphore_mem>>) src(%dma_wait3A_65 : memref<4096x128xf32, #tpu.memory_space<hbm>>) dst(%dma_wait3A_61 : memref<128x128xf32, #tpu.memory_space<vmem>>)
      %dma_start3A_66 = arith.constant 0 : i32
      %dma_start3A_67 = arith.constant 0 : i32
      %dma_start3A_68 = arith.constant 0 : i32
      %dma_start3A_69 = tpu.memref_slice %arg6[%dma_start3A_66, %dma_start3A_67, %dma_start3A_68] : memref<2x128x128xf32, #tpu.memory_space<vmem>> -> memref<1x128x128xf32, #tpu.memory_space<vmem>>
      %dma_start3A_70 = tpu.memref_squeeze %dma_start3A_69 : memref<1x128x128xf32, #tpu.memory_space<vmem>> -> memref<128x128xf32, #tpu.memory_space<vmem>>
      %dma_start3A_71 = arith.constant 0 : i32
      %dma_start3A_72 = tpu.memref_slice %arg4[%add3A_44, %dma_start3A_71] : memref<40960x128xf32, #tpu.memory_space<hbm>> -> memref<128x128xf32, #tpu.memory_space<hbm>>
      %dma_start3A_73 = arith.constant 0 : i32
      %dma_start3A_74 = tpu.memref_slice %arg4[%add3A_44, %dma_start3A_73] : memref<40960x128xf32, #tpu.memory_space<hbm>> -> memref<128x128xf32, #tpu.memory_space<hbm>>
      %dma_start3A_75 = arith.constant 0 : i32
      %dma_start3A_76 = arith.constant 0 : i32
      %dma_start3A_77 = tpu.memref_slice %arg6[%dma_start3A_66, %dma_start3A_75, %dma_start3A_76] : memref<2x128x128xf32, #tpu.memory_space<vmem>> -> memref<1x128x128xf32, #tpu.memory_space<vmem>>
      %dma_start3A_78 = tpu.memref_squeeze %dma_start3A_77 : memref<1x128x128xf32, #tpu.memory_space<vmem>> -> memref<128x128xf32, #tpu.memory_space<vmem>>
      tpu.enqueue_dma source(%dma_start3A_78 : memref<128x128xf32, #tpu.memory_space<vmem>>) target(%dma_start3A_74 : memref<128x128xf32, #tpu.memory_space<hbm>>) target_semaphore(%arg9 : memref<!tpu.dma_semaphore, #tpu.memory_space<semaphore_mem>>)
      %mul3A_79 = arith.constant 2 : i32
      %mul3A_80 = arith.muli %scan3A_37, %mul3A_79 : i32
      %add3A_81 = arith.constant 1 : i32
      %add3A_82 = arith.addi %mul3A_80, %add3A_81 : i32
      %mul3A_83 = arith.constant 128 : i32
      %mul3A_84 = arith.muli %add3A_82, %mul3A_83 : i32
      %add3A_85 = arith.addi %mul3A_2, %mul3A_84 : i32
      %gt3A_86 = arith.constant 0 : i32
      %gt3A_87 = arith.cmpi sgt, %scan3A_37, %gt3A_86 : i32
      %convert_element_type3A_88 = arith.extui %gt3A_87 : i1 to i32
      %cond3A_89 = arith.constant 0 : i32
      %cond3A_90 = arith.cmpi ne, %convert_element_type3A_88, %cond3A_89 : i32
      scf.if %cond3A_90 {
        %sub3A = arith.constant 256 : i32
        %sub3A_124 = arith.subi %add3A_85, %sub3A : i32
        %dma_wait3A_125 = arith.constant 1 : i32
        %dma_wait3A_126 = arith.constant 0 : i32
        %dma_wait3A_127 = arith.constant 0 : i32
        %dma_wait3A_128 = tpu.memref_slice %arg6[%dma_wait3A_125, %dma_wait3A_126, %dma_wait3A_127] : memref<2x128x128xf32, #tpu.memory_space<vmem>> -> memref<1x128x128xf32, #tpu.memory_space<vmem>>
        %dma_wait3A_129 = tpu.memref_squeeze %dma_wait3A_128 : memref<1x128x128xf32, #tpu.memory_space<vmem>> -> memref<128x128xf32, #tpu.memory_space<vmem>>
        %dma_wait3A_130 = arith.constant 0 : i32
        %dma_wait3A_131 = tpu.memref_slice %arg4[%sub3A_124, %dma_wait3A_130] : memref<40960x128xf32, #tpu.memory_space<hbm>> -> memref<128x128xf32, #tpu.memory_space<hbm>>
        %dma_wait3A_132 = arith.constant 0 : i32
        %dma_wait3A_133 = tpu.memref_slice %arg4[%sub3A_124, %dma_wait3A_132] : memref<40960x128xf32, #tpu.memory_space<hbm>> -> memref<128x128xf32, #tpu.memory_space<hbm>>
        %dma_wait3A_134 = arith.constant 0 : i32
        %dma_wait3A_135 = arith.constant 0 : i32
        %dma_wait3A_136 = tpu.memref_slice %arg6[%dma_wait3A_125, %dma_wait3A_134, %dma_wait3A_135] : memref<2x128x128xf32, #tpu.memory_space<vmem>> -> memref<1x128x128xf32, #tpu.memory_space<vmem>>
        %dma_wait3A_137 = tpu.memref_squeeze %dma_wait3A_136 : memref<1x128x128xf32, #tpu.memory_space<vmem>> -> memref<128x128xf32, #tpu.memory_space<vmem>>
        tpu.wait_dma2 semaphore(%arg10 : memref<!tpu.dma_semaphore, #tpu.memory_space<semaphore_mem>>) src(%dma_wait3A_137 : memref<128x128xf32, #tpu.memory_space<vmem>>) dst(%dma_wait3A_133 : memref<128x128xf32, #tpu.memory_space<hbm>>)
      } else {
      }
      %mul3A_91 = arith.constant 128 : i32
      %mul3A_92 = arith.muli %add3A_82, %mul3A_91 : i32
      %dma_start3A_93 = arith.constant 1 : i32
      %dma_start3A_94 = arith.constant 0 : i32
      %dma_start3A_95 = arith.constant 0 : i32
      %dma_start3A_96 = tpu.memref_slice %arg6[%dma_start3A_93, %dma_start3A_94, %dma_start3A_95] : memref<2x128x128xf32, #tpu.memory_space<vmem>> -> memref<1x128x128xf32, #tpu.memory_space<vmem>>
      %dma_start3A_97 = tpu.memref_squeeze %dma_start3A_96 : memref<1x128x128xf32, #tpu.memory_space<vmem>> -> memref<128x128xf32, #tpu.memory_space<vmem>>
      %dma_start3A_98 = tpu.memref_slice %arg5[%mul3A_92] : memref<1280xi32, #tpu.memory_space<vmem>> -> memref<128xi32, #tpu.memory_space<vmem>>
      %dma_start3A_99 = arith.constant 0 : i32
      %dma_start3A_100 = arith.constant 0 : i32
      %dma_start3A_101 = tpu.memref_slice %arg2[%dma_start3A_99, %dma_start3A_100] : memref<4096x128xf32, #tpu.memory_space<hbm>> -> memref<4096x128xf32, #tpu.memory_space<hbm>>
      tpu.enqueue_indirect_dma source(%dma_start3A_101 : memref<4096x128xf32, #tpu.memory_space<hbm>>) target(%dma_start3A_97 : memref<128x128xf32, #tpu.memory_space<vmem>>) offsets(%dma_start3A_98 : memref<128xi32, #tpu.memory_space<vmem>>) semaphore(%arg8 : memref<!tpu.dma_semaphore, #tpu.memory_space<semaphore_mem>>)
      %dma_wait3A_102 = arith.constant 1 : i32
      %dma_wait3A_103 = arith.constant 0 : i32
      %dma_wait3A_104 = arith.constant 0 : i32
      %dma_wait3A_105 = tpu.memref_slice %arg6[%dma_wait3A_102, %dma_wait3A_103, %dma_wait3A_104] : memref<2x128x128xf32, #tpu.memory_space<vmem>> -> memref<1x128x128xf32, #tpu.memory_space<vmem>>
      %dma_wait3A_106 = tpu.memref_squeeze %dma_wait3A_105 : memref<1x128x128xf32, #tpu.memory_space<vmem>> -> memref<128x128xf32, #tpu.memory_space<vmem>>
      %dma_wait3A_107 = tpu.memref_slice %arg5[%mul3A_92] : memref<1280xi32, #tpu.memory_space<vmem>> -> memref<128xi32, #tpu.memory_space<vmem>>
      %dma_wait3A_108 = arith.constant 0 : i32
      %dma_wait3A_109 = arith.constant 0 : i32
      %dma_wait3A_110 = tpu.memref_slice %arg2[%dma_wait3A_108, %dma_wait3A_109] : memref<4096x128xf32, #tpu.memory_space<hbm>> -> memref<4096x128xf32, #tpu.memory_space<hbm>>
      tpu.wait_indirect_dma semaphore(%arg8 : memref<!tpu.dma_semaphore, #tpu.memory_space<semaphore_mem>>) src(%dma_wait3A_110 : memref<4096x128xf32, #tpu.memory_space<hbm>>) dst(%dma_wait3A_106 : memref<128x128xf32, #tpu.memory_space<vmem>>)
      %dma_start3A_111 = arith.constant 1 : i32
      %dma_start3A_112 = arith.constant 0 : i32
      %dma_start3A_113 = arith.constant 0 : i32
      %dma_start3A_114 = tpu.memref_slice %arg6[%dma_start3A_111, %dma_start3A_112, %dma_start3A_113] : memref<2x128x128xf32, #tpu.memory_space<vmem>> -> memref<1x128x128xf32, #tpu.memory_space<vmem>>
      %dma_start3A_115 = tpu.memref_squeeze %dma_start3A_114 : memref<1x128x128xf32, #tpu.memory_space<vmem>> -> memref<128x128xf32, #tpu.memory_space<vmem>>
      %dma_start3A_116 = arith.constant 0 : i32
      %dma_start3A_117 = tpu.memref_slice %arg4[%add3A_85, %dma_start3A_116] : memref<40960x128xf32, #tpu.memory_space<hbm>> -> memref<128x128xf32, #tpu.memory_space<hbm>>
      %dma_start3A_118 = arith.constant 0 : i32
      %dma_start3A_119 = tpu.memref_slice %arg4[%add3A_85, %dma_start3A_118] : memref<40960x128xf32, #tpu.memory_space<hbm>> -> memref<128x128xf32, #tpu.memory_space<hbm>>
      %dma_start3A_120 = arith.constant 0 : i32
      %dma_start3A_121 = arith.constant 0 : i32
      %dma_start3A_122 = tpu.memref_slice %arg6[%dma_start3A_111, %dma_start3A_120, %dma_start3A_121] : memref<2x128x128xf32, #tpu.memory_space<vmem>> -> memref<1x128x128xf32, #tpu.memory_space<vmem>>
      %dma_start3A_123 = tpu.memref_squeeze %dma_start3A_122 : memref<1x128x128xf32, #tpu.memory_space<vmem>> -> memref<128x128xf32, #tpu.memory_space<vmem>>
      tpu.enqueue_dma source(%dma_start3A_123 : memref<128x128xf32, #tpu.memory_space<vmem>>) target(%dma_start3A_119 : memref<128x128xf32, #tpu.memory_space<hbm>>) target_semaphore(%arg10 : memref<!tpu.dma_semaphore, #tpu.memory_space<semaphore_mem>>)
    }
    %scan3A_7 = arith.constant 5 : i32
    %add3A_8 = arith.constant 1024 : i32
    %add3A_9 = arith.addi %mul3A_2, %add3A_8 : i32
    %dma_wait3A = arith.constant 0 : i32
    %dma_wait3A_10 = arith.constant 0 : i32
    %dma_wait3A_11 = arith.constant 0 : i32
    %dma_wait3A_12 = tpu.memref_slice %arg6[%dma_wait3A, %dma_wait3A_10, %dma_wait3A_11] : memref<2x128x128xf32, #tpu.memory_space<vmem>> -> memref<1x128x128xf32, #tpu.memory_space<vmem>>
    %dma_wait3A_13 = tpu.memref_squeeze %dma_wait3A_12 : memref<1x128x128xf32, #tpu.memory_space<vmem>> -> memref<128x128xf32, #tpu.memory_space<vmem>>
    %dma_wait3A_14 = arith.constant 0 : i32
    %dma_wait3A_15 = tpu.memref_slice %arg4[%add3A_9, %dma_wait3A_14] : memref<40960x128xf32, #tpu.memory_space<hbm>> -> memref<128x128xf32, #tpu.memory_space<hbm>>
    %dma_wait3A_16 = arith.constant 0 : i32
    %dma_wait3A_17 = tpu.memref_slice %arg4[%add3A_9, %dma_wait3A_16] : memref<40960x128xf32, #tpu.memory_space<hbm>> -> memref<128x128xf32, #tpu.memory_space<hbm>>
    %dma_wait3A_18 = arith.constant 0 : i32
    %dma_wait3A_19 = arith.constant 0 : i32
    %dma_wait3A_20 = tpu.memref_slice %arg6[%dma_wait3A, %dma_wait3A_18, %dma_wait3A_19] : memref<2x128x128xf32, #tpu.memory_space<vmem>> -> memref<1x128x128xf32, #tpu.memory_space<vmem>>
    %dma_wait3A_21 = tpu.memref_squeeze %dma_wait3A_20 : memref<1x128x128xf32, #tpu.memory_space<vmem>> -> memref<128x128xf32, #tpu.memory_space<vmem>>
    tpu.wait_dma2 semaphore(%arg9 : memref<!tpu.dma_semaphore, #tpu.memory_space<semaphore_mem>>) src(%dma_wait3A_21 : memref<128x128xf32, #tpu.memory_space<vmem>>) dst(%dma_wait3A_17 : memref<128x128xf32, #tpu.memory_space<hbm>>)
    %add3A_22 = arith.constant 1152 : i32
    %add3A_23 = arith.addi %mul3A_2, %add3A_22 : i32
    %dma_wait3A_24 = arith.constant 1 : i32
    %dma_wait3A_25 = arith.constant 0 : i32
    %dma_wait3A_26 = arith.constant 0 : i32
    %dma_wait3A_27 = tpu.memref_slice %arg6[%dma_wait3A_24, %dma_wait3A_25, %dma_wait3A_26] : memref<2x128x128xf32, #tpu.memory_space<vmem>> -> memref<1x128x128xf32, #tpu.memory_space<vmem>>
    %dma_wait3A_28 = tpu.memref_squeeze %dma_wait3A_27 : memref<1x128x128xf32, #tpu.memory_space<vmem>> -> memref<128x128xf32, #tpu.memory_space<vmem>>
    %dma_wait3A_29 = arith.constant 0 : i32
    %dma_wait3A_30 = tpu.memref_slice %arg4[%add3A_23, %dma_wait3A_29] : memref<40960x128xf32, #tpu.memory_space<hbm>> -> memref<128x128xf32, #tpu.memory_space<hbm>>
    %dma_wait3A_31 = arith.constant 0 : i32
    %dma_wait3A_32 = tpu.memref_slice %arg4[%add3A_23, %dma_wait3A_31] : memref<40960x128xf32, #tpu.memory_space<hbm>> -> memref<128x128xf32, #tpu.memory_space<hbm>>
    %dma_wait3A_33 = arith.constant 0 : i32
    %dma_wait3A_34 = arith.constant 0 : i32
    %dma_wait3A_35 = tpu.memref_slice %arg6[%dma_wait3A_24, %dma_wait3A_33, %dma_wait3A_34] : memref<2x128x128xf32, #tpu.memory_space<vmem>> -> memref<1x128x128xf32, #tpu.memory_space<vmem>>
    %dma_wait3A_36 = tpu.memref_squeeze %dma_wait3A_35 : memref<1x128x128xf32, #tpu.memory_space<vmem>> -> memref<128x128xf32, #tpu.memory_space<vmem>>
    tpu.wait_dma2 semaphore(%arg10 : memref<!tpu.dma_semaphore, #tpu.memory_space<semaphore_mem>>) src(%dma_wait3A_36 : memref<128x128xf32, #tpu.memory_space<vmem>>) dst(%dma_wait3A_32 : memref<128x128xf32, #tpu.memory_space<hbm>>)
    return
  }
}

#map = affine_map<(d0, d1) -> (0, 0)>
#map1 = affine_map<(d0, d1) -> (0)>
module attributes {stable_mosaic.version = 14 : i64} {
  func.func @gather_v(%arg0: i32, %arg1: i32, %arg2: memref<4096x128xf32, #tpu.memory_space<hbm>>, %arg3: memref<40960xi32, #tpu.memory_space<hbm>>, %arg4: memref<40960x128xf32, #tpu.memory_space<hbm>>, %arg5: memref<1280xi32, #tpu.memory_space<vmem>>, %arg6: memref<2x128x128xf32, #tpu.memory_space<vmem>>, %arg7: memref<!tpu.dma_semaphore, #tpu.memory_space<semaphore_mem>>, %arg8: memref<!tpu.dma_semaphore, #tpu.memory_space<semaphore_mem>>, %arg9: memref<!tpu.dma_semaphore, #tpu.memory_space<semaphore_mem>>, %arg10: memref<!tpu.dma_semaphore, #tpu.memory_space<semaphore_mem>>) attributes {dimension_semantics = [#tpu.dimension_semantics<core_parallel>, #tpu.dimension_semantics<subcore_parallel>], iteration_bounds = array<i64: 2, 16>, scalar_prefetch = 0 : i64, scratch_operands = 6 : i64, tpu.core_type = #tpu.core_type<sc_vector_subcore>, window_params = [{transform_indices = #map}, {transform_indices = #map1}, {transform_indices = #map}]} {
    %mul3A = arith.constant 2 : i32
    %mul3A_0 = arith.muli %arg1, %mul3A : i32
    %add3A = arith.addi %mul3A_0, %arg0 : i32
    %mul3A_1 = arith.constant 1280 : i32
    %mul3A_2 = arith.muli %add3A, %mul3A_1 : i32
    "tpu.region"() ({
      %run_scoped3A = tpu.sem_alloc : memref<!tpu.dma_semaphore, #tpu.memory_space<semaphore_mem>>
      %dma_start3A = tpu.memref_slice %arg3[%mul3A_2] : memref<40960xi32, #tpu.memory_space<hbm>> -> memref<1280xi32, #tpu.memory_space<hbm>>
      %dma_start3A_37 = tpu.memref_slice %arg3[%mul3A_2] : memref<40960xi32, #tpu.memory_space<hbm>> -> memref<1280xi32, #tpu.memory_space<hbm>>
      tpu.enqueue_dma source(%dma_start3A_37 : memref<1280xi32, #tpu.memory_space<hbm>>) target(%arg5 : memref<1280xi32, #tpu.memory_space<vmem>>) target_semaphore(%run_scoped3A : memref<!tpu.dma_semaphore, #tpu.memory_space<semaphore_mem>>)
      %dma_wait3A_38 = tpu.memref_slice %arg3[%mul3A_2] : memref<40960xi32, #tpu.memory_space<hbm>> -> memref<1280xi32, #tpu.memory_space<hbm>>
      %dma_wait3A_39 = tpu.memref_slice %arg3[%mul3A_2] : memref<40960xi32, #tpu.memory_space<hbm>> -> memref<1280xi32, #tpu.memory_space<hbm>>
      tpu.wait_dma2 semaphore(%run_scoped3A : memref<!tpu.dma_semaphore, #tpu.memory_space<semaphore_mem>>) src(%dma_wait3A_39 : memref<1280xi32, #tpu.memory_space<hbm>>) dst(%arg5 : memref<1280xi32, #tpu.memory_space<vmem>>)
      tpu.yield
    }) : () -> ()
    %scan3A = arith.constant 0 : i32
    %scan3A_3 = arith.constant 0 : i32
    %scan3A_4 = arith.constant 5 : i32
    %scan3A_5 = arith.addi %scan3A_3, %scan3A_4 : i32
    %scan3A_6 = arith.constant 1 : i32
    scf.for %scan3A_37 = %scan3A_3 to %scan3A_5 step %scan3A_6  : i32 {
      %mul3A_38 = arith.constant 2 : i32
      %mul3A_39 = arith.muli %scan3A_37, %mul3A_38 : i32
      %add3A_40 = arith.constant 0 : i32
      %add3A_41 = arith.addi %mul3A_39, %add3A_40 : i32
      %mul3A_42 = arith.constant 128 : i32
      %mul3A_43 = arith.muli %add3A_41, %mul3A_42 : i32
      %add3A_44 = arith.addi %mul3A_2, %mul3A_43 : i32
      %gt3A = arith.constant 0 : i32
      %gt3A_45 = arith.cmpi sgt, %scan3A_37, %gt3A : i32
      %convert_element_type3A = arith.extui %gt3A_45 : i1 to i32
      %cond3A = arith.constant 0 : i32
      %cond3A_46 = arith.cmpi ne, %convert_element_type3A, %cond3A : i32
      scf.if %cond3A_46 {
        %sub3A = arith.constant 256 : i32
        %sub3A_124 = arith.subi %add3A_44, %sub3A : i32
        %dma_wait3A_125 = arith.constant 0 : i32
        %dma_wait3A_126 = arith.constant 0 : i32
        %dma_wait3A_127 = arith.constant 0 : i32
        %dma_wait3A_128 = tpu.memref_slice %arg6[%dma_wait3A_125, %dma_wait3A_126, %dma_wait3A_127] : memref<2x128x128xf32, #tpu.memory_space<vmem>> -> memref<1x128x128xf32, #tpu.memory_space<vmem>>
        %dma_wait3A_129 = tpu.memref_squeeze %dma_wait3A_128 : memref<1x128x128xf32, #tpu.memory_space<vmem>> -> memref<128x128xf32, #tpu.memory_space<vmem>>
        %dma_wait3A_130 = arith.constant 0 : i32
        %dma_wait3A_131 = tpu.memref_slice %arg4[%sub3A_124, %dma_wait3A_130] : memref<40960x128xf32, #tpu.memory_space<hbm>> -> memref<128x128xf32, #tpu.memory_space<hbm>>
        %dma_wait3A_132 = arith.constant 0 : i32
        %dma_wait3A_133 = tpu.memref_slice %arg4[%sub3A_124, %dma_wait3A_132] : memref<40960x128xf32, #tpu.memory_space<hbm>> -> memref<128x128xf32, #tpu.memory_space<hbm>>
        %dma_wait3A_134 = arith.constant 0 : i32
        %dma_wait3A_135 = arith.constant 0 : i32
        %dma_wait3A_136 = tpu.memref_slice %arg6[%dma_wait3A_125, %dma_wait3A_134, %dma_wait3A_135] : memref<2x128x128xf32, #tpu.memory_space<vmem>> -> memref<1x128x128xf32, #tpu.memory_space<vmem>>
        %dma_wait3A_137 = tpu.memref_squeeze %dma_wait3A_136 : memref<1x128x128xf32, #tpu.memory_space<vmem>> -> memref<128x128xf32, #tpu.memory_space<vmem>>
        tpu.wait_dma2 semaphore(%arg9 : memref<!tpu.dma_semaphore, #tpu.memory_space<semaphore_mem>>) src(%dma_wait3A_137 : memref<128x128xf32, #tpu.memory_space<vmem>>) dst(%dma_wait3A_133 : memref<128x128xf32, #tpu.memory_space<hbm>>)
      } else {
      }
      %mul3A_47 = arith.constant 128 : i32
      %mul3A_48 = arith.muli %add3A_41, %mul3A_47 : i32
      %dma_start3A = arith.constant 0 : i32
      %dma_start3A_49 = arith.constant 0 : i32
      %dma_start3A_50 = arith.constant 0 : i32
      %dma_start3A_51 = tpu.memref_slice %arg6[%dma_start3A, %dma_start3A_49, %dma_start3A_50] : memref<2x128x128xf32, #tpu.memory_space<vmem>> -> memref<1x128x128xf32, #tpu.memory_space<vmem>>
      %dma_start3A_52 = tpu.memref_squeeze %dma_start3A_51 : memref<1x128x128xf32, #tpu.memory_space<vmem>> -> memref<128x128xf32, #tpu.memory_space<vmem>>
      %dma_start3A_53 = tpu.memref_slice %arg5[%mul3A_48] : memref<1280xi32, #tpu.memory_space<vmem>> -> memref<128xi32, #tpu.memory_space<vmem>>
      %dma_start3A_54 = arith.constant 0 : i32
      %dma_start3A_55 = arith.constant 0 : i32
      %dma_start3A_56 = tpu.memref_slice %arg2[%dma_start3A_54, %dma_start3A_55] : memref<4096x128xf32, #tpu.memory_space<hbm>> -> memref<4096x128xf32, #tpu.memory_space<hbm>>
      tpu.enqueue_indirect_dma source(%dma_start3A_56 : memref<4096x128xf32, #tpu.memory_space<hbm>>) target(%dma_start3A_52 : memref<128x128xf32, #tpu.memory_space<vmem>>) offsets(%dma_start3A_53 : memref<128xi32, #tpu.memory_space<vmem>>) semaphore(%arg7 : memref<!tpu.dma_semaphore, #tpu.memory_space<semaphore_mem>>)
      %dma_wait3A_57 = arith.constant 0 : i32
      %dma_wait3A_58 = arith.constant 0 : i32
      %dma_wait3A_59 = arith.constant 0 : i32
      %dma_wait3A_60 = tpu.memref_slice %arg6[%dma_wait3A_57, %dma_wait3A_58, %dma_wait3A_59] : memref<2x128x128xf32, #tpu.memory_space<vmem>> -> memref<1x128x128xf32, #tpu.memory_space<vmem>>
      %dma_wait3A_61 = tpu.memref_squeeze %dma_wait3A_60 : memref<1x128x128xf32, #tpu.memory_space<vmem>> -> memref<128x128xf32, #tpu.memory_space<vmem>>
      %dma_wait3A_62 = tpu.memref_slice %arg5[%mul3A_48] : memref<1280xi32, #tpu.memory_space<vmem>> -> memref<128xi32, #tpu.memory_space<vmem>>
      %dma_wait3A_63 = arith.constant 0 : i32
      %dma_wait3A_64 = arith.constant 0 : i32
      %dma_wait3A_65 = tpu.memref_slice %arg2[%dma_wait3A_63, %dma_wait3A_64] : memref<4096x128xf32, #tpu.memory_space<hbm>> -> memref<4096x128xf32, #tpu.memory_space<hbm>>
      tpu.wait_indirect_dma semaphore(%arg7 : memref<!tpu.dma_semaphore, #tpu.memory_space<semaphore_mem>>) src(%dma_wait3A_65 : memref<4096x128xf32, #tpu.memory_space<hbm>>) dst(%dma_wait3A_61 : memref<128x128xf32, #tpu.memory_space<vmem>>)
      %dma_start3A_66 = arith.constant 0 : i32
      %dma_start3A_67 = arith.constant 0 : i32
      %dma_start3A_68 = arith.constant 0 : i32
      %dma_start3A_69 = tpu.memref_slice %arg6[%dma_start3A_66, %dma_start3A_67, %dma_start3A_68] : memref<2x128x128xf32, #tpu.memory_space<vmem>> -> memref<1x128x128xf32, #tpu.memory_space<vmem>>
      %dma_start3A_70 = tpu.memref_squeeze %dma_start3A_69 : memref<1x128x128xf32, #tpu.memory_space<vmem>> -> memref<128x128xf32, #tpu.memory_space<vmem>>
      %dma_start3A_71 = arith.constant 0 : i32
      %dma_start3A_72 = tpu.memref_slice %arg4[%add3A_44, %dma_start3A_71] : memref<40960x128xf32, #tpu.memory_space<hbm>> -> memref<128x128xf32, #tpu.memory_space<hbm>>
      %dma_start3A_73 = arith.constant 0 : i32
      %dma_start3A_74 = tpu.memref_slice %arg4[%add3A_44, %dma_start3A_73] : memref<40960x128xf32, #tpu.memory_space<hbm>> -> memref<128x128xf32, #tpu.memory_space<hbm>>
      %dma_start3A_75 = arith.constant 0 : i32
      %dma_start3A_76 = arith.constant 0 : i32
      %dma_start3A_77 = tpu.memref_slice %arg6[%dma_start3A_66, %dma_start3A_75, %dma_start3A_76] : memref<2x128x128xf32, #tpu.memory_space<vmem>> -> memref<1x128x128xf32, #tpu.memory_space<vmem>>
      %dma_start3A_78 = tpu.memref_squeeze %dma_start3A_77 : memref<1x128x128xf32, #tpu.memory_space<vmem>> -> memref<128x128xf32, #tpu.memory_space<vmem>>
      tpu.enqueue_dma source(%dma_start3A_78 : memref<128x128xf32, #tpu.memory_space<vmem>>) target(%dma_start3A_74 : memref<128x128xf32, #tpu.memory_space<hbm>>) target_semaphore(%arg9 : memref<!tpu.dma_semaphore, #tpu.memory_space<semaphore_mem>>)
      %mul3A_79 = arith.constant 2 : i32
      %mul3A_80 = arith.muli %scan3A_37, %mul3A_79 : i32
      %add3A_81 = arith.constant 1 : i32
      %add3A_82 = arith.addi %mul3A_80, %add3A_81 : i32
      %mul3A_83 = arith.constant 128 : i32
      %mul3A_84 = arith.muli %add3A_82, %mul3A_83 : i32
      %add3A_85 = arith.addi %mul3A_2, %mul3A_84 : i32
      %gt3A_86 = arith.constant 0 : i32
      %gt3A_87 = arith.cmpi sgt, %scan3A_37, %gt3A_86 : i32
      %convert_element_type3A_88 = arith.extui %gt3A_87 : i1 to i32
      %cond3A_89 = arith.constant 0 : i32
      %cond3A_90 = arith.cmpi ne, %convert_element_type3A_88, %cond3A_89 : i32
      scf.if %cond3A_90 {
        %sub3A = arith.constant 256 : i32
        %sub3A_124 = arith.subi %add3A_85, %sub3A : i32
        %dma_wait3A_125 = arith.constant 1 : i32
        %dma_wait3A_126 = arith.constant 0 : i32
        %dma_wait3A_127 = arith.constant 0 : i32
        %dma_wait3A_128 = tpu.memref_slice %arg6[%dma_wait3A_125, %dma_wait3A_126, %dma_wait3A_127] : memref<2x128x128xf32, #tpu.memory_space<vmem>> -> memref<1x128x128xf32, #tpu.memory_space<vmem>>
        %dma_wait3A_129 = tpu.memref_squeeze %dma_wait3A_128 : memref<1x128x128xf32, #tpu.memory_space<vmem>> -> memref<128x128xf32, #tpu.memory_space<vmem>>
        %dma_wait3A_130 = arith.constant 0 : i32
        %dma_wait3A_131 = tpu.memref_slice %arg4[%sub3A_124, %dma_wait3A_130] : memref<40960x128xf32, #tpu.memory_space<hbm>> -> memref<128x128xf32, #tpu.memory_space<hbm>>
        %dma_wait3A_132 = arith.constant 0 : i32
        %dma_wait3A_133 = tpu.memref_slice %arg4[%sub3A_124, %dma_wait3A_132] : memref<40960x128xf32, #tpu.memory_space<hbm>> -> memref<128x128xf32, #tpu.memory_space<hbm>>
        %dma_wait3A_134 = arith.constant 0 : i32
        %dma_wait3A_135 = arith.constant 0 : i32
        %dma_wait3A_136 = tpu.memref_slice %arg6[%dma_wait3A_125, %dma_wait3A_134, %dma_wait3A_135] : memref<2x128x128xf32, #tpu.memory_space<vmem>> -> memref<1x128x128xf32, #tpu.memory_space<vmem>>
        %dma_wait3A_137 = tpu.memref_squeeze %dma_wait3A_136 : memref<1x128x128xf32, #tpu.memory_space<vmem>> -> memref<128x128xf32, #tpu.memory_space<vmem>>
        tpu.wait_dma2 semaphore(%arg10 : memref<!tpu.dma_semaphore, #tpu.memory_space<semaphore_mem>>) src(%dma_wait3A_137 : memref<128x128xf32, #tpu.memory_space<vmem>>) dst(%dma_wait3A_133 : memref<128x128xf32, #tpu.memory_space<hbm>>)
      } else {
      }
      %mul3A_91 = arith.constant 128 : i32
      %mul3A_92 = arith.muli %add3A_82, %mul3A_91 : i32
      %dma_start3A_93 = arith.constant 1 : i32
      %dma_start3A_94 = arith.constant 0 : i32
      %dma_start3A_95 = arith.constant 0 : i32
      %dma_start3A_96 = tpu.memref_slice %arg6[%dma_start3A_93, %dma_start3A_94, %dma_start3A_95] : memref<2x128x128xf32, #tpu.memory_space<vmem>> -> memref<1x128x128xf32, #tpu.memory_space<vmem>>
      %dma_start3A_97 = tpu.memref_squeeze %dma_start3A_96 : memref<1x128x128xf32, #tpu.memory_space<vmem>> -> memref<128x128xf32, #tpu.memory_space<vmem>>
      %dma_start3A_98 = tpu.memref_slice %arg5[%mul3A_92] : memref<1280xi32, #tpu.memory_space<vmem>> -> memref<128xi32, #tpu.memory_space<vmem>>
      %dma_start3A_99 = arith.constant 0 : i32
      %dma_start3A_100 = arith.constant 0 : i32
      %dma_start3A_101 = tpu.memref_slice %arg2[%dma_start3A_99, %dma_start3A_100] : memref<4096x128xf32, #tpu.memory_space<hbm>> -> memref<4096x128xf32, #tpu.memory_space<hbm>>
      tpu.enqueue_indirect_dma source(%dma_start3A_101 : memref<4096x128xf32, #tpu.memory_space<hbm>>) target(%dma_start3A_97 : memref<128x128xf32, #tpu.memory_space<vmem>>) offsets(%dma_start3A_98 : memref<128xi32, #tpu.memory_space<vmem>>) semaphore(%arg8 : memref<!tpu.dma_semaphore, #tpu.memory_space<semaphore_mem>>)
      %dma_wait3A_102 = arith.constant 1 : i32
      %dma_wait3A_103 = arith.constant 0 : i32
      %dma_wait3A_104 = arith.constant 0 : i32
      %dma_wait3A_105 = tpu.memref_slice %arg6[%dma_wait3A_102, %dma_wait3A_103, %dma_wait3A_104] : memref<2x128x128xf32, #tpu.memory_space<vmem>> -> memref<1x128x128xf32, #tpu.memory_space<vmem>>
      %dma_wait3A_106 = tpu.memref_squeeze %dma_wait3A_105 : memref<1x128x128xf32, #tpu.memory_space<vmem>> -> memref<128x128xf32, #tpu.memory_space<vmem>>
      %dma_wait3A_107 = tpu.memref_slice %arg5[%mul3A_92] : memref<1280xi32, #tpu.memory_space<vmem>> -> memref<128xi32, #tpu.memory_space<vmem>>
      %dma_wait3A_108 = arith.constant 0 : i32
      %dma_wait3A_109 = arith.constant 0 : i32
      %dma_wait3A_110 = tpu.memref_slice %arg2[%dma_wait3A_108, %dma_wait3A_109] : memref<4096x128xf32, #tpu.memory_space<hbm>> -> memref<4096x128xf32, #tpu.memory_space<hbm>>
      tpu.wait_indirect_dma semaphore(%arg8 : memref<!tpu.dma_semaphore, #tpu.memory_space<semaphore_mem>>) src(%dma_wait3A_110 : memref<4096x128xf32, #tpu.memory_space<hbm>>) dst(%dma_wait3A_106 : memref<128x128xf32, #tpu.memory_space<vmem>>)
      %dma_start3A_111 = arith.constant 1 : i32
      %dma_start3A_112 = arith.constant 0 : i32
      %dma_start3A_113 = arith.constant 0 : i32
      %dma_start3A_114 = tpu.memref_slice %arg6[%dma_start3A_111, %dma_start3A_112, %dma_start3A_113] : memref<2x128x128xf32, #tpu.memory_space<vmem>> -> memref<1x128x128xf32, #tpu.memory_space<vmem>>
      %dma_start3A_115 = tpu.memref_squeeze %dma_start3A_114 : memref<1x128x128xf32, #tpu.memory_space<vmem>> -> memref<128x128xf32, #tpu.memory_space<vmem>>
      %dma_start3A_116 = arith.constant 0 : i32
      %dma_start3A_117 = tpu.memref_slice %arg4[%add3A_85, %dma_start3A_116] : memref<40960x128xf32, #tpu.memory_space<hbm>> -> memref<128x128xf32, #tpu.memory_space<hbm>>
      %dma_start3A_118 = arith.constant 0 : i32
      %dma_start3A_119 = tpu.memref_slice %arg4[%add3A_85, %dma_start3A_118] : memref<40960x128xf32, #tpu.memory_space<hbm>> -> memref<128x128xf32, #tpu.memory_space<hbm>>
      %dma_start3A_120 = arith.constant 0 : i32
      %dma_start3A_121 = arith.constant 0 : i32
      %dma_start3A_122 = tpu.memref_slice %arg6[%dma_start3A_111, %dma_start3A_120, %dma_start3A_121] : memref<2x128x128xf32, #tpu.memory_space<vmem>> -> memref<1x128x128xf32, #tpu.memory_space<vmem>>
      %dma_start3A_123 = tpu.memref_squeeze %dma_start3A_122 : memref<1x128x128xf32, #tpu.memory_space<vmem>> -> memref<128x128xf32, #tpu.memory_space<vmem>>
      tpu.enqueue_dma source(%dma_start3A_123 : memref<128x128xf32, #tpu.memory_space<vmem>>) target(%dma_start3A_119 : memref<128x128xf32, #tpu.memory_space<hbm>>) target_semaphore(%arg10 : memref<!tpu.dma_semaphore, #tpu.memory_space<semaphore_mem>>)
    }
    %scan3A_7 = arith.constant 5 : i32
    %add3A_8 = arith.constant 1024 : i32
    %add3A_9 = arith.addi %mul3A_2, %add3A_8 : i32
    %dma_wait3A = arith.constant 0 : i32
    %dma_wait3A_10 = arith.constant 0 : i32
    %dma_wait3A_11 = arith.constant 0 : i32
    %dma_wait3A_12 = tpu.memref_slice %arg6[%dma_wait3A, %dma_wait3A_10, %dma_wait3A_11] : memref<2x128x128xf32, #tpu.memory_space<vmem>> -> memref<1x128x128xf32, #tpu.memory_space<vmem>>
    %dma_wait3A_13 = tpu.memref_squeeze %dma_wait3A_12 : memref<1x128x128xf32, #tpu.memory_space<vmem>> -> memref<128x128xf32, #tpu.memory_space<vmem>>
    %dma_wait3A_14 = arith.constant 0 : i32
    %dma_wait3A_15 = tpu.memref_slice %arg4[%add3A_9, %dma_wait3A_14] : memref<40960x128xf32, #tpu.memory_space<hbm>> -> memref<128x128xf32, #tpu.memory_space<hbm>>
    %dma_wait3A_16 = arith.constant 0 : i32
    %dma_wait3A_17 = tpu.memref_slice %arg4[%add3A_9, %dma_wait3A_16] : memref<40960x128xf32, #tpu.memory_space<hbm>> -> memref<128x128xf32, #tpu.memory_space<hbm>>
    %dma_wait3A_18 = arith.constant 0 : i32
    %dma_wait3A_19 = arith.constant 0 : i32
    %dma_wait3A_20 = tpu.memref_slice %arg6[%dma_wait3A, %dma_wait3A_18, %dma_wait3A_19] : memref<2x128x128xf32, #tpu.memory_space<vmem>> -> memref<1x128x128xf32, #tpu.memory_space<vmem>>
    %dma_wait3A_21 = tpu.memref_squeeze %dma_wait3A_20 : memref<1x128x128xf32, #tpu.memory_space<vmem>> -> memref<128x128xf32, #tpu.memory_space<vmem>>
    tpu.wait_dma2 semaphore(%arg9 : memref<!tpu.dma_semaphore, #tpu.memory_space<semaphore_mem>>) src(%dma_wait3A_21 : memref<128x128xf32, #tpu.memory_space<vmem>>) dst(%dma_wait3A_17 : memref<128x128xf32, #tpu.memory_space<hbm>>)
    %add3A_22 = arith.constant 1152 : i32
    %add3A_23 = arith.addi %mul3A_2, %add3A_22 : i32
    %dma_wait3A_24 = arith.constant 1 : i32
    %dma_wait3A_25 = arith.constant 0 : i32
    %dma_wait3A_26 = arith.constant 0 : i32
    %dma_wait3A_27 = tpu.memref_slice %arg6[%dma_wait3A_24, %dma_wait3A_25, %dma_wait3A_26] : memref<2x128x128xf32, #tpu.memory_space<vmem>> -> memref<1x128x128xf32, #tpu.memory_space<vmem>>
    %dma_wait3A_28 = tpu.memref_squeeze %dma_wait3A_27 : memref<1x128x128xf32, #tpu.memory_space<vmem>> -> memref<128x128xf32, #tpu.memory_space<vmem>>
    %dma_wait3A_29 = arith.constant 0 : i32
    %dma_wait3A_30 = tpu.memref_slice %arg4[%add3A_23, %dma_wait3A_29] : memref<40960x128xf32, #tpu.memory_space<hbm>> -> memref<128x128xf32, #tpu.memory_space<hbm>>
    %dma_wait3A_31 = arith.constant 0 : i32
    %dma_wait3A_32 = tpu.memref_slice %arg4[%add3A_23, %dma_wait3A_31] : memref<40960x128xf32, #tpu.memory_space<hbm>> -> memref<128x128xf32, #tpu.memory_space<hbm>>
    %dma_wait3A_33 = arith.constant 0 : i32
    %dma_wait3A_34 = arith.constant 0 : i32
    %dma_wait3A_35 = tpu.memref_slice %arg6[%dma_wait3A_24, %dma_wait3A_33, %dma_wait3A_34] : memref<2x128x128xf32, #tpu.memory_space<vmem>> -> memref<1x128x128xf32, #tpu.memory_space<vmem>>
    %dma_wait3A_36 = tpu.memref_squeeze %dma_wait3A_35 : memref<1x128x128xf32, #tpu.memory_space<vmem>> -> memref<128x128xf32, #tpu.memory_space<vmem>>
    tpu.wait_dma2 semaphore(%arg10 : memref<!tpu.dma_semaphore, #tpu.memory_space<semaphore_mem>>) src(%dma_wait3A_36 : memref<128x128xf32, #tpu.memory_space<vmem>>) dst(%dma_wait3A_32 : memref<128x128xf32, #tpu.memory_space<hbm>>)
    return
  }
}

module attributes {stable_mosaic.version = 14 : i64} {
  func.func @_k1_body(%arg0: i32, %arg1: i32, %arg2: memref<1x128x256xf32, #tpu.memory_space<vmem>>, %arg3: memref<1x128x2048xf32, #tpu.memory_space<vmem>>, %arg4: memref<128x128xf32, #tpu.memory_space<vmem>>, %arg5: memref<128x128xf32, #tpu.memory_space<vmem>>, %arg6: memref<10x1x1x256xi32, #tpu.memory_space<vmem>>, %arg7: memref<1x256x128xf32, #tpu.memory_space<vmem>>, %arg8: memref<1x256x128xf32, #tpu.memory_space<vmem>>) attributes {dimension_semantics = [#tpu.dimension_semantics<arbitrary>, #tpu.dimension_semantics<arbitrary>], iteration_bounds = array<i64: 2, 8>, scalar_prefetch = 0 : i64, scratch_operands = 0 : i64, tpu.core_type = #tpu.core_type<tc>, window_params = [{transform_indices = @transform_0, window_bounds = array<i64: 1, 128, 256>}, {transform_indices = @transform_1, window_bounds = array<i64: 1, 128, 2048>}, {pipeline_mode = #tpu.pipeline_mode<synchronous>, transform_indices = @transform_2, window_bounds = array<i64: 128, 128>}, {pipeline_mode = #tpu.pipeline_mode<synchronous>, transform_indices = @transform_3, window_bounds = array<i64: 128, 128>}, {transform_indices = @transform_4, window_bounds = array<i64: 10, 1, 1, 256>}, {transform_indices = @transform_5, window_bounds = array<i64: 1, 256, 128>}, {transform_indices = @transform_6, window_bounds = array<i64: 1, 256, 128>}]} {
    %get3A = arith.constant 0 : index
    %get3A_0 = arith.constant 0 : index
    %get3A_1 = arith.constant 0 : index
    %get3A_2 = vector.load %arg2[%get3A, %get3A_0, %get3A_1] : memref<1x128x256xf32, #tpu.memory_space<vmem>>, vector<1x128x256xf32>
    %get3A_3 = vector.shape_cast %get3A_2 : vector<1x128x256xf32> to vector<128x256xf32>
    %get3A_4 = arith.constant 0 : index
    %get3A_5 = arith.constant 0 : index
    %get3A_6 = arith.constant 0 : index
    %get3A_7 = vector.load %arg3[%get3A_4, %get3A_5, %get3A_6] : memref<1x128x2048xf32, #tpu.memory_space<vmem>>, vector<1x128x2048xf32>
    %get3A_8 = vector.shape_cast %get3A_7 : vector<1x128x2048xf32> to vector<128x2048xf32>
    %dot_general3A = arith.constant dense<0.000000e+00> : vector<2048x256xf32>
    %dot_general3A_9 = tpu.matmul %get3A_8, %get3A_3, %dot_general3A {dimension_numbers = #tpu.dot_dimension_numbers<[0], [0], [1], [1], [0, 1, 1, 1], [], []>, transpose_lhs_hint = false} : vector<128x2048xf32>, vector<128x256xf32>, vector<2048x256xf32> -> vector<2048x256xf32>
    %mul3A = arith.constant 2.000000e+00 : f32
    %mul3A_10 = vector.broadcast %mul3A : f32 to vector<2048x256xf32>
    %mul3A_11 = arith.mulf %mul3A_10, %dot_general3A_9 : vector<2048x256xf32>
    %mul3A_12 = arith.mulf %get3A_8, %get3A_8 : vector<128x2048xf32>
    %reduce_sum3A = arith.constant dense<0.000000e+00> : vector<2048xf32>
    %reduce_sum3A_13 = vector.multi_reduction <add>, %mul3A_12, %reduce_sum3A [0] : vector<128x2048xf32> to vector<2048xf32>
    %broadcast_in_dim3A = vector.shape_cast %reduce_sum3A_13 : vector<2048xf32> to vector<1x2048xf32>
    %transpose3A = tpu.transpose %broadcast_in_dim3A, [1, 0] : vector<1x2048xf32> -> vector<2048x1xf32>
    %iota3A = tpu.iota {dimensions = array<i32: 0>} : vector<2048x256xi32>
    %lt3A = arith.constant 2000 : i32
    %lt3A_14 = vector.broadcast %lt3A : i32 to vector<2048x256xi32>
    %lt3A_15 = arith.cmpi slt, %iota3A, %lt3A_14 : vector<2048x256xi32>
    %sub3A = vector.broadcast %transpose3A : vector<2048x1xf32> to vector<2048x256xf32>
    %sub3A_16 = arith.subf %mul3A_11, %sub3A : vector<2048x256xf32>
    %jit3A = arith.constant -1.000000e+30 : f32
    %broadcast_in_dim3A_17 = vector.broadcast %jit3A : f32 to vector<2048x256xf32>
    %select_n3A = arith.select %lt3A_15, %sub3A_16, %broadcast_in_dim3A_17 : vector<2048x256xi1>, vector<2048x256xf32>
    %mul3A_18 = arith.constant 2048 : i32
    %mul3A_19 = arith.muli %arg0, %mul3A_18 : i32
    %reduce_max3A = arith.constant dense<0xFF800000> : vector<256xf32>
    %reduce_max3A_20 = vector.multi_reduction <maximumf>, %select_n3A, %reduce_max3A [0] : vector<2048x256xf32> to vector<256xf32>
    %broadcast_in_dim3A_21 = vector.shape_cast %reduce_max3A_20 : vector<256xf32> to vector<1x256xf32>
    %eq3A = vector.broadcast %broadcast_in_dim3A_21 : vector<1x256xf32> to vector<2048x256xf32>
    %eq3A_22 = arith.cmpf oeq, %select_n3A, %eq3A : vector<2048x256xf32>
    %jit3A_23 = arith.constant 2048 : i32
    %broadcast_in_dim3A_24 = vector.broadcast %jit3A_23 : i32 to vector<2048x256xi32>
    %select_n3A_25 = arith.select %eq3A_22, %iota3A, %broadcast_in_dim3A_24 : vector<2048x256xi1>, vector<2048x256xi32>
    %reduce_min3A = arith.constant dense<2147483647> : vector<256xi32>
    %reduce_min3A_26 = vector.multi_reduction <minsi>, %select_n3A_25, %reduce_min3A [0] : vector<2048x256xi32> to vector<256xi32>
    %broadcast_in_dim3A_27 = vector.shape_cast %reduce_min3A_26 : vector<256xi32> to vector<1x256xi32>
    %min3A = arith.constant 1999 : i32
    %min3A_28 = vector.broadcast %min3A : i32 to vector<1x256xi32>
    %min3A_29 = arith.minsi %broadcast_in_dim3A_27, %min3A_28 : vector<1x256xi32>
    %add3A = vector.broadcast %mul3A_19 : i32 to vector<1x256xi32>
    %add3A_30 = arith.addi %min3A_29, %add3A : vector<1x256xi32>
    %squeeze3A = vector.shape_cast %add3A_30 : vector<1x256xi32> to vector<256xi32>
    %swap3A = arith.constant 0 : index
    %swap3A_31 = arith.constant 0 : index
    %swap3A_32 = arith.constant 0 : index
    %swap3A_33 = arith.constant 0 : index
    %swap3A_34 = vector.load %arg6[%swap3A, %swap3A_31, %swap3A_32, %swap3A_33] : memref<10x1x1x256xi32, #tpu.memory_space<vmem>>, vector<1x1x1x256xi32>
    %swap3A_35 = vector.shape_cast %swap3A_34 : vector<1x1x1x256xi32> to vector<256xi32>
    %swap3A_36 = vector.shape_cast %squeeze3A : vector<256xi32> to vector<1x1x1x256xi32>
    tpu.vector_store %arg6[%swap3A, %swap3A_31, %swap3A_32, %swap3A_33], %swap3A_36 {strides = array<i32>} : memref<10x1x1x256xi32, #tpu.memory_space<vmem>>, vector<1x1x1x256xi32>,
    %eq3A_37 = vector.broadcast %min3A_29 : vector<1x256xi32> to vector<2048x256xi32>
    %eq3A_38 = arith.cmpi eq, %iota3A, %eq3A_37 : vector<2048x256xi32>
    %jit3A_39 = arith.constant -1.000000e+30 : f32
    %broadcast_in_dim3A_40 = vector.broadcast %jit3A_39 : f32 to vector<2048x256xf32>
    %select_n3A_41 = arith.select %eq3A_38, %broadcast_in_dim3A_40, %select_n3A : vector<2048x256xi1>, vector<2048x256xf32>
    %reduce_max3A_42 = arith.constant dense<0xFF800000> : vector<256xf32>
    %reduce_max3A_43 = vector.multi_reduction <maximumf>, %select_n3A_41, %reduce_max3A_42 [0] : vector<2048x256xf32> to vector<256xf32>
    %broadcast_in_dim3A_44 = vector.shape_cast %reduce_max3A_43 : vector<256xf32> to vector<1x256xf32>
    %eq3A_45 = vector.broadcast %broadcast_in_dim3A_44 : vector<1x256xf32> to vector<2048x256xf32>
    %eq3A_46 = arith.cmpf oeq, %select_n3A_41, %eq3A_45 : vector<2048x256xf32>
    %jit3A_47 = arith.constant 2048 : i32
    %broadcast_in_dim3A_48 = vector.broadcast %jit3A_47 : i32 to vector<2048x256xi32>
    %select_n3A_49 = arith.select %eq3A_46, %iota3A, %broadcast_in_dim3A_48 : vector<2048x256xi1>, vector<2048x256xi32>
    %reduce_min3A_50 = arith.constant dense<2147483647> : vector<256xi32>
    %reduce_min3A_51 = vector.multi_reduction <minsi>, %select_n3A_49, %reduce_min3A_50 [0] : vector<2048x256xi32> to vector<256xi32>
    %broadcast_in_dim3A_52 = vector.shape_cast %reduce_min3A_51 : vector<256xi32> to vector<1x256xi32>
    %min3A_53 = arith.constant 1999 : i32
    %min3A_54 = vector.broadcast %min3A_53 : i32 to vector<1x256xi32>
    %min3A_55 = arith.minsi %broadcast_in_dim3A_52, %min3A_54 : vector<1x256xi32>
    %add3A_56 = vector.broadcast %mul3A_19 : i32 to vector<1x256xi32>
    %add3A_57 = arith.addi %min3A_55, %add3A_56 : vector<1x256xi32>
    %squeeze3A_58 = vector.shape_cast %add3A_57 : vector<1x256xi32> to vector<256xi32>
    %swap3A_59 = arith.constant 1 : index
    %swap3A_60 = arith.constant 0 : index
    %swap3A_61 = arith.constant 0 : index
    %swap3A_62 = arith.constant 0 : index
    %swap3A_63 = vector.load %arg6[%swap3A_59, %swap3A_60, %swap3A_61, %swap3A_62] : memref<10x1x1x256xi32, #tpu.memory_space<vmem>>, vector<1x1x1x256xi32>
    %swap3A_64 = vector.shape_cast %swap3A_63 : vector<1x1x1x256xi32> to vector<256xi32>
    %swap3A_65 = vector.shape_cast %squeeze3A_58 : vector<256xi32> to vector<1x1x1x256xi32>
    tpu.vector_store %arg6[%swap3A_59, %swap3A_60, %swap3A_61, %swap3A_62], %swap3A_65 {strides = array<i32>} : memref<10x1x1x256xi32, #tpu.memory_space<vmem>>, vector<1x1x1x256xi32>,
    %eq3A_66 = vector.broadcast %min3A_55 : vector<1x256xi32> to vector<2048x256xi32>
    %eq3A_67 = arith.cmpi eq, %iota3A, %eq3A_66 : vector<2048x256xi32>
    %jit3A_68 = arith.constant -1.000000e+30 : f32
    %broadcast_in_dim3A_69 = vector.broadcast %jit3A_68 : f32 to vector<2048x256xf32>
    %select_n3A_70 = arith.select %eq3A_67, %broadcast_in_dim3A_69, %select_n3A_41 : vector<2048x256xi1>, vector<2048x256xf32>
    %reduce_max3A_71 = arith.constant dense<0xFF800000> : vector<256xf32>
    %reduce_max3A_72 = vector.multi_reduction <maximumf>, %select_n3A_70, %reduce_max3A_71 [0] : vector<2048x256xf32> to vector<256xf32>
    %broadcast_in_dim3A_73 = vector.shape_cast %reduce_max3A_72 : vector<256xf32> to vector<1x256xf32>
    %eq3A_74 = vector.broadcast %broadcast_in_dim3A_73 : vector<1x256xf32> to vector<2048x256xf32>
    %eq3A_75 = arith.cmpf oeq, %select_n3A_70, %eq3A_74 : vector<2048x256xf32>
    %jit3A_76 = arith.constant 2048 : i32
    %broadcast_in_dim3A_77 = vector.broadcast %jit3A_76 : i32 to vector<2048x256xi32>
    %select_n3A_78 = arith.select %eq3A_75, %iota3A, %broadcast_in_dim3A_77 : vector<2048x256xi1>, vector<2048x256xi32>
    %reduce_min3A_79 = arith.constant dense<2147483647> : vector<256xi32>
    %reduce_min3A_80 = vector.multi_reduction <minsi>, %select_n3A_78, %reduce_min3A_79 [0] : vector<2048x256xi32> to vector<256xi32>
    %broadcast_in_dim3A_81 = vector.shape_cast %reduce_min3A_80 : vector<256xi32> to vector<1x256xi32>
    %min3A_82 = arith.constant 1999 : i32
    %min3A_83 = vector.broadcast %min3A_82 : i32 to vector<1x256xi32>
    %min3A_84 = arith.minsi %broadcast_in_dim3A_81, %min3A_83 : vector<1x256xi32>
    %add3A_85 = vector.broadcast %mul3A_19 : i32 to vector<1x256xi32>
    %add3A_86 = arith.addi %min3A_84, %add3A_85 : vector<1x256xi32>
    %squeeze3A_87 = vector.shape_cast %add3A_86 : vector<1x256xi32> to vector<256xi32>
    %swap3A_88 = arith.constant 2 : index
    %swap3A_89 = arith.constant 0 : index
    %swap3A_90 = arith.constant 0 : index
    %swap3A_91 = arith.constant 0 : index
    %swap3A_92 = vector.load %arg6[%swap3A_88, %swap3A_89, %swap3A_90, %swap3A_91] : memref<10x1x1x256xi32, #tpu.memory_space<vmem>>, vector<1x1x1x256xi32>
    %swap3A_93 = vector.shape_cast %swap3A_92 : vector<1x1x1x256xi32> to vector<256xi32>
    %swap3A_94 = vector.shape_cast %squeeze3A_87 : vector<256xi32> to vector<1x1x1x256xi32>
    tpu.vector_store %arg6[%swap3A_88, %swap3A_89, %swap3A_90, %swap3A_91], %swap3A_94 {strides = array<i32>} : memref<10x1x1x256xi32, #tpu.memory_space<vmem>>, vector<1x1x1x256xi32>,
    %eq3A_95 = vector.broadcast %min3A_84 : vector<1x256xi32> to vector<2048x256xi32>
    %eq3A_96 = arith.cmpi eq, %iota3A, %eq3A_95 : vector<2048x256xi32>
    %jit3A_97 = arith.constant -1.000000e+30 : f32
    %broadcast_in_dim3A_98 = vector.broadcast %jit3A_97 : f32 to vector<2048x256xf32>
    %select_n3A_99 = arith.select %eq3A_96, %broadcast_in_dim3A_98, %select_n3A_70 : vector<2048x256xi1>, vector<2048x256xf32>
    %reduce_max3A_100 = arith.constant dense<0xFF800000> : vector<256xf32>
    %reduce_max3A_101 = vector.multi_reduction <maximumf>, %select_n3A_99, %reduce_max3A_100 [0] : vector<2048x256xf32> to vector<256xf32>
    %broadcast_in_dim3A_102 = vector.shape_cast %reduce_max3A_101 : vector<256xf32> to vector<1x256xf32>
    %eq3A_103 = vector.broadcast %broadcast_in_dim3A_102 : vector<1x256xf32> to vector<2048x256xf32>
    %eq3A_104 = arith.cmpf oeq, %select_n3A_99, %eq3A_103 : vector<2048x256xf32>
    %jit3A_105 = arith.constant 2048 : i32
    %broadcast_in_dim3A_106 = vector.broadcast %jit3A_105 : i32 to vector<2048x256xi32>
    %select_n3A_107 = arith.select %eq3A_104, %iota3A, %broadcast_in_dim3A_106 : vector<2048x256xi1>, vector<2048x256xi32>
    %reduce_min3A_108 = arith.constant dense<2147483647> : vector<256xi32>
    %reduce_min3A_109 = vector.multi_reduction <minsi>, %select_n3A_107, %reduce_min3A_108 [0] : vector<2048x256xi32> to vector<256xi32>
    %broadcast_in_dim3A_110 = vector.shape_cast %reduce_min3A_109 : vector<256xi32> to vector<1x256xi32>
    %min3A_111 = arith.constant 1999 : i32
    %min3A_112 = vector.broadcast %min3A_111 : i32 to vector<1x256xi32>
    %min3A_113 = arith.minsi %broadcast_in_dim3A_110, %min3A_112 : vector<1x256xi32>
    %add3A_114 = vector.broadcast %mul3A_19 : i32 to vector<1x256xi32>
    %add3A_115 = arith.addi %min3A_113, %add3A_114 : vector<1x256xi32>
    %squeeze3A_116 = vector.shape_cast %add3A_115 : vector<1x256xi32> to vector<256xi32>
    %swap3A_117 = arith.constant 3 : index
    %swap3A_118 = arith.constant 0 : index
    %swap3A_119 = arith.constant 0 : index
    %swap3A_120 = arith.constant 0 : index
    %swap3A_121 = vector.load %arg6[%swap3A_117, %swap3A_118, %swap3A_119, %swap3A_120] : memref<10x1x1x256xi32, #tpu.memory_space<vmem>>, vector<1x1x1x256xi32>
    %swap3A_122 = vector.shape_cast %swap3A_121 : vector<1x1x1x256xi32> to vector<256xi32>
    %swap3A_123 = vector.shape_cast %squeeze3A_116 : vector<256xi32> to vector<1x1x1x256xi32>
    tpu.vector_store %arg6[%swap3A_117, %swap3A_118, %swap3A_119, %swap3A_120], %swap3A_123 {strides = array<i32>} : memref<10x1x1x256xi32, #tpu.memory_space<vmem>>, vector<1x1x1x256xi32>,
    %eq3A_124 = vector.broadcast %min3A_113 : vector<1x256xi32> to vector<2048x256xi32>
    %eq3A_125 = arith.cmpi eq, %iota3A, %eq3A_124 : vector<2048x256xi32>
    %jit3A_126 = arith.constant -1.000000e+30 : f32
    %broadcast_in_dim3A_127 = vector.broadcast %jit3A_126 : f32 to vector<2048x256xf32>
    %select_n3A_128 = arith.select %eq3A_125, %broadcast_in_dim3A_127, %select_n3A_99 : vector<2048x256xi1>, vector<2048x256xf32>
    %reduce_max3A_129 = arith.constant dense<0xFF800000> : vector<256xf32>
    %reduce_max3A_130 = vector.multi_reduction <maximumf>, %select_n3A_128, %reduce_max3A_129 [0] : vector<2048x256xf32> to vector<256xf32>
    %broadcast_in_dim3A_131 = vector.shape_cast %reduce_max3A_130 : vector<256xf32> to vector<1x256xf32>
    %eq3A_132 = vector.broadcast %broadcast_in_dim3A_131 : vector<1x256xf32> to vector<2048x256xf32>
    %eq3A_133 = arith.cmpf oeq, %select_n3A_128, %eq3A_132 : vector<2048x256xf32>
    %jit3A_134 = arith.constant 2048 : i32
    %broadcast_in_dim3A_135 = vector.broadcast %jit3A_134 : i32 to vector<2048x256xi32>
    %select_n3A_136 = arith.select %eq3A_133, %iota3A, %broadcast_in_dim3A_135 : vector<2048x256xi1>, vector<2048x256xi32>
    %reduce_min3A_137 = arith.constant dense<2147483647> : vector<256xi32>
    %reduce_min3A_138 = vector.multi_reduction <minsi>, %select_n3A_136, %reduce_min3A_137 [0] : vector<2048x256xi32> to vector<256xi32>
    %broadcast_in_dim3A_139 = vector.shape_cast %reduce_min3A_138 : vector<256xi32> to vector<1x256xi32>
    %min3A_140 = arith.constant 1999 : i32
    %min3A_141 = vector.broadcast %min3A_140 : i32 to vector<1x256xi32>
    %min3A_142 = arith.minsi %broadcast_in_dim3A_139, %min3A_141 : vector<1x256xi32>
    %add3A_143 = vector.broadcast %mul3A_19 : i32 to vector<1x256xi32>
    %add3A_144 = arith.addi %min3A_142, %add3A_143 : vector<1x256xi32>
    %squeeze3A_145 = vector.shape_cast %add3A_144 : vector<1x256xi32> to vector<256xi32>
    %swap3A_146 = arith.constant 4 : index
    %swap3A_147 = arith.constant 0 : index
    %swap3A_148 = arith.constant 0 : index
    %swap3A_149 = arith.constant 0 : index
    %swap3A_150 = vector.load %arg6[%swap3A_146, %swap3A_147, %swap3A_148, %swap3A_149] : memref<10x1x1x256xi32, #tpu.memory_space<vmem>>, vector<1x1x1x256xi32>
    %swap3A_151 = vector.shape_cast %swap3A_150 : vector<1x1x1x256xi32> to vector<256xi32>
    %swap3A_152 = vector.shape_cast %squeeze3A_145 : vector<256xi32> to vector<1x1x1x256xi32>
    tpu.vector_store %arg6[%swap3A_146, %swap3A_147, %swap3A_148, %swap3A_149], %swap3A_152 {strides = array<i32>} : memref<10x1x1x256xi32, #tpu.memory_space<vmem>>, vector<1x1x1x256xi32>,
    %eq3A_153 = vector.broadcast %min3A_142 : vector<1x256xi32> to vector<2048x256xi32>
    %eq3A_154 = arith.cmpi eq, %iota3A, %eq3A_153 : vector<2048x256xi32>
    %jit3A_155 = arith.constant -1.000000e+30 : f32
    %broadcast_in_dim3A_156 = vector.broadcast %jit3A_155 : f32 to vector<2048x256xf32>
    %select_n3A_157 = arith.select %eq3A_154, %broadcast_in_dim3A_156, %select_n3A_128 : vector<2048x256xi1>, vector<2048x256xf32>
    %reduce_max3A_158 = arith.constant dense<0xFF800000> : vector<256xf32>
    %reduce_max3A_159 = vector.multi_reduction <maximumf>, %select_n3A_157, %reduce_max3A_158 [0] : vector<2048x256xf32> to vector<256xf32>
    %broadcast_in_dim3A_160 = vector.shape_cast %reduce_max3A_159 : vector<256xf32> to vector<1x256xf32>
    %eq3A_161 = vector.broadcast %broadcast_in_dim3A_160 : vector<1x256xf32> to vector<2048x256xf32>
    %eq3A_162 = arith.cmpf oeq, %select_n3A_157, %eq3A_161 : vector<2048x256xf32>
    %jit3A_163 = arith.constant 2048 : i32
    %broadcast_in_dim3A_164 = vector.broadcast %jit3A_163 : i32 to vector<2048x256xi32>
    %select_n3A_165 = arith.select %eq3A_162, %iota3A, %broadcast_in_dim3A_164 : vector<2048x256xi1>, vector<2048x256xi32>
    %reduce_min3A_166 = arith.constant dense<2147483647> : vector<256xi32>
    %reduce_min3A_167 = vector.multi_reduction <minsi>, %select_n3A_165, %reduce_min3A_166 [0] : vector<2048x256xi32> to vector<256xi32>
    %broadcast_in_dim3A_168 = vector.shape_cast %reduce_min3A_167 : vector<256xi32> to vector<1x256xi32>
    %min3A_169 = arith.constant 1999 : i32
    %min3A_170 = vector.broadcast %min3A_169 : i32 to vector<1x256xi32>
    %min3A_171 = arith.minsi %broadcast_in_dim3A_168, %min3A_170 : vector<1x256xi32>
    %add3A_172 = vector.broadcast %mul3A_19 : i32 to vector<1x256xi32>
    %add3A_173 = arith.addi %min3A_171, %add3A_172 : vector<1x256xi32>
    %squeeze3A_174 = vector.shape_cast %add3A_173 : vector<1x256xi32> to vector<256xi32>
    %swap3A_175 = arith.constant 5 : index
    %swap3A_176 = arith.constant 0 : index
    %swap3A_177 = arith.constant 0 : index
    %swap3A_178 = arith.constant 0 : index
    %swap3A_179 = vector.load %arg6[%swap3A_175, %swap3A_176, %swap3A_177, %swap3A_178] : memref<10x1x1x256xi32, #tpu.memory_space<vmem>>, vector<1x1x1x256xi32>
    %swap3A_180 = vector.shape_cast %swap3A_179 : vector<1x1x1x256xi32> to vector<256xi32>
    %swap3A_181 = vector.shape_cast %squeeze3A_174 : vector<256xi32> to vector<1x1x1x256xi32>
    tpu.vector_store %arg6[%swap3A_175, %swap3A_176, %swap3A_177, %swap3A_178], %swap3A_181 {strides = array<i32>} : memref<10x1x1x256xi32, #tpu.memory_space<vmem>>, vector<1x1x1x256xi32>,
    %eq3A_182 = vector.broadcast %min3A_171 : vector<1x256xi32> to vector<2048x256xi32>
    %eq3A_183 = arith.cmpi eq, %iota3A, %eq3A_182 : vector<2048x256xi32>
    %jit3A_184 = arith.constant -1.000000e+30 : f32
    %broadcast_in_dim3A_185 = vector.broadcast %jit3A_184 : f32 to vector<2048x256xf32>
    %select_n3A_186 = arith.select %eq3A_183, %broadcast_in_dim3A_185, %select_n3A_157 : vector<2048x256xi1>, vector<2048x256xf32>
    %reduce_max3A_187 = arith.constant dense<0xFF800000> : vector<256xf32>
    %reduce_max3A_188 = vector.multi_reduction <maximumf>, %select_n3A_186, %reduce_max3A_187 [0] : vector<2048x256xf32> to vector<256xf32>
    %broadcast_in_dim3A_189 = vector.shape_cast %reduce_max3A_188 : vector<256xf32> to vector<1x256xf32>
    %eq3A_190 = vector.broadcast %broadcast_in_dim3A_189 : vector<1x256xf32> to vector<2048x256xf32>
    %eq3A_191 = arith.cmpf oeq, %select_n3A_186, %eq3A_190 : vector<2048x256xf32>
    %jit3A_192 = arith.constant 2048 : i32
    %broadcast_in_dim3A_193 = vector.broadcast %jit3A_192 : i32 to vector<2048x256xi32>
    %select_n3A_194 = arith.select %eq3A_191, %iota3A, %broadcast_in_dim3A_193 : vector<2048x256xi1>, vector<2048x256xi32>
    %reduce_min3A_195 = arith.constant dense<2147483647> : vector<256xi32>
    %reduce_min3A_196 = vector.multi_reduction <minsi>, %select_n3A_194, %reduce_min3A_195 [0] : vector<2048x256xi32> to vector<256xi32>
    %broadcast_in_dim3A_197 = vector.shape_cast %reduce_min3A_196 : vector<256xi32> to vector<1x256xi32>
    %min3A_198 = arith.constant 1999 : i32
    %min3A_199 = vector.broadcast %min3A_198 : i32 to vector<1x256xi32>
    %min3A_200 = arith.minsi %broadcast_in_dim3A_197, %min3A_199 : vector<1x256xi32>
    %add3A_201 = vector.broadcast %mul3A_19 : i32 to vector<1x256xi32>
    %add3A_202 = arith.addi %min3A_200, %add3A_201 : vector<1x256xi32>
    %squeeze3A_203 = vector.shape_cast %add3A_202 : vector<1x256xi32> to vector<256xi32>
    %swap3A_204 = arith.constant 6 : index
    %swap3A_205 = arith.constant 0 : index
    %swap3A_206 = arith.constant 0 : index
    %swap3A_207 = arith.constant 0 : index
    %swap3A_208 = vector.load %arg6[%swap3A_204, %swap3A_205, %swap3A_206, %swap3A_207] : memref<10x1x1x256xi32, #tpu.memory_space<vmem>>, vector<1x1x1x256xi32>
    %swap3A_209 = vector.shape_cast %swap3A_208 : vector<1x1x1x256xi32> to vector<256xi32>
    %swap3A_210 = vector.shape_cast %squeeze3A_203 : vector<256xi32> to vector<1x1x1x256xi32>
    tpu.vector_store %arg6[%swap3A_204, %swap3A_205, %swap3A_206, %swap3A_207], %swap3A_210 {strides = array<i32>} : memref<10x1x1x256xi32, #tpu.memory_space<vmem>>, vector<1x1x1x256xi32>,
    %eq3A_211 = vector.broadcast %min3A_200 : vector<1x256xi32> to vector<2048x256xi32>
    %eq3A_212 = arith.cmpi eq, %iota3A, %eq3A_211 : vector<2048x256xi32>
    %jit3A_213 = arith.constant -1.000000e+30 : f32
    %broadcast_in_dim3A_214 = vector.broadcast %jit3A_213 : f32 to vector<2048x256xf32>
    %select_n3A_215 = arith.select %eq3A_212, %broadcast_in_dim3A_214, %select_n3A_186 : vector<2048x256xi1>, vector<2048x256xf32>
    %reduce_max3A_216 = arith.constant dense<0xFF800000> : vector<256xf32>
    %reduce_max3A_217 = vector.multi_reduction <maximumf>, %select_n3A_215, %reduce_max3A_216 [0] : vector<2048x256xf32> to vector<256xf32>
    %broadcast_in_dim3A_218 = vector.shape_cast %reduce_max3A_217 : vector<256xf32> to vector<1x256xf32>
    %eq3A_219 = vector.broadcast %broadcast_in_dim3A_218 : vector<1x256xf32> to vector<2048x256xf32>
    %eq3A_220 = arith.cmpf oeq, %select_n3A_215, %eq3A_219 : vector<2048x256xf32>
    %jit3A_221 = arith.constant 2048 : i32
    %broadcast_in_dim3A_222 = vector.broadcast %jit3A_221 : i32 to vector<2048x256xi32>
    %select_n3A_223 = arith.select %eq3A_220, %iota3A, %broadcast_in_dim3A_222 : vector<2048x256xi1>, vector<2048x256xi32>
    %reduce_min3A_224 = arith.constant dense<2147483647> : vector<256xi32>
    %reduce_min3A_225 = vector.multi_reduction <minsi>, %select_n3A_223, %reduce_min3A_224 [0] : vector<2048x256xi32> to vector<256xi32>
    %broadcast_in_dim3A_226 = vector.shape_cast %reduce_min3A_225 : vector<256xi32> to vector<1x256xi32>
    %min3A_227 = arith.constant 1999 : i32
    %min3A_228 = vector.broadcast %min3A_227 : i32 to vector<1x256xi32>
    %min3A_229 = arith.minsi %broadcast_in_dim3A_226, %min3A_228 : vector<1x256xi32>
    %add3A_230 = vector.broadcast %mul3A_19 : i32 to vector<1x256xi32>
    %add3A_231 = arith.addi %min3A_229, %add3A_230 : vector<1x256xi32>
    %squeeze3A_232 = vector.shape_cast %add3A_231 : vector<1x256xi32> to vector<256xi32>
    %swap3A_233 = arith.constant 7 : index
    %swap3A_234 = arith.constant 0 : index
    %swap3A_235 = arith.constant 0 : index
    %swap3A_236 = arith.constant 0 : index
    %swap3A_237 = vector.load %arg6[%swap3A_233, %swap3A_234, %swap3A_235, %swap3A_236] : memref<10x1x1x256xi32, #tpu.memory_space<vmem>>, vector<1x1x1x256xi32>
    %swap3A_238 = vector.shape_cast %swap3A_237 : vector<1x1x1x256xi32> to vector<256xi32>
    %swap3A_239 = vector.shape_cast %squeeze3A_232 : vector<256xi32> to vector<1x1x1x256xi32>
    tpu.vector_store %arg6[%swap3A_233, %swap3A_234, %swap3A_235, %swap3A_236], %swap3A_239 {strides = array<i32>} : memref<10x1x1x256xi32, #tpu.memory_space<vmem>>, vector<1x1x1x256xi32>,
    %eq3A_240 = vector.broadcast %min3A_229 : vector<1x256xi32> to vector<2048x256xi32>
    %eq3A_241 = arith.cmpi eq, %iota3A, %eq3A_240 : vector<2048x256xi32>
    %jit3A_242 = arith.constant -1.000000e+30 : f32
    %broadcast_in_dim3A_243 = vector.broadcast %jit3A_242 : f32 to vector<2048x256xf32>
    %select_n3A_244 = arith.select %eq3A_241, %broadcast_in_dim3A_243, %select_n3A_215 : vector<2048x256xi1>, vector<2048x256xf32>
    %reduce_max3A_245 = arith.constant dense<0xFF800000> : vector<256xf32>
    %reduce_max3A_246 = vector.multi_reduction <maximumf>, %select_n3A_244, %reduce_max3A_245 [0] : vector<2048x256xf32> to vector<256xf32>
    %broadcast_in_dim3A_247 = vector.shape_cast %reduce_max3A_246 : vector<256xf32> to vector<1x256xf32>
    %eq3A_248 = vector.broadcast %broadcast_in_dim3A_247 : vector<1x256xf32> to vector<2048x256xf32>
    %eq3A_249 = arith.cmpf oeq, %select_n3A_244, %eq3A_248 : vector<2048x256xf32>
    %jit3A_250 = arith.constant 2048 : i32
    %broadcast_in_dim3A_251 = vector.broadcast %jit3A_250 : i32 to vector<2048x256xi32>
    %select_n3A_252 = arith.select %eq3A_249, %iota3A, %broadcast_in_dim3A_251 : vector<2048x256xi1>, vector<2048x256xi32>
    %reduce_min3A_253 = arith.constant dense<2147483647> : vector<256xi32>
    %reduce_min3A_254 = vector.multi_reduction <minsi>, %select_n3A_252, %reduce_min3A_253 [0] : vector<2048x256xi32> to vector<256xi32>
    %broadcast_in_dim3A_255 = vector.shape_cast %reduce_min3A_254 : vector<256xi32> to vector<1x256xi32>
    %min3A_256 = arith.constant 1999 : i32
    %min3A_257 = vector.broadcast %min3A_256 : i32 to vector<1x256xi32>
    %min3A_258 = arith.minsi %broadcast_in_dim3A_255, %min3A_257 : vector<1x256xi32>
    %add3A_259 = vector.broadcast %mul3A_19 : i32 to vector<1x256xi32>
    %add3A_260 = arith.addi %min3A_258, %add3A_259 : vector<1x256xi32>
    %squeeze3A_261 = vector.shape_cast %add3A_260 : vector<1x256xi32> to vector<256xi32>
    %swap3A_262 = arith.constant 8 : index
    %swap3A_263 = arith.constant 0 : index
    %swap3A_264 = arith.constant 0 : index
    %swap3A_265 = arith.constant 0 : index
    %swap3A_266 = vector.load %arg6[%swap3A_262, %swap3A_263, %swap3A_264, %swap3A_265] : memref<10x1x1x256xi32, #tpu.memory_space<vmem>>, vector<1x1x1x256xi32>
    %swap3A_267 = vector.shape_cast %swap3A_266 : vector<1x1x1x256xi32> to vector<256xi32>
    %swap3A_268 = vector.shape_cast %squeeze3A_261 : vector<256xi32> to vector<1x1x1x256xi32>
    tpu.vector_store %arg6[%swap3A_262, %swap3A_263, %swap3A_264, %swap3A_265], %swap3A_268 {strides = array<i32>} : memref<10x1x1x256xi32, #tpu.memory_space<vmem>>, vector<1x1x1x256xi32>,
    %add3A_269 = vector.broadcast %mul3A_19 : i32 to vector<1x256xi32>
    %add3A_270 = arith.addi %min3A_29, %add3A_269 : vector<1x256xi32>
    %squeeze3A_271 = vector.shape_cast %add3A_270 : vector<1x256xi32> to vector<256xi32>
    %swap3A_272 = arith.constant 9 : index
    %swap3A_273 = arith.constant 0 : index
    %swap3A_274 = arith.constant 0 : index
    %swap3A_275 = arith.constant 0 : index
    %swap3A_276 = vector.load %arg6[%swap3A_272, %swap3A_273, %swap3A_274, %swap3A_275] : memref<10x1x1x256xi32, #tpu.memory_space<vmem>>, vector<1x1x1x256xi32>
    %swap3A_277 = vector.shape_cast %swap3A_276 : vector<1x1x1x256xi32> to vector<256xi32>
    %swap3A_278 = vector.shape_cast %squeeze3A_271 : vector<256xi32> to vector<1x1x1x256xi32>
    tpu.vector_store %arg6[%swap3A_272, %swap3A_273, %swap3A_274, %swap3A_275], %swap3A_278 {strides = array<i32>} : memref<10x1x1x256xi32, #tpu.memory_space<vmem>>, vector<1x1x1x256xi32>,
    %get3A_279 = arith.constant 0 : index
    %get3A_280 = arith.constant 0 : index
    %get3A_281 = vector.load %arg4[%get3A_279, %get3A_280] : memref<128x128xf32, #tpu.memory_space<vmem>>, vector<128x128xf32>
    %dot_general3A_282 = arith.constant dense<0.000000e+00> : vector<256x128xf32>
    %dot_general3A_283 = tpu.matmul %get3A_3, %get3A_281, %dot_general3A_282 {dimension_numbers = #tpu.dot_dimension_numbers<[0], [0], [1], [1], [0, 1, 1, 1], [], []>, transpose_lhs_hint = false} : vector<128x256xf32>, vector<128x128xf32>, vector<256x128xf32> -> vector<256x128xf32>
    %swap3A_284 = arith.constant 0 : index
    %swap3A_285 = arith.constant 0 : index
    %swap3A_286 = arith.constant 0 : index
    %swap3A_287 = vector.load %arg7[%swap3A_284, %swap3A_285, %swap3A_286] : memref<1x256x128xf32, #tpu.memory_space<vmem>>, vector<1x256x128xf32>
    %swap3A_288 = vector.shape_cast %swap3A_287 : vector<1x256x128xf32> to vector<256x128xf32>
    %swap3A_289 = vector.shape_cast %dot_general3A_283 : vector<256x128xf32> to vector<1x256x128xf32>
    tpu.vector_store %arg7[%swap3A_284, %swap3A_285, %swap3A_286], %swap3A_289 {strides = array<i32>} : memref<1x256x128xf32, #tpu.memory_space<vmem>>, vector<1x256x128xf32>,
    %get3A_290 = arith.constant 0 : index
    %get3A_291 = arith.constant 0 : index
    %get3A_292 = vector.load %arg5[%get3A_290, %get3A_291] : memref<128x128xf32, #tpu.memory_space<vmem>>, vector<128x128xf32>
    %dot_general3A_293 = arith.constant dense<0.000000e+00> : vector<256x128xf32>
    %dot_general3A_294 = tpu.matmul %get3A_3, %get3A_292, %dot_general3A_293 {dimension_numbers = #tpu.dot_dimension_numbers<[0], [0], [1], [1], [0, 1, 1, 1], [], []>, transpose_lhs_hint = false} : vector<128x256xf32>, vector<128x128xf32>, vector<256x128xf32> -> vector<256x128xf32>
    %swap3A_295 = arith.constant 0 : index
    %swap3A_296 = arith.constant 0 : index
    %swap3A_297 = arith.constant 0 : index
    %swap3A_298 = vector.load %arg8[%swap3A_295, %swap3A_296, %swap3A_297] : memref<1x256x128xf32, #tpu.memory_space<vmem>>, vector<1x256x128xf32>
    %swap3A_299 = vector.shape_cast %swap3A_298 : vector<1x256x128xf32> to vector<256x128xf32>
    %swap3A_300 = vector.shape_cast %dot_general3A_294 : vector<256x128xf32> to vector<1x256x128xf32>
    tpu.vector_store %arg8[%swap3A_295, %swap3A_296, %swap3A_297], %swap3A_300 {strides = array<i32>} : memref<1x256x128xf32, #tpu.memory_space<vmem>>, vector<1x256x128xf32>,
    return
  }
  func.func @transform_0(%arg0: i32, %arg1: i32) -> (i32, i32, i32) {
    %c0_i32 = arith.constant 0 : i32
    %c0_i32_0 = arith.constant 0 : i32
    return %arg0, %c0_i32, %arg1 : i32, i32, i32
  }
  func.func @transform_1(%arg0: i32, %arg1: i32) -> (i32, i32, i32) {
    %c0_i32 = arith.constant 0 : i32
    %c0_i32_0 = arith.constant 0 : i32
    %c0_i32_1 = arith.constant 0 : i32
    return %arg0, %c0_i32, %c0_i32_0 : i32, i32, i32
  }
  func.func @transform_2(%arg0: i32, %arg1: i32) -> (i32, i32) {
    %c0_i32 = arith.constant 0 : i32
    %c0_i32_0 = arith.constant 0 : i32
    %c0_i32_1 = arith.constant 0 : i32
    return %c0_i32, %c0_i32_0 : i32, i32
  }
  func.func @transform_3(%arg0: i32, %arg1: i32) -> (i32, i32) {
    %c0_i32 = arith.constant 0 : i32
    %c0_i32_0 = arith.constant 0 : i32
    %c0_i32_1 = arith.constant 0 : i32
    return %c0_i32, %c0_i32_0 : i32, i32
  }
  func.func @transform_4(%arg0: i32, %arg1: i32) -> (i32, i32, i32, i32) {
    %mul3A = arith.constant 8 : i32
    %mul3A_0 = arith.muli %arg0, %mul3A : i32
    %add3A = arith.addi %mul3A_0, %arg1 : i32
    %c0_i32 = arith.constant 0 : i32
    %c0_i32_1 = arith.constant 0 : i32
    %c0_i32_2 = arith.constant 0 : i32
    %c0_i32_3 = arith.constant 0 : i32
    return %c0_i32, %add3A, %c0_i32_1, %c0_i32_2 : i32, i32, i32, i32
  }
  func.func @transform_5(%arg0: i32, %arg1: i32) -> (i32, i32, i32) {
    %c0_i32 = arith.constant 0 : i32
    %c0_i32_0 = arith.constant 0 : i32
    return %arg0, %arg1, %c0_i32 : i32, i32, i32
  }
  func.func @transform_6(%arg0: i32, %arg1: i32) -> (i32, i32, i32) {
    %c0_i32 = arith.constant 0 : i32
    %c0_i32_0 = arith.constant 0 : i32
    return %arg0, %arg1, %c0_i32 : i32, i32, i32
  }
}

module attributes {stable_mosaic.version = 14 : i64} {
  func.func @_k3_body(%arg0: i32, %arg1: memref<1x256x128xf32, #tpu.memory_space<vmem>>, %arg2: memref<1x256x128xf32, #tpu.memory_space<vmem>>, %arg3: memref<1x256x128xf32, #tpu.memory_space<vmem>>, %arg4: memref<1x256x128xf32, #tpu.memory_space<vmem>>, %arg5: memref<1x256x128xf32, #tpu.memory_space<vmem>>, %arg6: memref<1x256x128xf32, #tpu.memory_space<vmem>>, %arg7: memref<1x256x128xf32, #tpu.memory_space<vmem>>, %arg8: memref<1x256x128xf32, #tpu.memory_space<vmem>>, %arg9: memref<1x256x128xf32, #tpu.memory_space<vmem>>, %arg10: memref<1x256x128xf32, #tpu.memory_space<vmem>>, %arg11: memref<256x128xf32, #tpu.memory_space<vmem>>, %arg12: memref<128x128xf32, #tpu.memory_space<vmem>>, %arg13: memref<1x128xf32, #tpu.memory_space<vmem>>, %arg14: memref<1x128xf32, #tpu.memory_space<vmem>>, %arg15: memref<256x128xf32, #tpu.memory_space<vmem>>) attributes {dimension_semantics = [#tpu.dimension_semantics<arbitrary>], iteration_bounds = array<i64: 16>, scalar_prefetch = 0 : i64, scratch_operands = 0 : i64, tpu.core_type = #tpu.core_type<tc>, window_params = [{transform_indices = @transform_0, window_bounds = array<i64: 1, 256, 128>}, {transform_indices = @transform_1, window_bounds = array<i64: 1, 256, 128>}, {transform_indices = @transform_2, window_bounds = array<i64: 1, 256, 128>}, {transform_indices = @transform_3, window_bounds = array<i64: 1, 256, 128>}, {transform_indices = @transform_4, window_bounds = array<i64: 1, 256, 128>}, {transform_indices = @transform_5, window_bounds = array<i64: 1, 256, 128>}, {transform_indices = @transform_6, window_bounds = array<i64: 1, 256, 128>}, {transform_indices = @transform_7, window_bounds = array<i64: 1, 256, 128>}, {transform_indices = @transform_8, window_bounds = array<i64: 1, 256, 128>}, {transform_indices = @transform_9, window_bounds = array<i64: 1, 256, 128>}, {transform_indices = @transform_10, window_bounds = array<i64: 256, 128>}, {pipeline_mode = #tpu.pipeline_mode<synchronous>, transform_indices = @transform_11, window_bounds = array<i64: 128, 128>}, {pipeline_mode = #tpu.pipeline_mode<synchronous>, transform_indices = @transform_12, window_bounds = array<i64: 1, 128>}, {pipeline_mode = #tpu.pipeline_mode<synchronous>, transform_indices = @transform_13, window_bounds = array<i64: 1, 128>}, {transform_indices = @transform_14, window_bounds = array<i64: 256, 128>}]} {
    %get3A = arith.constant 0 : index
    %get3A_0 = arith.constant 0 : index
    %get3A_1 = vector.load %arg11[%get3A, %get3A_0] : memref<256x128xf32, #tpu.memory_space<vmem>>, vector<256x128xf32>
    %get3A_2 = arith.constant 0 : index
    %get3A_3 = arith.constant 0 : index
    %get3A_4 = vector.load %arg12[%get3A_2, %get3A_3] : memref<128x128xf32, #tpu.memory_space<vmem>>, vector<128x128xf32>
    %get3A_5 = arith.constant 0 : index
    %get3A_6 = arith.constant 0 : index
    %get3A_7 = vector.load %arg13[%get3A_5, %get3A_6] : memref<1x128xf32, #tpu.memory_space<vmem>>, vector<1x128xf32>
    %get3A_8 = arith.constant 0 : index
    %get3A_9 = arith.constant 0 : index
    %get3A_10 = vector.load %arg14[%get3A_8, %get3A_9] : memref<1x128xf32, #tpu.memory_space<vmem>>, vector<1x128xf32>
    %get3A_11 = arith.constant 0 : index
    %get3A_12 = arith.constant 0 : index
    %get3A_13 = arith.constant 0 : index
    %get3A_14 = vector.load %arg1[%get3A_11, %get3A_12, %get3A_13] : memref<1x256x128xf32, #tpu.memory_space<vmem>>, vector<1x256x128xf32>
    %get3A_15 = vector.shape_cast %get3A_14 : vector<1x256x128xf32> to vector<256x128xf32>
    %sub3A = arith.subf %get3A_1, %get3A_15 : vector<256x128xf32>
    %add3A = vector.broadcast %get3A_7 : vector<1x128xf32> to vector<256x128xf32>
    %add3A_16 = arith.addf %sub3A, %add3A : vector<256x128xf32>
    %max3A = arith.constant 0.000000e+00 : f32
    %max3A_17 = vector.broadcast %max3A : f32 to vector<256x128xf32>
    %max3A_18 = arith.maximumf %add3A_16, %max3A_17 : vector<256x128xf32>
    %dot_general3A = arith.constant dense<0.000000e+00> : vector<256x128xf32>
    %dot_general3A_19 = tpu.matmul %max3A_18, %get3A_4, %dot_general3A {dimension_numbers = #tpu.dot_dimension_numbers<[1], [0], [0], [1], [0, 0, 1, 1], [], []>, transpose_lhs_hint = false} : vector<256x128xf32>, vector<128x128xf32>, vector<256x128xf32> -> vector<256x128xf32>
    %add3A_20 = vector.broadcast %get3A_10 : vector<1x128xf32> to vector<256x128xf32>
    %add3A_21 = arith.addf %dot_general3A_19, %add3A_20 : vector<256x128xf32>
    %max3A_22 = arith.constant 0.000000e+00 : f32
    %max3A_23 = vector.broadcast %max3A_22 : f32 to vector<256x128xf32>
    %max3A_24 = arith.maximumf %add3A_21, %max3A_23 : vector<256x128xf32>
    %get3A_25 = arith.constant 0 : index
    %get3A_26 = arith.constant 0 : index
    %get3A_27 = arith.constant 0 : index
    %get3A_28 = vector.load %arg2[%get3A_25, %get3A_26, %get3A_27] : memref<1x256x128xf32, #tpu.memory_space<vmem>>, vector<1x256x128xf32>
    %get3A_29 = vector.shape_cast %get3A_28 : vector<1x256x128xf32> to vector<256x128xf32>
    %sub3A_30 = arith.subf %get3A_1, %get3A_29 : vector<256x128xf32>
    %add3A_31 = vector.broadcast %get3A_7 : vector<1x128xf32> to vector<256x128xf32>
    %add3A_32 = arith.addf %sub3A_30, %add3A_31 : vector<256x128xf32>
    %max3A_33 = arith.constant 0.000000e+00 : f32
    %max3A_34 = vector.broadcast %max3A_33 : f32 to vector<256x128xf32>
    %max3A_35 = arith.maximumf %add3A_32, %max3A_34 : vector<256x128xf32>
    %dot_general3A_36 = arith.constant dense<0.000000e+00> : vector<256x128xf32>
    %dot_general3A_37 = tpu.matmul %max3A_35, %get3A_4, %dot_general3A_36 {dimension_numbers = #tpu.dot_dimension_numbers<[1], [0], [0], [1], [0, 0, 1, 1], [], []>, transpose_lhs_hint = false} : vector<256x128xf32>, vector<128x128xf32>, vector<256x128xf32> -> vector<256x128xf32>
    %add3A_38 = vector.broadcast %get3A_10 : vector<1x128xf32> to vector<256x128xf32>
    %add3A_39 = arith.addf %dot_general3A_37, %add3A_38 : vector<256x128xf32>
    %max3A_40 = arith.constant 0.000000e+00 : f32
    %max3A_41 = vector.broadcast %max3A_40 : f32 to vector<256x128xf32>
    %max3A_42 = arith.maximumf %add3A_39, %max3A_41 : vector<256x128xf32>
    %max3A_43 = arith.maximumf %max3A_24, %max3A_42 : vector<256x128xf32>
    %get3A_44 = arith.constant 0 : index
    %get3A_45 = arith.constant 0 : index
    %get3A_46 = arith.constant 0 : index
    %get3A_47 = vector.load %arg3[%get3A_44, %get3A_45, %get3A_46] : memref<1x256x128xf32, #tpu.memory_space<vmem>>, vector<1x256x128xf32>
    %get3A_48 = vector.shape_cast %get3A_47 : vector<1x256x128xf32> to vector<256x128xf32>
    %sub3A_49 = arith.subf %get3A_1, %get3A_48 : vector<256x128xf32>
    %add3A_50 = vector.broadcast %get3A_7 : vector<1x128xf32> to vector<256x128xf32>
    %add3A_51 = arith.addf %sub3A_49, %add3A_50 : vector<256x128xf32>
    %max3A_52 = arith.constant 0.000000e+00 : f32
    %max3A_53 = vector.broadcast %max3A_52 : f32 to vector<256x128xf32>
    %max3A_54 = arith.maximumf %add3A_51, %max3A_53 : vector<256x128xf32>
    %dot_general3A_55 = arith.constant dense<0.000000e+00> : vector<256x128xf32>
    %dot_general3A_56 = tpu.matmul %max3A_54, %get3A_4, %dot_general3A_55 {dimension_numbers = #tpu.dot_dimension_numbers<[1], [0], [0], [1], [0, 0, 1, 1], [], []>, transpose_lhs_hint = false} : vector<256x128xf32>, vector<128x128xf32>, vector<256x128xf32> -> vector<256x128xf32>
    %add3A_57 = vector.broadcast %get3A_10 : vector<1x128xf32> to vector<256x128xf32>
    %add3A_58 = arith.addf %dot_general3A_56, %add3A_57 : vector<256x128xf32>
    %max3A_59 = arith.constant 0.000000e+00 : f32
    %max3A_60 = vector.broadcast %max3A_59 : f32 to vector<256x128xf32>
    %max3A_61 = arith.maximumf %add3A_58, %max3A_60 : vector<256x128xf32>
    %max3A_62 = arith.maximumf %max3A_43, %max3A_61 : vector<256x128xf32>
    %get3A_63 = arith.constant 0 : index
    %get3A_64 = arith.constant 0 : index
    %get3A_65 = arith.constant 0 : index
    %get3A_66 = vector.load %arg4[%get3A_63, %get3A_64, %get3A_65] : memref<1x256x128xf32, #tpu.memory_space<vmem>>, vector<1x256x128xf32>
    %get3A_67 = vector.shape_cast %get3A_66 : vector<1x256x128xf32> to vector<256x128xf32>
    %sub3A_68 = arith.subf %get3A_1, %get3A_67 : vector<256x128xf32>
    %add3A_69 = vector.broadcast %get3A_7 : vector<1x128xf32> to vector<256x128xf32>
    %add3A_70 = arith.addf %sub3A_68, %add3A_69 : vector<256x128xf32>
    %max3A_71 = arith.constant 0.000000e+00 : f32
    %max3A_72 = vector.broadcast %max3A_71 : f32 to vector<256x128xf32>
    %max3A_73 = arith.maximumf %add3A_70, %max3A_72 : vector<256x128xf32>
    %dot_general3A_74 = arith.constant dense<0.000000e+00> : vector<256x128xf32>
    %dot_general3A_75 = tpu.matmul %max3A_73, %get3A_4, %dot_general3A_74 {dimension_numbers = #tpu.dot_dimension_numbers<[1], [0], [0], [1], [0, 0, 1, 1], [], []>, transpose_lhs_hint = false} : vector<256x128xf32>, vector<128x128xf32>, vector<256x128xf32> -> vector<256x128xf32>
    %add3A_76 = vector.broadcast %get3A_10 : vector<1x128xf32> to vector<256x128xf32>
    %add3A_77 = arith.addf %dot_general3A_75, %add3A_76 : vector<256x128xf32>
    %max3A_78 = arith.constant 0.000000e+00 : f32
    %max3A_79 = vector.broadcast %max3A_78 : f32 to vector<256x128xf32>
    %max3A_80 = arith.maximumf %add3A_77, %max3A_79 : vector<256x128xf32>
    %max3A_81 = arith.maximumf %max3A_62, %max3A_80 : vector<256x128xf32>
    %get3A_82 = arith.constant 0 : index
    %get3A_83 = arith.constant 0 : index
    %get3A_84 = arith.constant 0 : index
    %get3A_85 = vector.load %arg5[%get3A_82, %get3A_83, %get3A_84] : memref<1x256x128xf32, #tpu.memory_space<vmem>>, vector<1x256x128xf32>
    %get3A_86 = vector.shape_cast %get3A_85 : vector<1x256x128xf32> to vector<256x128xf32>
    %sub3A_87 = arith.subf %get3A_1, %get3A_86 : vector<256x128xf32>
    %add3A_88 = vector.broadcast %get3A_7 : vector<1x128xf32> to vector<256x128xf32>
    %add3A_89 = arith.addf %sub3A_87, %add3A_88 : vector<256x128xf32>
    %max3A_90 = arith.constant 0.000000e+00 : f32
    %max3A_91 = vector.broadcast %max3A_90 : f32 to vector<256x128xf32>
    %max3A_92 = arith.maximumf %add3A_89, %max3A_91 : vector<256x128xf32>
    %dot_general3A_93 = arith.constant dense<0.000000e+00> : vector<256x128xf32>
    %dot_general3A_94 = tpu.matmul %max3A_92, %get3A_4, %dot_general3A_93 {dimension_numbers = #tpu.dot_dimension_numbers<[1], [0], [0], [1], [0, 0, 1, 1], [], []>, transpose_lhs_hint = false} : vector<256x128xf32>, vector<128x128xf32>, vector<256x128xf32> -> vector<256x128xf32>
    %add3A_95 = vector.broadcast %get3A_10 : vector<1x128xf32> to vector<256x128xf32>
    %add3A_96 = arith.addf %dot_general3A_94, %add3A_95 : vector<256x128xf32>
    %max3A_97 = arith.constant 0.000000e+00 : f32
    %max3A_98 = vector.broadcast %max3A_97 : f32 to vector<256x128xf32>
    %max3A_99 = arith.maximumf %add3A_96, %max3A_98 : vector<256x128xf32>
    %max3A_100 = arith.maximumf %max3A_81, %max3A_99 : vector<256x128xf32>
    %get3A_101 = arith.constant 0 : index
    %get3A_102 = arith.constant 0 : index
    %get3A_103 = arith.constant 0 : index
    %get3A_104 = vector.load %arg6[%get3A_101, %get3A_102, %get3A_103] : memref<1x256x128xf32, #tpu.memory_space<vmem>>, vector<1x256x128xf32>
    %get3A_105 = vector.shape_cast %get3A_104 : vector<1x256x128xf32> to vector<256x128xf32>
    %sub3A_106 = arith.subf %get3A_1, %get3A_105 : vector<256x128xf32>
    %add3A_107 = vector.broadcast %get3A_7 : vector<1x128xf32> to vector<256x128xf32>
    %add3A_108 = arith.addf %sub3A_106, %add3A_107 : vector<256x128xf32>
    %max3A_109 = arith.constant 0.000000e+00 : f32
    %max3A_110 = vector.broadcast %max3A_109 : f32 to vector<256x128xf32>
    %max3A_111 = arith.maximumf %add3A_108, %max3A_110 : vector<256x128xf32>
    %dot_general3A_112 = arith.constant dense<0.000000e+00> : vector<256x128xf32>
    %dot_general3A_113 = tpu.matmul %max3A_111, %get3A_4, %dot_general3A_112 {dimension_numbers = #tpu.dot_dimension_numbers<[1], [0], [0], [1], [0, 0, 1, 1], [], []>, transpose_lhs_hint = false} : vector<256x128xf32>, vector<128x128xf32>, vector<256x128xf32> -> vector<256x128xf32>
    %add3A_114 = vector.broadcast %get3A_10 : vector<1x128xf32> to vector<256x128xf32>
    %add3A_115 = arith.addf %dot_general3A_113, %add3A_114 : vector<256x128xf32>
    %max3A_116 = arith.constant 0.000000e+00 : f32
    %max3A_117 = vector.broadcast %max3A_116 : f32 to vector<256x128xf32>
    %max3A_118 = arith.maximumf %add3A_115, %max3A_117 : vector<256x128xf32>
    %max3A_119 = arith.maximumf %max3A_100, %max3A_118 : vector<256x128xf32>
    %get3A_120 = arith.constant 0 : index
    %get3A_121 = arith.constant 0 : index
    %get3A_122 = arith.constant 0 : index
    %get3A_123 = vector.load %arg7[%get3A_120, %get3A_121, %get3A_122] : memref<1x256x128xf32, #tpu.memory_space<vmem>>, vector<1x256x128xf32>
    %get3A_124 = vector.shape_cast %get3A_123 : vector<1x256x128xf32> to vector<256x128xf32>
    %sub3A_125 = arith.subf %get3A_1, %get3A_124 : vector<256x128xf32>
    %add3A_126 = vector.broadcast %get3A_7 : vector<1x128xf32> to vector<256x128xf32>
    %add3A_127 = arith.addf %sub3A_125, %add3A_126 : vector<256x128xf32>
    %max3A_128 = arith.constant 0.000000e+00 : f32
    %max3A_129 = vector.broadcast %max3A_128 : f32 to vector<256x128xf32>
    %max3A_130 = arith.maximumf %add3A_127, %max3A_129 : vector<256x128xf32>
    %dot_general3A_131 = arith.constant dense<0.000000e+00> : vector<256x128xf32>
    %dot_general3A_132 = tpu.matmul %max3A_130, %get3A_4, %dot_general3A_131 {dimension_numbers = #tpu.dot_dimension_numbers<[1], [0], [0], [1], [0, 0, 1, 1], [], []>, transpose_lhs_hint = false} : vector<256x128xf32>, vector<128x128xf32>, vector<256x128xf32> -> vector<256x128xf32>
    %add3A_133 = vector.broadcast %get3A_10 : vector<1x128xf32> to vector<256x128xf32>
    %add3A_134 = arith.addf %dot_general3A_132, %add3A_133 : vector<256x128xf32>
    %max3A_135 = arith.constant 0.000000e+00 : f32
    %max3A_136 = vector.broadcast %max3A_135 : f32 to vector<256x128xf32>
    %max3A_137 = arith.maximumf %add3A_134, %max3A_136 : vector<256x128xf32>
    %max3A_138 = arith.maximumf %max3A_119, %max3A_137 : vector<256x128xf32>
    %get3A_139 = arith.constant 0 : index
    %get3A_140 = arith.constant 0 : index
    %get3A_141 = arith.constant 0 : index
    %get3A_142 = vector.load %arg8[%get3A_139, %get3A_140, %get3A_141] : memref<1x256x128xf32, #tpu.memory_space<vmem>>, vector<1x256x128xf32>
    %get3A_143 = vector.shape_cast %get3A_142 : vector<1x256x128xf32> to vector<256x128xf32>
    %sub3A_144 = arith.subf %get3A_1, %get3A_143 : vector<256x128xf32>
    %add3A_145 = vector.broadcast %get3A_7 : vector<1x128xf32> to vector<256x128xf32>
    %add3A_146 = arith.addf %sub3A_144, %add3A_145 : vector<256x128xf32>
    %max3A_147 = arith.constant 0.000000e+00 : f32
    %max3A_148 = vector.broadcast %max3A_147 : f32 to vector<256x128xf32>
    %max3A_149 = arith.maximumf %add3A_146, %max3A_148 : vector<256x128xf32>
    %dot_general3A_150 = arith.constant dense<0.000000e+00> : vector<256x128xf32>
    %dot_general3A_151 = tpu.matmul %max3A_149, %get3A_4, %dot_general3A_150 {dimension_numbers = #tpu.dot_dimension_numbers<[1], [0], [0], [1], [0, 0, 1, 1], [], []>, transpose_lhs_hint = false} : vector<256x128xf32>, vector<128x128xf32>, vector<256x128xf32> -> vector<256x128xf32>
    %add3A_152 = vector.broadcast %get3A_10 : vector<1x128xf32> to vector<256x128xf32>
    %add3A_153 = arith.addf %dot_general3A_151, %add3A_152 : vector<256x128xf32>
    %max3A_154 = arith.constant 0.000000e+00 : f32
    %max3A_155 = vector.broadcast %max3A_154 : f32 to vector<256x128xf32>
    %max3A_156 = arith.maximumf %add3A_153, %max3A_155 : vector<256x128xf32>
    %max3A_157 = arith.maximumf %max3A_138, %max3A_156 : vector<256x128xf32>
    %get3A_158 = arith.constant 0 : index
    %get3A_159 = arith.constant 0 : index
    %get3A_160 = arith.constant 0 : index
    %get3A_161 = vector.load %arg9[%get3A_158, %get3A_159, %get3A_160] : memref<1x256x128xf32, #tpu.memory_space<vmem>>, vector<1x256x128xf32>
    %get3A_162 = vector.shape_cast %get3A_161 : vector<1x256x128xf32> to vector<256x128xf32>
    %sub3A_163 = arith.subf %get3A_1, %get3A_162 : vector<256x128xf32>
    %add3A_164 = vector.broadcast %get3A_7 : vector<1x128xf32> to vector<256x128xf32>
    %add3A_165 = arith.addf %sub3A_163, %add3A_164 : vector<256x128xf32>
    %max3A_166 = arith.constant 0.000000e+00 : f32
    %max3A_167 = vector.broadcast %max3A_166 : f32 to vector<256x128xf32>
    %max3A_168 = arith.maximumf %add3A_165, %max3A_167 : vector<256x128xf32>
    %dot_general3A_169 = arith.constant dense<0.000000e+00> : vector<256x128xf32>
    %dot_general3A_170 = tpu.matmul %max3A_168, %get3A_4, %dot_general3A_169 {dimension_numbers = #tpu.dot_dimension_numbers<[1], [0], [0], [1], [0, 0, 1, 1], [], []>, transpose_lhs_hint = false} : vector<256x128xf32>, vector<128x128xf32>, vector<256x128xf32> -> vector<256x128xf32>
    %add3A_171 = vector.broadcast %get3A_10 : vector<1x128xf32> to vector<256x128xf32>
    %add3A_172 = arith.addf %dot_general3A_170, %add3A_171 : vector<256x128xf32>
    %max3A_173 = arith.constant 0.000000e+00 : f32
    %max3A_174 = vector.broadcast %max3A_173 : f32 to vector<256x128xf32>
    %max3A_175 = arith.maximumf %add3A_172, %max3A_174 : vector<256x128xf32>
    %max3A_176 = arith.maximumf %max3A_157, %max3A_175 : vector<256x128xf32>
    %get3A_177 = arith.constant 0 : index
    %get3A_178 = arith.constant 0 : index
    %get3A_179 = arith.constant 0 : index
    %get3A_180 = vector.load %arg10[%get3A_177, %get3A_178, %get3A_179] : memref<1x256x128xf32, #tpu.memory_space<vmem>>, vector<1x256x128xf32>
    %get3A_181 = vector.shape_cast %get3A_180 : vector<1x256x128xf32> to vector<256x128xf32>
    %sub3A_182 = arith.subf %get3A_1, %get3A_181 : vector<256x128xf32>
    %add3A_183 = vector.broadcast %get3A_7 : vector<1x128xf32> to vector<256x128xf32>
    %add3A_184 = arith.addf %sub3A_182, %add3A_183 : vector<256x128xf32>
    %max3A_185 = arith.constant 0.000000e+00 : f32
    %max3A_186 = vector.broadcast %max3A_185 : f32 to vector<256x128xf32>
    %max3A_187 = arith.maximumf %add3A_184, %max3A_186 : vector<256x128xf32>
    %dot_general3A_188 = arith.constant dense<0.000000e+00> : vector<256x128xf32>
    %dot_general3A_189 = tpu.matmul %max3A_187, %get3A_4, %dot_general3A_188 {dimension_numbers = #tpu.dot_dimension_numbers<[1], [0], [0], [1], [0, 0, 1, 1], [], []>, transpose_lhs_hint = false} : vector<256x128xf32>, vector<128x128xf32>, vector<256x128xf32> -> vector<256x128xf32>
    %add3A_190 = vector.broadcast %get3A_10 : vector<1x128xf32> to vector<256x128xf32>
    %add3A_191 = arith.addf %dot_general3A_189, %add3A_190 : vector<256x128xf32>
    %max3A_192 = arith.constant 0.000000e+00 : f32
    %max3A_193 = vector.broadcast %max3A_192 : f32 to vector<256x128xf32>
    %max3A_194 = arith.maximumf %add3A_191, %max3A_193 : vector<256x128xf32>
    %max3A_195 = arith.maximumf %max3A_176, %max3A_194 : vector<256x128xf32>
    %swap3A = arith.constant 0 : index
    %swap3A_196 = arith.constant 0 : index
    %swap3A_197 = vector.load %arg15[%swap3A, %swap3A_196] : memref<256x128xf32, #tpu.memory_space<vmem>>, vector<256x128xf32>
    tpu.vector_store %arg15[%swap3A, %swap3A_196], %max3A_195 {strides = array<i32>} : memref<256x128xf32, #tpu.memory_space<vmem>>, vector<256x128xf32>,
    return
  }
  func.func @transform_0(%arg0: i32) -> (i32, i32, i32) {
    %c0_i32 = arith.constant 0 : i32
    %c0_i32_0 = arith.constant 0 : i32
    %c0_i32_1 = arith.constant 0 : i32
    return %c0_i32, %arg0, %c0_i32_0 : i32, i32, i32
  }
  func.func @transform_1(%arg0: i32) -> (i32, i32, i32) {
    %c1_i32 = arith.constant 1 : i32
    %c0_i32 = arith.constant 0 : i32
    %c0_i32_0 = arith.constant 0 : i32
    return %c1_i32, %arg0, %c0_i32 : i32, i32, i32
  }
  func.func @transform_2(%arg0: i32) -> (i32, i32, i32) {
    %c2_i32 = arith.constant 2 : i32
    %c0_i32 = arith.constant 0 : i32
    %c0_i32_0 = arith.constant 0 : i32
    return %c2_i32, %arg0, %c0_i32 : i32, i32, i32
  }
  func.func @transform_3(%arg0: i32) -> (i32, i32, i32) {
    %c3_i32 = arith.constant 3 : i32
    %c0_i32 = arith.constant 0 : i32
    %c0_i32_0 = arith.constant 0 : i32
    return %c3_i32, %arg0, %c0_i32 : i32, i32, i32
  }
  func.func @transform_4(%arg0: i32) -> (i32, i32, i32) {
    %c4_i32 = arith.constant 4 : i32
    %c0_i32 = arith.constant 0 : i32
    %c0_i32_0 = arith.constant 0 : i32
    return %c4_i32, %arg0, %c0_i32 : i32, i32, i32
  }
  func.func @transform_5(%arg0: i32) -> (i32, i32, i32) {
    %c5_i32 = arith.constant 5 : i32
    %c0_i32 = arith.constant 0 : i32
    %c0_i32_0 = arith.constant 0 : i32
    return %c5_i32, %arg0, %c0_i32 : i32, i32, i32
  }
  func.func @transform_6(%arg0: i32) -> (i32, i32, i32) {
    %c6_i32 = arith.constant 6 : i32
    %c0_i32 = arith.constant 0 : i32
    %c0_i32_0 = arith.constant 0 : i32
    return %c6_i32, %arg0, %c0_i32 : i32, i32, i32
  }
  func.func @transform_7(%arg0: i32) -> (i32, i32, i32) {
    %c7_i32 = arith.constant 7 : i32
    %c0_i32 = arith.constant 0 : i32
    %c0_i32_0 = arith.constant 0 : i32
    return %c7_i32, %arg0, %c0_i32 : i32, i32, i32
  }
  func.func @transform_8(%arg0: i32) -> (i32, i32, i32) {
    %c8_i32 = arith.constant 8 : i32
    %c0_i32 = arith.constant 0 : i32
    %c0_i32_0 = arith.constant 0 : i32
    return %c8_i32, %arg0, %c0_i32 : i32, i32, i32
  }
  func.func @transform_9(%arg0: i32) -> (i32, i32, i32) {
    %c9_i32 = arith.constant 9 : i32
    %c0_i32 = arith.constant 0 : i32
    %c0_i32_0 = arith.constant 0 : i32
    return %c9_i32, %arg0, %c0_i32 : i32, i32, i32
  }
  func.func @transform_10(%arg0: i32) -> (i32, i32) {
    %c0_i32 = arith.constant 0 : i32
    %c0_i32_0 = arith.constant 0 : i32
    return %arg0, %c0_i32 : i32, i32
  }
  func.func @transform_11(%arg0: i32) -> (i32, i32) {
    %c0_i32 = arith.constant 0 : i32
    %c0_i32_0 = arith.constant 0 : i32
    %c0_i32_1 = arith.constant 0 : i32
    return %c0_i32, %c0_i32_0 : i32, i32
  }
  func.func @transform_12(%arg0: i32) -> (i32, i32) {
    %c0_i32 = arith.constant 0 : i32
    %c0_i32_0 = arith.constant 0 : i32
    %c0_i32_1 = arith.constant 0 : i32
    return %c0_i32, %c0_i32_0 : i32, i32
  }
  func.func @transform_13(%arg0: i32) -> (i32, i32) {
    %c0_i32 = arith.constant 0 : i32
    %c0_i32_0 = arith.constant 0 : i32
    %c0_i32_1 = arith.constant 0 : i32
    return %c0_i32, %c0_i32_0 : i32, i32
  }
  func.func @transform_14(%arg0: i32) -> (i32, i32) {
    %c0_i32 = arith.constant 0 : i32
    %c0_i32_0 = arith.constant 0 : i32
    return %arg0, %c0_i32 : i32, i32
  }
}

</mosaic_0001>

<sc_bundles>
// kernel: kernel.14.cloned.1.call-start
scs
__scs_entry_jumppad:
0x0: {  	(pc) =	sbr.rel $0x88, $3  }
0x1: {  	(tag) =	ssettag $0x0;
	lr =	simm.s32 $0x1  }
0x2: {  	[smem:$0x3F98] =	sst lr;
	_ =	strace $0xD0000000  }
0x3: {  	_ = 	snop  }
0x4: {  	_ = 	snop  }
0x5: {  	_ = 	snop  }
0x6: {  	_ = 	snop  }
0x7: {  	_ = 	snop  }
__scs_overlays_trampoline_lowered:
0x8: {  	[smem:$0x3FA7] =	sst s0  }
0x9: {  	[smem:$0x3FA8] =	sst s1  }
0xa: {  	[smem:$0x3FA9] =	sst s2  }
0xb: {  	[smem:$0x3FAA] =	sst s3  }
0xc: {  	[smem:$0x3FAB] =	sst s4  }
0xd: {  	[smem:$0x3FAC] =	sst s5  }
0xe: {  	[smem:$0x3FAD] =	sst s6  }
0xf: {  	[smem:$0x3FAE] =	sst s7  }
0x10: {  	[smem:$0x3FAF] =	sst s8  }
0x11: {  	[smem:$0x3FB0] =	sst s9;
	s0 =	simm.s32 @!p0 $0x0  }
0x12: {  	s1 =	sld [smem:$0x3F96];
	s0 =	simm.s32 @p0 $0x1  }
0x13: {  	[smem:$0x3FB1] =	sst s0;
	s0 =	simm.s32 @!p1 $0x0  }
0x14: {  	s2 =	sld [smem:$0x3F95];
	s0 =	simm.s32 @p1 $0x1  }
0x15: {  	[smem:$0x3FB2] =	sst s0;
	s0 =	simm.s32 @!p2 $0x0  }
0x16: {  	s3 =	sld [smem:$0x3FDB];
	s0 =	simm.s32 @p2 $0x1  }
0x17: {  	s4 =	simm.s32 $0x1BF5;
	[smem:$0x3FB4] =	sst s0  }
0x18: {  	s0 =	sld [smem:$0x3F97];
	_ =	swait.ge [sflag:s4], $0x0  }
0x19: {  	s7 =	sld [smem:$0x3F98]  }
0x1a: {  	s8 =	sadd.s32 $0xFFFFE003, lr  }
0x1b: {  	s9 =	sadd.s32 $0xFFFFFEF7, lr;
	s5 =	simm.s32 $0xFFFFFFFF;
	p2 =	slt.u32 s8, $0xFFFFF086  }
0x1c: {  	p1 =	slt.u32 s9, $0xF7A;
	s5 =	simm.s32 @!p2 $0x0  }
0x1d: {  	s5 =	simm.s32 @p1 $0x1;
	p0 =	seq.s32 s7, s2  }
0x1e: {  	s7 =	smul.u32 @!p0 $0xF7A, s2;
	p2 =	seq.s32 @!p0 s5, $0x0  }
0x1f: {  	s9 =	smul.u32 $0xF7A, s1;
	s8 =	simm.s32 @!p0 $0x1BF5;
	p2 =	por !p2, p0  }
0x20: {  	[sflag:s8] =	ssyncset.s32 @!p0 $0xFFFFF086;
	s6 =	sadd.s32 @!p0 s3, s7;
	s7 =	simm.s32 @!p0 $0x108  }
0x21: {  	s3 =	sadd.s32 s3, s9;
	s6 =	sadd.s32 @!p0 $0x88, s6;
	s7 =	simm.s32 @p2 $0x1082  }
0x22: {  	[simem:s7], [sflag:s8] =	dma.local @!p0 [hbm:s6], $0xF7A  }
0x23: {  	s9 =	sor.u32 $0xD0000000, s2;
	s6 =	simm.s32 $0x108;
	_ =	swait.ge @!p0 [sflag:s8], $0x0  }
0x24: {  	s3 =	sadd.s32 $0x88, s3;
	s6 =	simm.s32 @!p1 $0x1082;
	[sflag:s4] =	ssyncset.s32 $0xFFFFF086  }
0x25: {  	[simem:s6], [sflag:s4] =	dma.local [hbm:s3], $0xF7A  }
0x26: {  	[smem:$0x3F98] =	sst s1;
	(tag) =	ssettag s2;
	_ =	strace s9  }
0x27: {  	s1 =	sld [smem:$0x3FA8]  }
0x28: {  	s2 =	sld [smem:$0x3FA9]  }
0x29: {  	s4 =	sld [smem:$0x3FAB]  }
0x2a: {  	p0 =	seq.s32 s5, $0x0;
	s5 =	sld [smem:$0x3FAC]  }
0x2b: {  	s6 =	sld [smem:$0x3FAD]  }
0x2c: {  	s7 =	sld [smem:$0x3FAE]  }
0x2d: {  	s3 =	simm.s32 $0x108;
	s8 =	sld [smem:$0x3FAF]  }
0x2e: {  	s3 =	simm.s32 @!p0 $0x1082;
	s9 =	sld [smem:$0x3FB0]  }
0x2f: {  	lr =	sadd.s32 s0, s3;
	s0 =	sld [smem:$0x3FA7]  }
0x30: {  	s3 =	sld [smem:$0x3FAA]  }
0x31: {  	[smem:$0x3FB3] =	sst s10  }
0x32: {  	s10 =	sld [smem:$0x3FB1];
	_ =	sdelay $0x3  }
0x33: {  	p0 =	seq.s32 s10, $0x1;
	s10 =	sld [smem:$0x3FB3];
	_ =	sdelay $0x3  }
0x34: {  	[smem:$0x3FB3] =	sst s10  }
0x35: {  	s10 =	sld [smem:$0x3FB2];
	_ =	sdelay $0x3  }
0x36: {  	p1 =	seq.s32 s10, $0x1;
	s10 =	sld [smem:$0x3FB3];
	_ =	sdelay $0x3  }
0x37: {  	[smem:$0x3FB3] =	sst s10  }
0x38: {  	s10 =	sld [smem:$0x3FB4]  }
0x39: {  	_ = 	snop;
	(pc) =	sbr.ind lr, $3  }
0x3a: {  	_ = 	snop  }
0x3b: {  	_ = 	snop  }
0x3c: {  	p2 =	seq.s32 s10, $0x1;
	s10 =	sld [smem:$0x3FB3]  }
0x3d: {  	_ =	shalt  }
0x3e: {  	_ =	shalt  }
0x3f: {  	_ =	shalt  }
0x40: {  	_ =	shalt  }
0x41: {  	_ =	shalt  }
0x42: {  	_ =	shalt  }
0x43: {  	_ =	shalt  }
0x44: {  	_ =	shalt  }
0x45: {  	_ =	shalt  }
0x46: {  	_ =	shalt  }
0x47: {  	_ =	shalt  }
0x48: {  	_ =	shalt  }
0x49: {  	_ =	shalt  }
0x4a: {  	_ =	shalt  }
0x4b: {  	_ =	shalt  }
0x4c: {  	_ =	shalt  }
0x4d: {  	_ =	shalt  }
0x4e: {  	_ =	shalt  }
0x4f: {  	_ =	shalt  }
0x50: {  	_ =	shalt  }
0x51: {  	_ =	shalt  }
0x52: {  	_ =	shalt  }
0x53: {  	_ =	shalt  }
0x54: {  	_ =	shalt  }
0x55: {  	_ =	shalt  }
0x56: {  	_ =	shalt  }
0x57: {  	_ =	shalt  }
0x58: {  	_ =	shalt  }
0x59: {  	_ =	shalt  }
0x5a: {  	_ =	shalt  }
0x5b: {  	_ =	shalt  }
0x5c: {  	_ =	shalt  }
0x5d: {  	_ =	shalt  }
0x5e: {  	_ =	shalt  }
0x5f: {  	_ =	shalt  }
0x60: {  	_ =	shalt  }
0x61: {  	_ =	shalt  }
0x62: {  	_ =	shalt  }
0x63: {  	_ =	shalt  }
0x64: {  	_ =	shalt  }
0x65: {  	_ =	shalt  }
0x66: {  	_ =	shalt  }
0x67: {  	_ =	shalt  }
0x68: {  	_ =	shalt  }
0x69: {  	_ =	shalt  }
0x6a: {  	_ =	shalt  }
0x6b: {  	_ =	shalt  }
0x6c: {  	_ =	shalt  }
0x6d: {  	_ =	shalt  }
0x6e: {  	_ =	shalt  }
0x6f: {  	_ =	shalt  }
0x70: {  	_ =	shalt  }
0x71: {  	_ =	shalt  }
0x72: {  	_ =	shalt  }
0x73: {  	_ =	shalt  }
0x74: {  	_ =	shalt  }
0x75: {  	_ =	shalt  }
0x76: {  	_ =	shalt  }
0x77: {  	_ =	shalt  }
0x78: {  	_ =	shalt  }
0x79: {  	_ =	shalt  }
0x7a: {  	_ =	shalt  }
0x7b: {  	_ =	shalt  }
0x7c: {  	_ =	shalt  }
0x7d: {  	_ =	shalt  }
0x7e: {  	_ =	shalt  }
0x7f: {  	_ =	shalt  }
0x80: {  	_ =	shalt  }
0x81: {  	_ =	shalt  }
0x82: {  	_ =	shalt  }
0x83: {  	_ =	shalt  }
0x84: {  	_ =	shalt  }
0x85: {  	_ =	shalt  }
0x86: {  	_ =	shalt  }
0x87: {  	_ =	shalt  }
.Lfunc_end0:
.L_simem_size_0:
called_computation_lowered:
.L_overlay_start_0:
0x88: {  	s2 =	sld [smem:$0x3FD9]  }
0x89: {  	s3 =	sld [smem:$0x3FFE];
	_ =	sdelay $0x1  }
0x8a: {  	s1 =	srdreg.scid  }
0x8b: {  	s0 =	sand.u32 $0x1, s1  }
0x8c: {  	s16 =	sshll.u32 s0, $0xA;
	s2 =	sadd.s32 s3, s2  }
0x8d: {  	s2 =	sadd.s32 s2, s16  }
0x8e: {  	[smem:$0x3FBF] =	sst s2  }
0x8f: {  	_ = 	snop  }
0x90: {  	(tm) =	ssettm $0x1  }
0x91: {  	s17 =	sld [smem:$0x3FFB];
	_ =	sdelay $0x3  }
0x92: {  	_ =	strace s17  }
0x93: {  	s2 =	sld [smem:$0x3FFC];
	_ =	sdelay $0x3  }
0x94: {  	_ =	strace s2  }
0x95: {  	s2 =	sld [smem:$0x3FFD];
	_ =	sdelay $0x3  }
0x96: {  	_ =	strace s2  }
0x97: {  	_ =	strace $0x8FFFFFFF  }
0x98: {  	s18 =	sld [smem:$0x3FDB];
	_ =	sdelay $0x1  }
0x99: {  	s19 =	simm.s32 $_scs_section_size  }
0x9a: {  	s4 =	simm.s32 $_size__tile_overlayer_lowered;
	s5 =	simm.s32 $_tile_overlayer_lowered  }
0x9b: {  	s22 =	simm.s32 $0x1BFF;
	s21 =	sshll.u32 s5, $0x1;
	s2 =	sadd.s32 s19, s18  }
0x9c: {  	s6 =	simm.s32 $0x0;
	s20 =	sshll.u32 s4, $0x1;
	s4 =	sadd.s32 s21, s2  }
0x9d: {  	[timem:s6], [sflag:s22] =	dma.local [hbm:s4], s20  }
0x9e: {  	_ =	swait.ge [sflag:s22], s20  }
0x9f: {  	s3 =	ssub.s32 $0x0, s20;
	[sflag:s22] =	ssyncset.done $0x0  }
0xa0: {  	[sflag:s22] =	ssyncadd.s32 s3;
	_ =	sdelay $0x1  }
0xa1: {  	s23 =	simm.s32 $0x1B8B  }
0xa2: {  	_ =	swait.ge [sflag:s23], $0x1  }
0xa3: {  	[sflag:s23] =	ssyncset.done $0x0  }
0xa4: {  	s25 =	simm.s32 $0x1B8E;
	s24 =	sld [smem:$0x3FFE];
	[sflag:s23] =	ssyncadd.s32 $0xFFFFFFFF  }
0xa5: {  	s26 =	simm.s32 $execute0_lowered;
	[smem:$0x3FD2] =	sst s25  }
0xa6: {  	s4 =	sshll.u32 s26, $0x1;
	_ =	strace $0x80000046;
	[dreg:$0x1] =	wrdreg $0xFFFFFFFF  }
0xa7: {  	s28 =	simm.s32 $_size_execute0_lowered;
	s2 =	sadd.s32 s2, s4;
	[dreg:$0x0] =	wrdreg $0x0  }
0xa8: {  	s4 =	sshll.u32 s28, $0x1;
	[dreg:$0x2] =	wrdreg s2  }
0xa9: {  	[dreg:$0x3] =	wrdreg s4  }
0xaa: {  	[dreg:$0x4] =	wrdreg $0xC0  }
0xab: {  	_ =	task [dreg:s6], $0x5FFFF  }
0xac: {  	[dreg:$0x1] =	wrdreg $0xFFFFFFFF  }
0xad: {  	[dreg:$0x0] =	wrdreg $0x60  }
0xae: {  	[dreg:$0x2] =	wrdreg s24  }
0xaf: {  	[dreg:$0x3] =	wrdreg $0x9  }
0xb0: {  	_ =	task.clear_ibuf [dreg:s6], $0x4FFFF;
	_ =	strace $0x90000046  }
0xb1: {  	s29 =	simm.s32 $0x9;
	_ =	strace $0x80000048  }
0xb2: {  	_ =	swait.ge [sflag:s29], $0x1  }
0xb3: {  	[sflag:s29] =	ssyncadd.s32 $0xFFFFFFFF  }
0xb4: {  	_ =	strace $0x90000048  }
0xb5: {  	_ =	sfence  }
0xb6: {  	s30 =	sld [smem:$0x0];
	_ =	sdelay $0x2  }
0xb7: {  	s31 =	sshll.u32 s1, $0xD;
	s1 =	sshrl.u32 s1, $0x2  }
0xb8: {  	s3 =	sand.u32 $0x4000, s31;
	s1 =	sadd.s32 s1, s30  }
0xb9: {  	s0 =	sor.u32 s3, s0;
	s1 =	sshll.u32 s1, $0x11  }
0xba: {  	s0 =	sor.u32 s1, s0  }
0xbb: {  	s0 =	sadd.s32 $0x8F2B, s0  }
0xbc: {  	[sflag:s0] =	ssyncadd.remote.s32 $0x1  }
0xbd: {  	_ =	sfence.sel $0xFFFF  }
0xbe: {  	[dreg:$0x0] =	wrdreg $0xFFFFFFFF;
	(pc) =	sbr.abs _section_cstart, $3  }
0xbf: {  	[dreg:$0x1] =	wrdreg $0xFFFFFFFF  }
0xc0: {  	_ =	task.clear_ibuf [dreg:s6], $0x2FFFF;
	_ =	strace $0x9FFFFFFF  }
0xc1: {  	(tm) =	ssettm $0x7FFFFFFF  }
tec
execute0_lowered:
.L_overlay_start_1:
0x0: {  	(tag) =	ssettag $0x1  }
0x1: {  	s1 =	srdreg.scid;
	s0 =	stileid.u32  }
0x2: {  	s30 =	sand.u32 $0x1, s1;
	s26 =	sshll.u32 s0, $0x1  }
0x3: {  	s5 =	sor.u32 s30, s26  }
0x4: {  	s3 =	smul.u32 $0xA0, s5  }
0x5: {  	s8 =	rddreg [dreg:$0x0]  }
0x6: {  	s2 =	simm.s32 $0x0;
	s3 =	sadd.s32 s3, s8  }
0x7: {  	[smem:$0x7FF] =	sst s2;
	s3 =	sadd.s32 $0x14A00, s3  }
0x8: {  	_ =	strace $0x80000047;
	[dreg:$0x2] =	wrdreg s3  }
0x9: {  	s3 =	simm.s32 $0x5;
	s4 =	rddreg [dreg:$0x2]  }
0xa: {  	[tilespmem:s2], [sflag:$0x5] =	stream.linear.gather [hbm4b:s4+s2], $0x500, $0x38;
	[tilespmem:$0x8500] =	vst v63  }
0xb: {  	s6 =	simm.s32 $0x500;
	_ =	swait.ge [sflag:s3], $0x500  }
0xc: {  	s7 =	simm.s32 $0x1;
	s9 =	smul.u32 $0x5000, s5;
	[sflag:s3] =	ssyncset.done $0x0  }
0xd: {  	s5 =	simm.s32 $0x80;
	s4 =	sadd.s32 $0x4A00, s8;
	[sflag:s3] =	ssyncadd.s32 $0xFFFFFB00  }
0xe: {  	[tilespmem:s6], [sflag:$0x1] =	stream.indirect.gather [hbm4b:s4+s5], $0x80, s2, s5, $0xb8;
	[tilespmem:$0x8500] =	vst v63  }
0xf: {  	_ =	swait.ge [sflag:s7], $0x4000  }
0x10: {  	s31 =	sadd.s32 s9, s8;
	[sflag:s7] =	ssyncset.done $0x0  }
0x11: {  	s8 =	sadd.s32 $0x15E00, s31;
	[sflag:s7] =	ssyncadd.s32 $0xFFFFC000  }
0x12: {  	[hbm4b:s8+s2] =	stream.linear.scatter [tilespmem:s6], [sflag:$0x3], $0x4000, $0x38;
	[tilespmem:$0x8500] =	vst v63  }
0x13: {  	s10 =	simm.s32 $0x2;
	s9 =	simm.s32 $0x4500  }
0x14: {  	[tilespmem:s9], [sflag:$0x2] =	stream.indirect.gather [hbm4b:s4+s5], $0x80, s5, s5, $0xb8;
	[tilespmem:$0x8500] =	vst v63  }
0x15: {  	_ =	swait.ge [sflag:s10], $0x4000  }
0x16: {  	[sflag:s10] =	ssyncset.done $0x0  }
0x17: {  	s12 =	simm.s32 $0x3;
	s11 =	sadd.s32 $0x16600, s31;
	[sflag:s10] =	ssyncadd.s32 $0xFFFFC000  }
0x18: {  	[hbm4b:s11+s2] =	stream.linear.scatter [tilespmem:s9], [sflag:$0x4], $0x4000, $0x38;
	[tilespmem:$0x8500] =	vst v63  }
0x19: {  	_ =	swait.ge [sflag:s12], $0x4000  }
0x1a: {  	[sflag:s12] =	ssyncset.done $0x0  }
0x1b: {  	s13 =	simm.s32 $0x100;
	[sflag:s12] =	ssyncadd.s32 $0xFFFFC000  }
0x1c: {  	[tilespmem:s6], [sflag:$0x1] =	stream.indirect.gather [hbm4b:s4+s5], $0x80, s13, s5, $0xb8;
	[tilespmem:$0x8500] =	vst v63  }
0x1d: {  	_ =	swait.ge [sflag:s7], $0x4000  }
0x1e: {  	[sflag:s7] =	ssyncset.done $0x0  }
0x1f: {  	s14 =	simm.s32 $0x4;
	s15 =	sadd.s32 $0x16E00, s31;
	[sflag:s7] =	ssyncadd.s32 $0xFFFFC000  }
0x20: {  	[hbm4b:s15+s2] =	stream.linear.scatter [tilespmem:s6], [sflag:$0x3], $0x4000, $0x38;
	[tilespmem:$0x8500] =	vst v63  }
0x21: {  	_ =	swait.ge [sflag:s14], $0x4000  }
0x22: {  	[sflag:s14] =	ssyncset.done $0x0  }
0x23: {  	s16 =	simm.s32 $0x180;
	[sflag:s14] =	ssyncadd.s32 $0xFFFFC000  }
0x24: {  	[tilespmem:s9], [sflag:$0x2] =	stream.indirect.gather [hbm4b:s4+s5], $0x80, s16, s5, $0xb8;
	[tilespmem:$0x8500] =	vst v63  }
0x25: {  	_ =	swait.ge [sflag:s10], $0x4000  }
0x26: {  	[sflag:s10] =	ssyncset.done $0x0  }
0x27: {  	s17 =	sadd.s32 $0x17600, s31;
	[sflag:s10] =	ssyncadd.s32 $0xFFFFC000  }
0x28: {  	[hbm4b:s17+s2] =	stream.linear.scatter [tilespmem:s9], [sflag:$0x4], $0x4000, $0x38;
	[tilespmem:$0x8500] =	vst v63  }
0x29: {  	_ =	swait.ge [sflag:s12], $0x4000  }
0x2a: {  	[sflag:s12] =	ssyncset.done $0x0  }
0x2b: {  	s18 =	simm.s32 $0x200;
	[sflag:s12] =	ssyncadd.s32 $0xFFFFC000  }
0x2c: {  	[tilespmem:s6], [sflag:$0x1] =	stream.indirect.gather [hbm4b:s4+s5], $0x80, s18, s5, $0xb8;
	[tilespmem:$0x8500] =	vst v63  }
0x2d: {  	_ =	swait.ge [sflag:s7], $0x4000  }
0x2e: {  	[sflag:s7] =	ssyncset.done $0x0  }
0x2f: {  	s19 =	sadd.s32 $0x17E00, s31;
	[sflag:s7] =	ssyncadd.s32 $0xFFFFC000  }
0x30: {  	[hbm4b:s19+s2] =	stream.linear.scatter [tilespmem:s6], [sflag:$0x3], $0x4000, $0x38;
	[tilespmem:$0x8500] =	vst v63  }
0x31: {  	_ =	swait.ge [sflag:s14], $0x4000  }
0x32: {  	[sflag:s14] =	ssyncset.done $0x0  }
0x33: {  	s20 =	simm.s32 $0x280;
	[sflag:s14] =	ssyncadd.s32 $0xFFFFC000  }
0x34: {  	[tilespmem:s9], [sflag:$0x2] =	stream.indirect.gather [hbm4b:s4+s5], $0x80, s20, s5, $0xb8;
	[tilespmem:$0x8500] =	vst v63  }
0x35: {  	_ =	swait.ge [sflag:s10], $0x4000  }
0x36: {  	[sflag:s10] =	ssyncset.done $0x0  }
0x37: {  	s21 =	sadd.s32 $0x18600, s31;
	[sflag:s10] =	ssyncadd.s32 $0xFFFFC000  }
0x38: {  	[hbm4b:s21+s2] =	stream.linear.scatter [tilespmem:s9], [sflag:$0x4], $0x4000, $0x38;
	[tilespmem:$0x8500] =	vst v63  }
0x39: {  	_ =	swait.ge [sflag:s12], $0x4000  }
0x3a: {  	[sflag:s12] =	ssyncset.done $0x0  }
0x3b: {  	s22 =	simm.s32 $0x300;
	[sflag:s12] =	ssyncadd.s32 $0xFFFFC000  }
0x3c: {  	[tilespmem:s6], [sflag:$0x1] =	stream.indirect.gather [hbm4b:s4+s5], $0x80, s22, s5, $0xb8;
	[tilespmem:$0x8500] =	vst v63  }
0x3d: {  	_ =	swait.ge [sflag:s7], $0x4000  }
0x3e: {  	[sflag:s7] =	ssyncset.done $0x0  }
0x3f: {  	s23 =	sadd.s32 $0x18E00, s31;
	[sflag:s7] =	ssyncadd.s32 $0xFFFFC000  }
0x40: {  	[hbm4b:s23+s2] =	stream.linear.scatter [tilespmem:s6], [sflag:$0x3], $0x4000, $0x38;
	[tilespmem:$0x8500] =	vst v63  }
0x41: {  	_ =	swait.ge [sflag:s14], $0x4000  }
0x42: {  	[sflag:s14] =	ssyncset.done $0x0  }
0x43: {  	s24 =	simm.s32 $0x380;
	[sflag:s14] =	ssyncadd.s32 $0xFFFFC000  }
0x44: {  	[tilespmem:s9], [sflag:$0x2] =	stream.indirect.gather [hbm4b:s4+s5], $0x80, s24, s5, $0xb8;
	[tilespmem:$0x8500] =	vst v63  }
0x45: {  	_ =	swait.ge [sflag:s10], $0x4000  }
0x46: {  	[sflag:s10] =	ssyncset.done $0x0  }
0x47: {  	s25 =	sadd.s32 $0x19600, s31;
	[sflag:s10] =	ssyncadd.s32 $0xFFFFC000  }
0x48: {  	[hbm4b:s25+s2] =	stream.linear.scatter [tilespmem:s9], [sflag:$0x4], $0x4000, $0x38;
	[tilespmem:$0x8500] =	vst v63  }
0x49: {  	_ =	swait.ge [sflag:s12], $0x4000  }
0x4a: {  	[sflag:s12] =	ssyncset.done $0x0  }
0x4b: {  	s26 =	simm.s32 $0x400;
	[sflag:s12] =	ssyncadd.s32 $0xFFFFC000  }
0x4c: {  	[tilespmem:s6], [sflag:$0x1] =	stream.indirect.gather [hbm4b:s4+s5], $0x80, s26, s5, $0xb8;
	[tilespmem:$0x8500] =	vst v63  }
0x4d: {  	_ =	swait.ge [sflag:s7], $0x4000  }
0x4e: {  	[sflag:s7] =	ssyncset.done $0x0  }
0x4f: {  	s28 =	sadd.s32 $0x19E00, s31;
	[sflag:s7] =	ssyncadd.s32 $0xFFFFC000  }
0x50: {  	[hbm4b:s28+s2] =	stream.linear.scatter [tilespmem:s6], [sflag:$0x3], $0x4000, $0x38;
	[tilespmem:$0x8500] =	vst v63  }
0x51: {  	_ =	swait.ge [sflag:s14], $0x4000  }
0x52: {  	s29 =	simm.s32 $0x480;
	s1 =	ssub.s32 $0x2, s30;
	[sflag:s14] =	ssyncset.done $0x0  }
0x53: {  	s30 =	sadd.s32 $0x1A600, s31;
	s31 =	sshrl.u32 s1, $0x1;
	[sflag:s14] =	ssyncadd.s32 $0xFFFFC000  }
0x54: {  	[tilespmem:s9], [sflag:$0x2] =	stream.indirect.gather [hbm4b:s4+s5], $0x80, s29, s5, $0xb8;
	[tilespmem:$0x8500] =	vst v63  }
0x55: {  	s1 =	ssub.s32 s1, s31;
	_ =	swait.ge [sflag:s10], $0x4000  }
0x56: {  	s1 =	smax.u32 s1, $0x1;
	[sflag:s10] =	ssyncset.done $0x0  }
0x57: {  	p0 =	sne.s32 s1, $0x1;
	[sflag:s10] =	ssyncadd.s32 $0xFFFFC000  }
0x58: {  	[hbm4b:s30+s2] =	stream.linear.scatter [tilespmem:s9], [sflag:$0x4], $0x4000, $0x38;
	[tilespmem:$0x8500] =	vst v63  }
.Ltmp0:
0x59: {  	_ =	swait.ge [sflag:s12], $0x4000;
	(pc) =	sbr.rel @!p0 .LBB2_2-.Ltmp0, $4  }
0x5a: {  	[sflag:s12] =	ssyncset.done $0x0  }
0x5b: {  	[sflag:s12] =	ssyncadd.s32 $0xFFFFC000  }
0x5c: {  	_ =	swait.ge [sflag:s14], $0x4000  }
0x5d: {  	s31 =	sadd.s32 $0xFFFFFFFF, s1;
	[sflag:s14] =	ssyncset.done $0x0  }
.LBB2_1:
0x5e: {  	s1 =	rddreg [dreg:$0x2];
	[sflag:s14] =	ssyncadd.s32 $0xFFFFC000  }
0x5f: {  	[tilespmem:s2], [sflag:$0x5] =	stream.linear.gather [hbm4b:s1+s2], $0x500, $0x38;
	[tilespmem:$0x8500] =	vst v63  }
0x60: {  	_ =	swait.ge [sflag:s3], $0x500  }
0x61: {  	[sflag:s3] =	ssyncset.done $0x0  }
0x62: {  	[sflag:s3] =	ssyncadd.s32 $0xFFFFFB00  }
0x63: {  	[tilespmem:s6], [sflag:$0x1] =	stream.indirect.gather [hbm4b:s4+s5], $0x80, s2, s5, $0xb8;
	[tilespmem:$0x8500] =	vst v63  }
0x64: {  	_ =	swait.ge [sflag:s7], $0x4000  }
0x65: {  	[sflag:s7] =	ssyncset.done $0x0  }
0x66: {  	[sflag:s7] =	ssyncadd.s32 $0xFFFFC000  }
0x67: {  	[hbm4b:s8+s2] =	stream.linear.scatter [tilespmem:s6], [sflag:$0x3], $0x4000, $0x38;
	[tilespmem:$0x8500] =	vst v63  }
0x68: {  	_ = 	snop  }
0x69: {  	[tilespmem:s9], [sflag:$0x2] =	stream.indirect.gather [hbm4b:s4+s5], $0x80, s5, s5, $0xb8;
	[tilespmem:$0x8500] =	vst v63  }
0x6a: {  	_ =	swait.ge [sflag:s10], $0x4000  }
0x6b: {  	[sflag:s10] =	ssyncset.done $0x0  }
0x6c: {  	[sflag:s10] =	ssyncadd.s32 $0xFFFFC000  }
0x6d: {  	[hbm4b:s11+s2] =	stream.linear.scatter [tilespmem:s9], [sflag:$0x4], $0x4000, $0x38;
	[tilespmem:$0x8500] =	vst v63  }
0x6e: {  	_ =	swait.ge [sflag:s12], $0x4000  }
0x6f: {  	[sflag:s12] =	ssyncset.done $0x0  }
0x70: {  	[sflag:s12] =	ssyncadd.s32 $0xFFFFC000  }
0x71: {  	[tilespmem:s6], [sflag:$0x1] =	stream.indirect.gather [hbm4b:s4+s5], $0x80, s13, s5, $0xb8;
	[tilespmem:$0x8500] =	vst v63  }
0x72: {  	_ =	swait.ge [sflag:s7], $0x4000  }
0x73: {  	[sflag:s7] =	ssyncset.done $0x0  }
0x74: {  	[sflag:s7] =	ssyncadd.s32 $0xFFFFC000  }
0x75: {  	[hbm4b:s15+s2] =	stream.linear.scatter [tilespmem:s6], [sflag:$0x3], $0x4000, $0x38;
	[tilespmem:$0x8500] =	vst v63  }
0x76: {  	_ =	swait.ge [sflag:s14], $0x4000  }
0x77: {  	[sflag:s14] =	ssyncset.done $0x0  }
0x78: {  	[sflag:s14] =	ssyncadd.s32 $0xFFFFC000  }
0x79: {  	[tilespmem:s9], [sflag:$0x2] =	stream.indirect.gather [hbm4b:s4+s5], $0x80, s16, s5, $0xb8;
	[tilespmem:$0x8500] =	vst v63  }
0x7a: {  	_ =	swait.ge [sflag:s10], $0x4000  }
0x7b: {  	[sflag:s10] =	ssyncset.done $0x0  }
0x7c: {  	[sflag:s10] =	ssyncadd.s32 $0xFFFFC000  }
0x7d: {  	[hbm4b:s17+s2] =	stream.linear.scatter [tilespmem:s9], [sflag:$0x4], $0x4000, $0x38;
	[tilespmem:$0x8500] =	vst v63  }
0x7e: {  	_ =	swait.ge [sflag:s12], $0x4000  }
0x7f: {  	[sflag:s12] =	ssyncset.done $0x0  }
0x80: {  	[sflag:s12] =	ssyncadd.s32 $0xFFFFC000  }
0x81: {  	[tilespmem:s6], [sflag:$0x1] =	stream.indirect.gather [hbm4b:s4+s5], $0x80, s18, s5, $0xb8;
	[tilespmem:$0x8500] =	vst v63  }
0x82: {  	_ =	swait.ge [sflag:s7], $0x4000  }
0x83: {  	[sflag:s7] =	ssyncset.done $0x0  }
0x84: {  	[sflag:s7] =	ssyncadd.s32 $0xFFFFC000  }
0x85: {  	[hbm4b:s19+s2] =	stream.linear.scatter [tilespmem:s6], [sflag:$0x3], $0x4000, $0x38;
	[tilespmem:$0x8500] =	vst v63  }
0x86: {  	_ =	swait.ge [sflag:s14], $0x4000  }
0x87: {  	[sflag:s14] =	ssyncset.done $0x0  }
0x88: {  	[sflag:s14] =	ssyncadd.s32 $0xFFFFC000  }
0x89: {  	[tilespmem:s9], [sflag:$0x2] =	stream.indirect.gather [hbm4b:s4+s5], $0x80, s20, s5, $0xb8;
	[tilespmem:$0x8500] =	vst v63  }
0x8a: {  	_ =	swait.ge [sflag:s10], $0x4000  }
0x8b: {  	[sflag:s10] =	ssyncset.done $0x0  }
0x8c: {  	[sflag:s10] =	ssyncadd.s32 $0xFFFFC000  }
0x8d: {  	[hbm4b:s21+s2] =	stream.linear.scatter [tilespmem:s9], [sflag:$0x4], $0x4000, $0x38;
	[tilespmem:$0x8500] =	vst v63  }
0x8e: {  	_ =	swait.ge [sflag:s12], $0x4000  }
0x8f: {  	[sflag:s12] =	ssyncset.done $0x0  }
0x90: {  	[sflag:s12] =	ssyncadd.s32 $0xFFFFC000  }
0x91: {  	[tilespmem:s6], [sflag:$0x1] =	stream.indirect.gather [hbm4b:s4+s5], $0x80, s22, s5, $0xb8;
	[tilespmem:$0x8500] =	vst v63  }
0x92: {  	_ =	swait.ge [sflag:s7], $0x4000  }
0x93: {  	[sflag:s7] =	ssyncset.done $0x0  }
0x94: {  	[sflag:s7] =	ssyncadd.s32 $0xFFFFC000  }
0x95: {  	[hbm4b:s23+s2] =	stream.linear.scatter [tilespmem:s6], [sflag:$0x3], $0x4000, $0x38;
	[tilespmem:$0x8500] =	vst v63  }
0x96: {  	_ =	swait.ge [sflag:s14], $0x4000  }
0x97: {  	[sflag:s14] =	ssyncset.done $0x0  }
0x98: {  	[sflag:s14] =	ssyncadd.s32 $0xFFFFC000  }
0x99: {  	[tilespmem:s9], [sflag:$0x2] =	stream.indirect.gather [hbm4b:s4+s5], $0x80, s24, s5, $0xb8;
	[tilespmem:$0x8500] =	vst v63  }
0x9a: {  	_ =	swait.ge [sflag:s10], $0x4000  }
0x9b: {  	[sflag:s10] =	ssyncset.done $0x0  }
0x9c: {  	[sflag:s10] =	ssyncadd.s32 $0xFFFFC000  }
0x9d: {  	[hbm4b:s25+s2] =	stream.linear.scatter [tilespmem:s9], [sflag:$0x4], $0x4000, $0x38;
	[tilespmem:$0x8500] =	vst v63  }
0x9e: {  	_ =	swait.ge [sflag:s12], $0x4000  }
0x9f: {  	[sflag:s12] =	ssyncset.done $0x0  }
0xa0: {  	[sflag:s12] =	ssyncadd.s32 $0xFFFFC000  }
0xa1: {  	[tilespmem:s6], [sflag:$0x1] =	stream.indirect.gather [hbm4b:s4+s5], $0x80, s26, s5, $0xb8;
	[tilespmem:$0x8500] =	vst v63  }
0xa2: {  	_ =	swait.ge [sflag:s7], $0x4000  }
0xa3: {  	[sflag:s7] =	ssyncset.done $0x0  }
0xa4: {  	[sflag:s7] =	ssyncadd.s32 $0xFFFFC000  }
0xa5: {  	[hbm4b:s28+s2] =	stream.linear.scatter [tilespmem:s6], [sflag:$0x3], $0x4000, $0x38;
	[tilespmem:$0x8500] =	vst v63  }
0xa6: {  	_ =	swait.ge [sflag:s14], $0x4000  }
0xa7: {  	[sflag:s14] =	ssyncset.done $0x0  }
0xa8: {  	[sflag:s14] =	ssyncadd.s32 $0xFFFFC000  }
0xa9: {  	[tilespmem:s9], [sflag:$0x2] =	stream.indirect.gather [hbm4b:s4+s5], $0x80, s29, s5, $0xb8;
	[tilespmem:$0x8500] =	vst v63  }
0xaa: {  	_ =	swait.ge [sflag:s10], $0x4000  }
0xab: {  	[sflag:s10] =	ssyncset.done $0x0  }
0xac: {  	p0 =	sne.s32 s31, $0x1;
	[sflag:s10] =	ssyncadd.s32 $0xFFFFC000  }
0xad: {  	[hbm4b:s30+s2] =	stream.linear.scatter [tilespmem:s9], [sflag:$0x4], $0x4000, $0x38;
	[tilespmem:$0x8500] =	vst v63  }
.Ltmp1:
0xae: {  	_ =	swait.ge [sflag:s12], $0x4000;
	(pc) =	sbr.rel @p0 .LBB2_1-.Ltmp1, $4  }
0xaf: {  	[sflag:s12] =	ssyncset.done $0x0  }
0xb0: {  	[sflag:s12] =	ssyncadd.s32 $0xFFFFC000  }
0xb1: {  	_ =	swait.ge [sflag:s14], $0x4000  }
0xb2: {  	s31 =	sadd.s32 $0xFFFFFFFF, s31;
	[sflag:s14] =	ssyncset.done $0x0  }
.LBB2_2:
0xb3: {  	[sflag:s14] =	ssyncadd.s32 $0xFFFFC000  }
0xb4: {  	_ =	sfence.sel $0x180000  }
0xb5: {  	[bflag:$0x0] =	sbarrier.arrive $0xFFFF  }
0xb6: {  	_ =	strace $0x90000047  }
0xb7: {  	[bflag:$0x2] =	sbarrier.arrive $0xFFFF  }
0xb8: {  	p0 =	sne.s32 s0, $0x0;
	s0 =	rddreg [dreg:$0x1]  }
0xb9: {  	s0 =	sadd.s32 @!p0 $0x100000, s0  }
0xba: {  	[sflag:s0] =	ssyncadd.tile.s32 @!p0 $0x1;
	_ =	shalt  }
.Lfunc_end2:
_tile_overlayer_lowered:
.L_overlay_start_2:
0xbb: {  	(tag) =	ssettag $0x2  }
0xbc: {  	s0 =	rddreg [dreg:$0x0];
	s2 =	stileid.u32  }
0xbd: {  	s1 =	rddreg [dreg:$0x1];
	p0 =	sne.s32 s2, $0x0  }
0xbe: {  	s3 =	rddreg [dreg:$0x2];
	[bflag:$0x3] =	sbarrier.arrive $0xFFFF;
	s2 =	simm.s32 @!p0 $0x1C05  }
0xbf: {  	[timem:s3], [sflag:s2] =	dma.local @!p0 [hbm:s0], s1  }
0xc0: {  	s0 =	simm.s32 @!p0 $0x5  }
0xc1: {  	_ =	swait.ge @!p0 [sflag:s0], s1  }
0xc2: {  	s1 =	ssub.s32 @!p0 $0x0, s1;
	[sflag:s0] =	ssyncset.done @!p0 $0x0  }
0xc3: {  	[sflag:s0] =	ssyncadd.s32 @!p0 s1  }
0xc4: {  	[bflag:$0x3] =	sbarrier.arrive $0xFFFF  }
0xc5: {  	_ =	shalt  }

// kernel: kernel.17.cloned.1.call-start
scs
__scs_entry_jumppad:
0x0: {  	(pc) =	sbr.rel $0x88, $3  }
0x1: {  	(tag) =	ssettag $0x0;
	lr =	simm.s32 $0x1  }
0x2: {  	[smem:$0x3F98] =	sst lr;
	_ =	strace $0xD0000000  }
0x3: {  	_ = 	snop  }
0x4: {  	_ = 	snop  }
0x5: {  	_ = 	snop  }
0x6: {  	_ = 	snop  }
0x7: {  	_ = 	snop  }
__scs_overlays_trampoline_lowered:
0x8: {  	[smem:$0x3FA7] =	sst s0  }
0x9: {  	[smem:$0x3FA8] =	sst s1  }
0xa: {  	[smem:$0x3FA9] =	sst s2  }
0xb: {  	[smem:$0x3FAA] =	sst s3  }
0xc: {  	[smem:$0x3FAB] =	sst s4  }
0xd: {  	[smem:$0x3FAC] =	sst s5  }
0xe: {  	[smem:$0x3FAD] =	sst s6  }
0xf: {  	[smem:$0x3FAE] =	sst s7  }
0x10: {  	[smem:$0x3FAF] =	sst s8  }
0x11: {  	[smem:$0x3FB0] =	sst s9;
	s0 =	simm.s32 @!p0 $0x0  }
0x12: {  	s1 =	sld [smem:$0x3F96];
	s0 =	simm.s32 @p0 $0x1  }
0x13: {  	[smem:$0x3FB1] =	sst s0;
	s0 =	simm.s32 @!p1 $0x0  }
0x14: {  	s2 =	sld [smem:$0x3F95];
	s0 =	simm.s32 @p1 $0x1  }
0x15: {  	[smem:$0x3FB2] =	sst s0;
	s0 =	simm.s32 @!p2 $0x0  }
0x16: {  	s3 =	sld [smem:$0x3FDB];
	s0 =	simm.s32 @p2 $0x1  }
0x17: {  	s4 =	simm.s32 $0x1BF5;
	[smem:$0x3FB4] =	sst s0  }
0x18: {  	s0 =	sld [smem:$0x3F97];
	_ =	swait.ge [sflag:s4], $0x0  }
0x19: {  	s7 =	sld [smem:$0x3F98]  }
0x1a: {  	s8 =	sadd.s32 $0xFFFFE003, lr  }
0x1b: {  	s9 =	sadd.s32 $0xFFFFFEF7, lr;
	s5 =	simm.s32 $0xFFFFFFFF;
	p2 =	slt.u32 s8, $0xFFFFF086  }
0x1c: {  	p1 =	slt.u32 s9, $0xF7A;
	s5 =	simm.s32 @!p2 $0x0  }
0x1d: {  	s5 =	simm.s32 @p1 $0x1;
	p0 =	seq.s32 s7, s2  }
0x1e: {  	s7 =	smul.u32 @!p0 $0xF7A, s2;
	p2 =	seq.s32 @!p0 s5, $0x0  }
0x1f: {  	s9 =	smul.u32 $0xF7A, s1;
	s8 =	simm.s32 @!p0 $0x1BF5;
	p2 =	por !p2, p0  }
0x20: {  	[sflag:s8] =	ssyncset.s32 @!p0 $0xFFFFF086;
	s6 =	sadd.s32 @!p0 s3, s7;
	s7 =	simm.s32 @!p0 $0x108  }
0x21: {  	s3 =	sadd.s32 s3, s9;
	s6 =	sadd.s32 @!p0 $0x88, s6;
	s7 =	simm.s32 @p2 $0x1082  }
0x22: {  	[simem:s7], [sflag:s8] =	dma.local @!p0 [hbm:s6], $0xF7A  }
0x23: {  	s9 =	sor.u32 $0xD0000000, s2;
	s6 =	simm.s32 $0x108;
	_ =	swait.ge @!p0 [sflag:s8], $0x0  }
0x24: {  	s3 =	sadd.s32 $0x88, s3;
	s6 =	simm.s32 @!p1 $0x1082;
	[sflag:s4] =	ssyncset.s32 $0xFFFFF086  }
0x25: {  	[simem:s6], [sflag:s4] =	dma.local [hbm:s3], $0xF7A  }
0x26: {  	[smem:$0x3F98] =	sst s1;
	(tag) =	ssettag s2;
	_ =	strace s9  }
0x27: {  	s1 =	sld [smem:$0x3FA8]  }
0x28: {  	s2 =	sld [smem:$0x3FA9]  }
0x29: {  	s4 =	sld [smem:$0x3FAB]  }
0x2a: {  	p0 =	seq.s32 s5, $0x0;
	s5 =	sld [smem:$0x3FAC]  }
0x2b: {  	s6 =	sld [smem:$0x3FAD]  }
0x2c: {  	s7 =	sld [smem:$0x3FAE]  }
0x2d: {  	s3 =	simm.s32 $0x108;
	s8 =	sld [smem:$0x3FAF]  }
0x2e: {  	s3 =	simm.s32 @!p0 $0x1082;
	s9 =	sld [smem:$0x3FB0]  }
0x2f: {  	lr =	sadd.s32 s0, s3;
	s0 =	sld [smem:$0x3FA7]  }
0x30: {  	s3 =	sld [smem:$0x3FAA]  }
0x31: {  	[smem:$0x3FB3] =	sst s10  }
0x32: {  	s10 =	sld [smem:$0x3FB1];
	_ =	sdelay $0x3  }
0x33: {  	p0 =	seq.s32 s10, $0x1;
	s10 =	sld [smem:$0x3FB3];
	_ =	sdelay $0x3  }
0x34: {  	[smem:$0x3FB3] =	sst s10  }
0x35: {  	s10 =	sld [smem:$0x3FB2];
	_ =	sdelay $0x3  }
0x36: {  	p1 =	seq.s32 s10, $0x1;
	s10 =	sld [smem:$0x3FB3];
	_ =	sdelay $0x3  }
0x37: {  	[smem:$0x3FB3] =	sst s10  }
0x38: {  	s10 =	sld [smem:$0x3FB4]  }
0x39: {  	_ = 	snop;
	(pc) =	sbr.ind lr, $3  }
0x3a: {  	_ = 	snop  }
0x3b: {  	_ = 	snop  }
0x3c: {  	p2 =	seq.s32 s10, $0x1;
	s10 =	sld [smem:$0x3FB3]  }
0x3d: {  	_ =	shalt  }
0x3e: {  	_ =	shalt  }
0x3f: {  	_ =	shalt  }
0x40: {  	_ =	shalt  }
0x41: {  	_ =	shalt  }
0x42: {  	_ =	shalt  }
0x43: {  	_ =	shalt  }
0x44: {  	_ =	shalt  }
0x45: {  	_ =	shalt  }
0x46: {  	_ =	shalt  }
0x47: {  	_ =	shalt  }
0x48: {  	_ =	shalt  }
0x49: {  	_ =	shalt  }
0x4a: {  	_ =	shalt  }
0x4b: {  	_ =	shalt  }
0x4c: {  	_ =	shalt  }
0x4d: {  	_ =	shalt  }
0x4e: {  	_ =	shalt  }
0x4f: {  	_ =	shalt  }
0x50: {  	_ =	shalt  }
0x51: {  	_ =	shalt  }
0x52: {  	_ =	shalt  }
0x53: {  	_ =	shalt  }
0x54: {  	_ =	shalt  }
0x55: {  	_ =	shalt  }
0x56: {  	_ =	shalt  }
0x57: {  	_ =	shalt  }
0x58: {  	_ =	shalt  }
0x59: {  	_ =	shalt  }
0x5a: {  	_ =	shalt  }
0x5b: {  	_ =	shalt  }
0x5c: {  	_ =	shalt  }
0x5d: {  	_ =	shalt  }
0x5e: {  	_ =	shalt  }
0x5f: {  	_ =	shalt  }
0x60: {  	_ =	shalt  }
0x61: {  	_ =	shalt  }
0x62: {  	_ =	shalt  }
0x63: {  	_ =	shalt  }
0x64: {  	_ =	shalt  }
0x65: {  	_ =	shalt  }
0x66: {  	_ =	shalt  }
0x67: {  	_ =	shalt  }
0x68: {  	_ =	shalt  }
0x69: {  	_ =	shalt  }
0x6a: {  	_ =	shalt  }
0x6b: {  	_ =	shalt  }
0x6c: {  	_ =	shalt  }
0x6d: {  	_ =	shalt  }
0x6e: {  	_ =	shalt  }
0x6f: {  	_ =	shalt  }
0x70: {  	_ =	shalt  }
0x71: {  	_ =	shalt  }
0x72: {  	_ =	shalt  }
0x73: {  	_ =	shalt  }
0x74: {  	_ =	shalt  }
0x75: {  	_ =	shalt  }
0x76: {  	_ =	shalt  }
0x77: {  	_ =	shalt  }
0x78: {  	_ =	shalt  }
0x79: {  	_ =	shalt  }
0x7a: {  	_ =	shalt  }
0x7b: {  	_ =	shalt  }
0x7c: {  	_ =	shalt  }
0x7d: {  	_ =	shalt  }
0x7e: {  	_ =	shalt  }
0x7f: {  	_ =	shalt  }
0x80: {  	_ =	shalt  }
0x81: {  	_ =	shalt  }
0x82: {  	_ =	shalt  }
0x83: {  	_ =	shalt  }
0x84: {  	_ =	shalt  }
0x85: {  	_ =	shalt  }
0x86: {  	_ =	shalt  }
0x87: {  	_ =	shalt  }
.Lfunc_end0:
.L_simem_size_0:
called_computation.1_lowered:
.L_overlay_start_0:
0x88: {  	s2 =	sld [smem:$0x3FD9]  }
0x89: {  	s3 =	sld [smem:$0x3FFE];
	_ =	sdelay $0x1  }
0x8a: {  	s1 =	srdreg.scid  }
0x8b: {  	s0 =	sand.u32 $0x1, s1  }
0x8c: {  	s17 =	sshll.u32 s0, $0xA;
	s2 =	sadd.s32 s3, s2  }
0x8d: {  	s2 =	sadd.s32 s2, s17  }
0x8e: {  	[smem:$0x3FBF] =	sst s2  }
0x8f: {  	_ = 	snop  }
0x90: {  	(tm) =	ssettm $0x1  }
0x91: {  	s18 =	sld [smem:$0x3FFB];
	_ =	sdelay $0x3  }
0x92: {  	_ =	strace s18  }
0x93: {  	s2 =	sld [smem:$0x3FFC];
	_ =	sdelay $0x3  }
0x94: {  	_ =	strace s2  }
0x95: {  	s2 =	sld [smem:$0x3FFD];
	_ =	sdelay $0x3  }
0x96: {  	_ =	strace s2  }
0x97: {  	_ =	strace $0x8FFFFFFF  }
0x98: {  	s19 =	sld [smem:$0x3FDB];
	_ =	sdelay $0x1  }
0x99: {  	s20 =	simm.s32 $_scs_section_size  }
0x9a: {  	s4 =	simm.s32 $_size__tile_overlayer_lowered;
	s5 =	simm.s32 $_tile_overlayer_lowered  }
0x9b: {  	s6 =	simm.s32 $0x1BFF;
	s21 =	sshll.u32 s5, $0x1;
	s3 =	sadd.s32 s20, s19  }
0x9c: {  	s22 =	simm.s32 $0x0;
	s4 =	sshll.u32 s4, $0x1;
	s5 =	sadd.s32 s21, s3  }
0x9d: {  	[timem:s22], [sflag:s6] =	dma.local [hbm:s5], s4  }
0x9e: {  	_ =	swait.ge [sflag:s6], s4  }
0x9f: {  	s4 =	ssub.s32 $0x0, s4;
	[sflag:s6] =	ssyncset.done $0x0  }
0xa0: {  	[sflag:s6] =	ssyncadd.s32 s4;
	_ =	sdelay $0x1  }
0xa1: {  	s23 =	simm.s32 $0x1B8B  }
0xa2: {  	_ =	swait.ge [sflag:s23], $0x1  }
0xa3: {  	[sflag:s23] =	ssyncset.done $0x0  }
0xa4: {  	[sflag:s23] =	ssyncadd.s32 $0xFFFFFFFF  }
0xa5: {  	s4 =	sld [smem:$0x0]  }
0xa6: {  	s5 =	sand.u32 $0xFFFFFFFE, s1  }
0xa7: {  	p0 =	sne.s32 s1, s5  }
0xa8: {  	s5 =	sshll.u32 @p0 s5, $0xE  }
0xa9: {  	s5 =	sadd.s32 @p0 $0x11B8D, s5;
	s6 =	sshll.u32 @p0 s4, $0x11  }
0xaa: {  	s5 =	sor.u32 @p0 s6, s5  }
0xab: {  	[sflag:s5] =	ssyncadd.remote.s32 @p0 $0x1;
	_ =	sdelay $0x1  }
0xac: {  	s5 =	simm.s32 @p0 $0x1B8D  }
0xad: {  	_ =	swait.eq @p0 [sflag:s5], $0x1  }
0xae: {  	[sflag:s5] =	ssyncadd.s32 @p0 $0xFFFFFFFF  }
0xaf: {  	s6 =	sshll.u32 @!p0 s1, $0xE  }
0xb0: {  	s6 =	sor.u32 @!p0 $0x4000, s6;
	s5 =	simm.s32 @!p0 $0x1B8D  }
0xb1: {  	s4 =	sshll.u32 @!p0 s4, $0x11;
	s6 =	sadd.s32 @!p0 $0x11B8D, s6;
	_ =	swait.eq @!p0 [sflag:s5], $0x1  }
0xb2: {  	s4 =	sor.u32 @!p0 s4, s6;
	[sflag:s5] =	ssyncadd.s32 @!p0 $0xFFFFFFFF  }
0xb3: {  	s25 =	simm.s32 $0x1B8E;
	s24 =	sld [smem:$0x3FFE];
	[sflag:s4] =	ssyncadd.remote.s32 @!p0 $0x1  }
0xb4: {  	s26 =	simm.s32 $execute0_lowered;
	[smem:$0x3FD2] =	sst s25  }
0xb5: {  	s5 =	sshll.u32 s26, $0x1;
	_ =	strace $0x80000049;
	[dreg:$0x1] =	wrdreg $0xFFFFFFFF  }
0xb6: {  	s28 =	simm.s32 $_size_execute0_lowered;
	s3 =	sadd.s32 s3, s5;
	[dreg:$0x0] =	wrdreg $0x0  }
0xb7: {  	s5 =	sshll.u32 s28, $0x1;
	[dreg:$0x2] =	wrdreg s3  }
0xb8: {  	[dreg:$0x3] =	wrdreg s5  }
0xb9: {  	[dreg:$0x4] =	wrdreg $0xC0  }
0xba: {  	_ =	task [dreg:s22], $0x5FFFF  }
0xbb: {  	[dreg:$0x1] =	wrdreg $0xFFFFFFFF  }
0xbc: {  	[dreg:$0x0] =	wrdreg $0x60  }
0xbd: {  	[dreg:$0x2] =	wrdreg s24  }
0xbe: {  	[dreg:$0x3] =	wrdreg $0xA  }
0xbf: {  	_ =	task.clear_ibuf [dreg:s22], $0x4FFFF;
	_ =	strace $0x90000049  }
0xc0: {  	s29 =	simm.s32 $0xA;
	_ =	strace $0x8000004B  }
0xc1: {  	_ =	swait.ge [sflag:s29], $0x1  }
0xc2: {  	[sflag:s29] =	ssyncadd.s32 $0xFFFFFFFF  }
0xc3: {  	_ =	strace $0x9000004B  }
0xc4: {  	_ =	sfence  }
0xc5: {  	s30 =	sld [smem:$0x0];
	_ =	sdelay $0x2  }
0xc6: {  	s31 =	sshll.u32 s1, $0xD;
	s1 =	sshrl.u32 s1, $0x2  }
0xc7: {  	s4 =	sand.u32 $0x4000, s31;
	s1 =	sadd.s32 s1, s30  }
0xc8: {  	s0 =	sor.u32 s4, s0;
	s1 =	sshll.u32 s1, $0x11  }
0xc9: {  	s0 =	sor.u32 s1, s0  }
0xca: {  	s0 =	sadd.s32 $0x8F2B, s0  }
0xcb: {  	[sflag:s0] =	ssyncadd.remote.s32 $0x1  }
0xcc: {  	_ =	sfence.sel $0xFFFF  }
0xcd: {  	[dreg:$0x0] =	wrdreg $0xFFFFFFFF;
	(pc) =	sbr.abs _section_cstart, $3  }
0xce: {  	[dreg:$0x1] =	wrdreg $0xFFFFFFFF  }
0xcf: {  	_ =	task.clear_ibuf [dreg:s22], $0x2FFFF;
	_ =	strace $0x9FFFFFFF  }
0xd0: {  	(tm) =	ssettm $0x7FFFFFFF  }
0xd1: {  	_ =	shalt  }
tec
execute0_lowered:
.L_overlay_start_1:
0x0: {  	(tag) =	ssettag $0x1  }
0x1: {  	s1 =	srdreg.scid;
	s0 =	stileid.u32  }
0x2: {  	s30 =	sand.u32 $0x1, s1;
	s26 =	sshll.u32 s0, $0x1  }
0x3: {  	s5 =	sor.u32 s30, s26  }
0x4: {  	s3 =	smul.u32 $0xA0, s5  }
0x5: {  	s8 =	rddreg [dreg:$0x0]  }
0x6: {  	s2 =	simm.s32 $0x0;
	s3 =	sadd.s32 s3, s8  }
0x7: {  	[smem:$0x7FF] =	sst s2;
	s3 =	sadd.s32 $0xC5E00, s3  }
0x8: {  	_ =	strace $0x8000004A;
	[dreg:$0x2] =	wrdreg s3  }
0x9: {  	s3 =	simm.s32 $0x5;
	s4 =	rddreg [dreg:$0x2]  }
0xa: {  	[tilespmem:s2], [sflag:$0x5] =	stream.linear.gather [hbm4b:s4+s2], $0x500, $0x38;
	[tilespmem:$0x8500] =	vst v63  }
0xb: {  	s6 =	simm.s32 $0x500;
	_ =	swait.ge [sflag:s3], $0x500  }
0xc: {  	s7 =	simm.s32 $0x1;
	s9 =	smul.u32 $0x5000, s5;
	[sflag:s3] =	ssyncset.done $0x0  }
0xd: {  	s5 =	simm.s32 $0x80;
	s4 =	sadd.s32 $0xB5E00, s8;
	[sflag:s3] =	ssyncadd.s32 $0xFFFFFB00  }
0xe: {  	[tilespmem:s6], [sflag:$0x1] =	stream.indirect.gather [hbm4b:s4+s5], $0x80, s2, s5, $0xb8;
	[tilespmem:$0x8500] =	vst v63  }
0xf: {  	_ =	swait.ge [sflag:s7], $0x4000  }
0x10: {  	s31 =	sadd.s32 s9, s8;
	[sflag:s7] =	ssyncset.done $0x0  }
0x11: {  	s8 =	sadd.s32 $0xC7200, s31;
	[sflag:s7] =	ssyncadd.s32 $0xFFFFC000  }
0x12: {  	[hbm4b:s8+s2] =	stream.linear.scatter [tilespmem:s6], [sflag:$0x3], $0x4000, $0x38;
	[tilespmem:$0x8500] =	vst v63  }
0x13: {  	s10 =	simm.s32 $0x2;
	s9 =	simm.s32 $0x4500  }
0x14: {  	[tilespmem:s9], [sflag:$0x2] =	stream.indirect.gather [hbm4b:s4+s5], $0x80, s5, s5, $0xb8;
	[tilespmem:$0x8500] =	vst v63  }
0x15: {  	_ =	swait.ge [sflag:s10], $0x4000  }
0x16: {  	[sflag:s10] =	ssyncset.done $0x0  }
0x17: {  	s12 =	simm.s32 $0x3;
	s11 =	sadd.s32 $0xC7A00, s31;
	[sflag:s10] =	ssyncadd.s32 $0xFFFFC000  }
0x18: {  	[hbm4b:s11+s2] =	stream.linear.scatter [tilespmem:s9], [sflag:$0x4], $0x4000, $0x38;
	[tilespmem:$0x8500] =	vst v63  }
0x19: {  	_ =	swait.ge [sflag:s12], $0x4000  }
0x1a: {  	[sflag:s12] =	ssyncset.done $0x0  }
0x1b: {  	s13 =	simm.s32 $0x100;
	[sflag:s12] =	ssyncadd.s32 $0xFFFFC000  }
0x1c: {  	[tilespmem:s6], [sflag:$0x1] =	stream.indirect.gather [hbm4b:s4+s5], $0x80, s13, s5, $0xb8;
	[tilespmem:$0x8500] =	vst v63  }
0x1d: {  	_ =	swait.ge [sflag:s7], $0x4000  }
0x1e: {  	[sflag:s7] =	ssyncset.done $0x0  }
0x1f: {  	s14 =	simm.s32 $0x4;
	s15 =	sadd.s32 $0xC8200, s31;
	[sflag:s7] =	ssyncadd.s32 $0xFFFFC000  }
0x20: {  	[hbm4b:s15+s2] =	stream.linear.scatter [tilespmem:s6], [sflag:$0x3], $0x4000, $0x38;
	[tilespmem:$0x8500] =	vst v63  }
0x21: {  	_ =	swait.ge [sflag:s14], $0x4000  }
0x22: {  	[sflag:s14] =	ssyncset.done $0x0  }
0x23: {  	s16 =	simm.s32 $0x180;
	[sflag:s14] =	ssyncadd.s32 $0xFFFFC000  }
0x24: {  	[tilespmem:s9], [sflag:$0x2] =	stream.indirect.gather [hbm4b:s4+s5], $0x80, s16, s5, $0xb8;
	[tilespmem:$0x8500] =	vst v63  }
0x25: {  	_ =	swait.ge [sflag:s10], $0x4000  }
0x26: {  	[sflag:s10] =	ssyncset.done $0x0  }
0x27: {  	s17 =	sadd.s32 $0xC8A00, s31;
	[sflag:s10] =	ssyncadd.s32 $0xFFFFC000  }
0x28: {  	[hbm4b:s17+s2] =	stream.linear.scatter [tilespmem:s9], [sflag:$0x4], $0x4000, $0x38;
	[tilespmem:$0x8500] =	vst v63  }
0x29: {  	_ =	swait.ge [sflag:s12], $0x4000  }
0x2a: {  	[sflag:s12] =	ssyncset.done $0x0  }
0x2b: {  	s18 =	simm.s32 $0x200;
	[sflag:s12] =	ssyncadd.s32 $0xFFFFC000  }
0x2c: {  	[tilespmem:s6], [sflag:$0x1] =	stream.indirect.gather [hbm4b:s4+s5], $0x80, s18, s5, $0xb8;
	[tilespmem:$0x8500] =	vst v63  }
0x2d: {  	_ =	swait.ge [sflag:s7], $0x4000  }
0x2e: {  	[sflag:s7] =	ssyncset.done $0x0  }
0x2f: {  	s19 =	sadd.s32 $0xC9200, s31;
	[sflag:s7] =	ssyncadd.s32 $0xFFFFC000  }
0x30: {  	[hbm4b:s19+s2] =	stream.linear.scatter [tilespmem:s6], [sflag:$0x3], $0x4000, $0x38;
	[tilespmem:$0x8500] =	vst v63  }
0x31: {  	_ =	swait.ge [sflag:s14], $0x4000  }
0x32: {  	[sflag:s14] =	ssyncset.done $0x0  }
0x33: {  	s20 =	simm.s32 $0x280;
	[sflag:s14] =	ssyncadd.s32 $0xFFFFC000  }
0x34: {  	[tilespmem:s9], [sflag:$0x2] =	stream.indirect.gather [hbm4b:s4+s5], $0x80, s20, s5, $0xb8;
	[tilespmem:$0x8500] =	vst v63  }
0x35: {  	_ =	swait.ge [sflag:s10], $0x4000  }
0x36: {  	[sflag:s10] =	ssyncset.done $0x0  }
0x37: {  	s21 =	sadd.s32 $0xC9A00, s31;
	[sflag:s10] =	ssyncadd.s32 $0xFFFFC000  }
0x38: {  	[hbm4b:s21+s2] =	stream.linear.scatter [tilespmem:s9], [sflag:$0x4], $0x4000, $0x38;
	[tilespmem:$0x8500] =	vst v63  }
0x39: {  	_ =	swait.ge [sflag:s12], $0x4000  }
0x3a: {  	[sflag:s12] =	ssyncset.done $0x0  }
0x3b: {  	s22 =	simm.s32 $0x300;
	[sflag:s12] =	ssyncadd.s32 $0xFFFFC000  }
0x3c: {  	[tilespmem:s6], [sflag:$0x1] =	stream.indirect.gather [hbm4b:s4+s5], $0x80, s22, s5, $0xb8;
	[tilespmem:$0x8500] =	vst v63  }
0x3d: {  	_ =	swait.ge [sflag:s7], $0x4000  }
0x3e: {  	[sflag:s7] =	ssyncset.done $0x0  }
0x3f: {  	s23 =	sadd.s32 $0xCA200, s31;
	[sflag:s7] =	ssyncadd.s32 $0xFFFFC000  }
0x40: {  	[hbm4b:s23+s2] =	stream.linear.scatter [tilespmem:s6], [sflag:$0x3], $0x4000, $0x38;
	[tilespmem:$0x8500] =	vst v63  }
0x41: {  	_ =	swait.ge [sflag:s14], $0x4000  }
0x42: {  	[sflag:s14] =	ssyncset.done $0x0  }
0x43: {  	s24 =	simm.s32 $0x380;
	[sflag:s14] =	ssyncadd.s32 $0xFFFFC000  }
0x44: {  	[tilespmem:s9], [sflag:$0x2] =	stream.indirect.gather [hbm4b:s4+s5], $0x80, s24, s5, $0xb8;
	[tilespmem:$0x8500] =	vst v63  }
0x45: {  	_ =	swait.ge [sflag:s10], $0x4000  }
0x46: {  	[sflag:s10] =	ssyncset.done $0x0  }
0x47: {  	s25 =	sadd.s32 $0xCAA00, s31;
	[sflag:s10] =	ssyncadd.s32 $0xFFFFC000  }
0x48: {  	[hbm4b:s25+s2] =	stream.linear.scatter [tilespmem:s9], [sflag:$0x4], $0x4000, $0x38;
	[tilespmem:$0x8500] =	vst v63  }
0x49: {  	_ =	swait.ge [sflag:s12], $0x4000  }
0x4a: {  	[sflag:s12] =	ssyncset.done $0x0  }
0x4b: {  	s26 =	simm.s32 $0x400;
	[sflag:s12] =	ssyncadd.s32 $0xFFFFC000  }
0x4c: {  	[tilespmem:s6], [sflag:$0x1] =	stream.indirect.gather [hbm4b:s4+s5], $0x80, s26, s5, $0xb8;
	[tilespmem:$0x8500] =	vst v63  }
0x4d: {  	_ =	swait.ge [sflag:s7], $0x4000  }
0x4e: {  	[sflag:s7] =	ssyncset.done $0x0  }
0x4f: {  	s28 =	sadd.s32 $0xCB200, s31;
	[sflag:s7] =	ssyncadd.s32 $0xFFFFC000  }
0x50: {  	[hbm4b:s28+s2] =	stream.linear.scatter [tilespmem:s6], [sflag:$0x3], $0x4000, $0x38;
	[tilespmem:$0x8500] =	vst v63  }
0x51: {  	_ =	swait.ge [sflag:s14], $0x4000  }
0x52: {  	s29 =	simm.s32 $0x480;
	s1 =	ssub.s32 $0x2, s30;
	[sflag:s14] =	ssyncset.done $0x0  }
0x53: {  	s30 =	sadd.s32 $0xCBA00, s31;
	s31 =	sshrl.u32 s1, $0x1;
	[sflag:s14] =	ssyncadd.s32 $0xFFFFC000  }
0x54: {  	[tilespmem:s9], [sflag:$0x2] =	stream.indirect.gather [hbm4b:s4+s5], $0x80, s29, s5, $0xb8;
	[tilespmem:$0x8500] =	vst v63  }
0x55: {  	s1 =	ssub.s32 s1, s31;
	_ =	swait.ge [sflag:s10], $0x4000  }
0x56: {  	s1 =	smax.u32 s1, $0x1;
	[sflag:s10] =	ssyncset.done $0x0  }
0x57: {  	p0 =	sne.s32 s1, $0x1;
	[sflag:s10] =	ssyncadd.s32 $0xFFFFC000  }
0x58: {  	[hbm4b:s30+s2] =	stream.linear.scatter [tilespmem:s9], [sflag:$0x4], $0x4000, $0x38;
	[tilespmem:$0x8500] =	vst v63  }
.Ltmp0:
0x59: {  	_ =	swait.ge [sflag:s12], $0x4000;
	(pc) =	sbr.rel @!p0 .LBB2_2-.Ltmp0, $4  }
0x5a: {  	[sflag:s12] =	ssyncset.done $0x0  }
0x5b: {  	[sflag:s12] =	ssyncadd.s32 $0xFFFFC000  }
0x5c: {  	_ =	swait.ge [sflag:s14], $0x4000  }
0x5d: {  	s31 =	sadd.s32 $0xFFFFFFFF, s1;
	[sflag:s14] =	ssyncset.done $0x0  }
.LBB2_1:
0x5e: {  	s1 =	rddreg [dreg:$0x2];
	[sflag:s14] =	ssyncadd.s32 $0xFFFFC000  }
0x5f: {  	[tilespmem:s2], [sflag:$0x5] =	stream.linear.gather [hbm4b:s1+s2], $0x500, $0x38;
	[tilespmem:$0x8500] =	vst v63  }
0x60: {  	_ =	swait.ge [sflag:s3], $0x500  }
0x61: {  	[sflag:s3] =	ssyncset.done $0x0  }
0x62: {  	[sflag:s3] =	ssyncadd.s32 $0xFFFFFB00  }
0x63: {  	[tilespmem:s6], [sflag:$0x1] =	stream.indirect.gather [hbm4b:s4+s5], $0x80, s2, s5, $0xb8;
	[tilespmem:$0x8500] =	vst v63  }
0x64: {  	_ =	swait.ge [sflag:s7], $0x4000  }
0x65: {  	[sflag:s7] =	ssyncset.done $0x0  }
0x66: {  	[sflag:s7] =	ssyncadd.s32 $0xFFFFC000  }
0x67: {  	[hbm4b:s8+s2] =	stream.linear.scatter [tilespmem:s6], [sflag:$0x3], $0x4000, $0x38;
	[tilespmem:$0x8500] =	vst v63  }
0x68: {  	_ = 	snop  }
0x69: {  	[tilespmem:s9], [sflag:$0x2] =	stream.indirect.gather [hbm4b:s4+s5], $0x80, s5, s5, $0xb8;
	[tilespmem:$0x8500] =	vst v63  }
0x6a: {  	_ =	swait.ge [sflag:s10], $0x4000  }
0x6b: {  	[sflag:s10] =	ssyncset.done $0x0  }
0x6c: {  	[sflag:s10] =	ssyncadd.s32 $0xFFFFC000  }
0x6d: {  	[hbm4b:s11+s2] =	stream.linear.scatter [tilespmem:s9], [sflag:$0x4], $0x4000, $0x38;
	[tilespmem:$0x8500] =	vst v63  }
0x6e: {  	_ =	swait.ge [sflag:s12], $0x4000  }
0x6f: {  	[sflag:s12] =	ssyncset.done $0x0  }
0x70: {  	[sflag:s12] =	ssyncadd.s32 $0xFFFFC000  }
0x71: {  	[tilespmem:s6], [sflag:$0x1] =	stream.indirect.gather [hbm4b:s4+s5], $0x80, s13, s5, $0xb8;
	[tilespmem:$0x8500] =	vst v63  }
0x72: {  	_ =	swait.ge [sflag:s7], $0x4000  }
0x73: {  	[sflag:s7] =	ssyncset.done $0x0  }
0x74: {  	[sflag:s7] =	ssyncadd.s32 $0xFFFFC000  }
0x75: {  	[hbm4b:s15+s2] =	stream.linear.scatter [tilespmem:s6], [sflag:$0x3], $0x4000, $0x38;
	[tilespmem:$0x8500] =	vst v63  }
0x76: {  	_ =	swait.ge [sflag:s14], $0x4000  }
0x77: {  	[sflag:s14] =	ssyncset.done $0x0  }
0x78: {  	[sflag:s14] =	ssyncadd.s32 $0xFFFFC000  }
0x79: {  	[tilespmem:s9], [sflag:$0x2] =	stream.indirect.gather [hbm4b:s4+s5], $0x80, s16, s5, $0xb8;
	[tilespmem:$0x8500] =	vst v63  }
0x7a: {  	_ =	swait.ge [sflag:s10], $0x4000  }
0x7b: {  	[sflag:s10] =	ssyncset.done $0x0  }
0x7c: {  	[sflag:s10] =	ssyncadd.s32 $0xFFFFC000  }
0x7d: {  	[hbm4b:s17+s2] =	stream.linear.scatter [tilespmem:s9], [sflag:$0x4], $0x4000, $0x38;
	[tilespmem:$0x8500] =	vst v63  }
0x7e: {  	_ =	swait.ge [sflag:s12], $0x4000  }
0x7f: {  	[sflag:s12] =	ssyncset.done $0x0  }
0x80: {  	[sflag:s12] =	ssyncadd.s32 $0xFFFFC000  }
0x81: {  	[tilespmem:s6], [sflag:$0x1] =	stream.indirect.gather [hbm4b:s4+s5], $0x80, s18, s5, $0xb8;
	[tilespmem:$0x8500] =	vst v63  }
0x82: {  	_ =	swait.ge [sflag:s7], $0x4000  }
0x83: {  	[sflag:s7] =	ssyncset.done $0x0  }
0x84: {  	[sflag:s7] =	ssyncadd.s32 $0xFFFFC000  }
0x85: {  	[hbm4b:s19+s2] =	stream.linear.scatter [tilespmem:s6], [sflag:$0x3], $0x4000, $0x38;
	[tilespmem:$0x8500] =	vst v63  }
0x86: {  	_ =	swait.ge [sflag:s14], $0x4000  }
0x87: {  	[sflag:s14] =	ssyncset.done $0x0  }
0x88: {  	[sflag:s14] =	ssyncadd.s32 $0xFFFFC000  }
0x89: {  	[tilespmem:s9], [sflag:$0x2] =	stream.indirect.gather [hbm4b:s4+s5], $0x80, s20, s5, $0xb8;
	[tilespmem:$0x8500] =	vst v63  }
0x8a: {  	_ =	swait.ge [sflag:s10], $0x4000  }
0x8b: {  	[sflag:s10] =	ssyncset.done $0x0  }
0x8c: {  	[sflag:s10] =	ssyncadd.s32 $0xFFFFC000  }
0x8d: {  	[hbm4b:s21+s2] =	stream.linear.scatter [tilespmem:s9], [sflag:$0x4], $0x4000, $0x38;
	[tilespmem:$0x8500] =	vst v63  }
0x8e: {  	_ =	swait.ge [sflag:s12], $0x4000  }
0x8f: {  	[sflag:s12] =	ssyncset.done $0x0  }
0x90: {  	[sflag:s12] =	ssyncadd.s32 $0xFFFFC000  }
0x91: {  	[tilespmem:s6], [sflag:$0x1] =	stream.indirect.gather [hbm4b:s4+s5], $0x80, s22, s5, $0xb8;
	[tilespmem:$0x8500] =	vst v63  }
0x92: {  	_ =	swait.ge [sflag:s7], $0x4000  }
0x93: {  	[sflag:s7] =	ssyncset.done $0x0  }
0x94: {  	[sflag:s7] =	ssyncadd.s32 $0xFFFFC000  }
0x95: {  	[hbm4b:s23+s2] =	stream.linear.scatter [tilespmem:s6], [sflag:$0x3], $0x4000, $0x38;
	[tilespmem:$0x8500] =	vst v63  }
0x96: {  	_ =	swait.ge [sflag:s14], $0x4000  }
0x97: {  	[sflag:s14] =	ssyncset.done $0x0  }
0x98: {  	[sflag:s14] =	ssyncadd.s32 $0xFFFFC000  }
0x99: {  	[tilespmem:s9], [sflag:$0x2] =	stream.indirect.gather [hbm4b:s4+s5], $0x80, s24, s5, $0xb8;
	[tilespmem:$0x8500] =	vst v63  }
0x9a: {  	_ =	swait.ge [sflag:s10], $0x4000  }
0x9b: {  	[sflag:s10] =	ssyncset.done $0x0  }
0x9c: {  	[sflag:s10] =	ssyncadd.s32 $0xFFFFC000  }
0x9d: {  	[hbm4b:s25+s2] =	stream.linear.scatter [tilespmem:s9], [sflag:$0x4], $0x4000, $0x38;
	[tilespmem:$0x8500] =	vst v63  }
0x9e: {  	_ =	swait.ge [sflag:s12], $0x4000  }
0x9f: {  	[sflag:s12] =	ssyncset.done $0x0  }
0xa0: {  	[sflag:s12] =	ssyncadd.s32 $0xFFFFC000  }
0xa1: {  	[tilespmem:s6], [sflag:$0x1] =	stream.indirect.gather [hbm4b:s4+s5], $0x80, s26, s5, $0xb8;
	[tilespmem:$0x8500] =	vst v63  }
0xa2: {  	_ =	swait.ge [sflag:s7], $0x4000  }
0xa3: {  	[sflag:s7] =	ssyncset.done $0x0  }
0xa4: {  	[sflag:s7] =	ssyncadd.s32 $0xFFFFC000  }
0xa5: {  	[hbm4b:s28+s2] =	stream.linear.scatter [tilespmem:s6], [sflag:$0x3], $0x4000, $0x38;
	[tilespmem:$0x8500] =	vst v63  }
0xa6: {  	_ =	swait.ge [sflag:s14], $0x4000  }
0xa7: {  	[sflag:s14] =	ssyncset.done $0x0  }
0xa8: {  	[sflag:s14] =	ssyncadd.s32 $0xFFFFC000  }
0xa9: {  	[tilespmem:s9], [sflag:$0x2] =	stream.indirect.gather [hbm4b:s4+s5], $0x80, s29, s5, $0xb8;
	[tilespmem:$0x8500] =	vst v63  }
0xaa: {  	_ =	swait.ge [sflag:s10], $0x4000  }
0xab: {  	[sflag:s10] =	ssyncset.done $0x0  }
0xac: {  	p0 =	sne.s32 s31, $0x1;
	[sflag:s10] =	ssyncadd.s32 $0xFFFFC000  }
0xad: {  	[hbm4b:s30+s2] =	stream.linear.scatter [tilespmem:s9], [sflag:$0x4], $0x4000, $0x38;
	[tilespmem:$0x8500] =	vst v63  }
.Ltmp1:
0xae: {  	_ =	swait.ge [sflag:s12], $0x4000;
	(pc) =	sbr.rel @p0 .LBB2_1-.Ltmp1, $4  }
0xaf: {  	[sflag:s12] =	ssyncset.done $0x0  }
0xb0: {  	[sflag:s12] =	ssyncadd.s32 $0xFFFFC000  }
0xb1: {  	_ =	swait.ge [sflag:s14], $0x4000  }
0xb2: {  	s31 =	sadd.s32 $0xFFFFFFFF, s31;
	[sflag:s14] =	ssyncset.done $0x0  }
.LBB2_2:
0xb3: {  	[sflag:s14] =	ssyncadd.s32 $0xFFFFC000  }
0xb4: {  	_ =	sfence.sel $0x180000  }
0xb5: {  	[bflag:$0x0] =	sbarrier.arrive $0xFFFF  }
0xb6: {  	_ =	strace $0x9000004A  }
0xb7: {  	[bflag:$0x2] =	sbarrier.arrive $0xFFFF  }
0xb8: {  	p0 =	sne.s32 s0, $0x0;
	s0 =	rddreg [dreg:$0x1]  }
0xb9: {  	s0 =	sadd.s32 @!p0 $0x100000, s0  }
0xba: {  	[sflag:s0] =	ssyncadd.tile.s32 @!p0 $0x1;
	_ =	shalt  }
.Lfunc_end2:
_tile_overlayer_lowered:
.L_overlay_start_2:
0xbb: {  	(tag) =	ssettag $0x2  }
0xbc: {  	s0 =	rddreg [dreg:$0x0];
	s2 =	stileid.u32  }
0xbd: {  	s1 =	rddreg [dreg:$0x1];
	p0 =	sne.s32 s2, $0x0  }
0xbe: {  	s3 =	rddreg [dreg:$0x2];
	[bflag:$0x3] =	sbarrier.arrive $0xFFFF;
	s2 =	simm.s32 @!p0 $0x1C05  }
0xbf: {  	[timem:s3], [sflag:s2] =	dma.local @!p0 [hbm:s0], s1  }
0xc0: {  	s0 =	simm.s32 @!p0 $0x5  }
0xc1: {  	_ =	swait.ge @!p0 [sflag:s0], s1  }
0xc2: {  	s1 =	ssub.s32 @!p0 $0x0, s1;
	[sflag:s0] =	ssyncset.done @!p0 $0x0  }
0xc3: {  	[sflag:s0] =	ssyncadd.s32 @!p0 s1  }
0xc4: {  	[bflag:$0x3] =	sbarrier.arrive $0xFFFF  }
0xc5: {  	_ =	shalt  }

// kernel: kernel.20.cloned.1.call-start
scs
__scs_entry_jumppad:
0x0: {  	(pc) =	sbr.rel $0x88, $3  }
0x1: {  	(tag) =	ssettag $0x0;
	lr =	simm.s32 $0x1  }
0x2: {  	[smem:$0x3F98] =	sst lr;
	_ =	strace $0xD0000000  }
0x3: {  	_ = 	snop  }
0x4: {  	_ = 	snop  }
0x5: {  	_ = 	snop  }
0x6: {  	_ = 	snop  }
0x7: {  	_ = 	snop  }
__scs_overlays_trampoline_lowered:
0x8: {  	[smem:$0x3FA7] =	sst s0  }
0x9: {  	[smem:$0x3FA8] =	sst s1  }
0xa: {  	[smem:$0x3FA9] =	sst s2  }
0xb: {  	[smem:$0x3FAA] =	sst s3  }
0xc: {  	[smem:$0x3FAB] =	sst s4  }
0xd: {  	[smem:$0x3FAC] =	sst s5  }
0xe: {  	[smem:$0x3FAD] =	sst s6  }
0xf: {  	[smem:$0x3FAE] =	sst s7  }
0x10: {  	[smem:$0x3FAF] =	sst s8  }
0x11: {  	[smem:$0x3FB0] =	sst s9;
	s0 =	simm.s32 @!p0 $0x0  }
0x12: {  	s1 =	sld [smem:$0x3F96];
	s0 =	simm.s32 @p0 $0x1  }
0x13: {  	[smem:$0x3FB1] =	sst s0;
	s0 =	simm.s32 @!p1 $0x0  }
0x14: {  	s2 =	sld [smem:$0x3F95];
	s0 =	simm.s32 @p1 $0x1  }
0x15: {  	[smem:$0x3FB2] =	sst s0;
	s0 =	simm.s32 @!p2 $0x0  }
0x16: {  	s3 =	sld [smem:$0x3FDB];
	s0 =	simm.s32 @p2 $0x1  }
0x17: {  	s4 =	simm.s32 $0x1BF5;
	[smem:$0x3FB4] =	sst s0  }
0x18: {  	s0 =	sld [smem:$0x3F97];
	_ =	swait.ge [sflag:s4], $0x0  }
0x19: {  	s7 =	sld [smem:$0x3F98]  }
0x1a: {  	s8 =	sadd.s32 $0xFFFFE003, lr  }
0x1b: {  	s9 =	sadd.s32 $0xFFFFFEF7, lr;
	s5 =	simm.s32 $0xFFFFFFFF;
	p2 =	slt.u32 s8, $0xFFFFF086  }
0x1c: {  	p1 =	slt.u32 s9, $0xF7A;
	s5 =	simm.s32 @!p2 $0x0  }
0x1d: {  	s5 =	simm.s32 @p1 $0x1;
	p0 =	seq.s32 s7, s2  }
0x1e: {  	s7 =	smul.u32 @!p0 $0xF7A, s2;
	p2 =	seq.s32 @!p0 s5, $0x0  }
0x1f: {  	s9 =	smul.u32 $0xF7A, s1;
	s8 =	simm.s32 @!p0 $0x1BF5;
	p2 =	por !p2, p0  }
0x20: {  	[sflag:s8] =	ssyncset.s32 @!p0 $0xFFFFF086;
	s6 =	sadd.s32 @!p0 s3, s7;
	s7 =	simm.s32 @!p0 $0x108  }
0x21: {  	s3 =	sadd.s32 s3, s9;
	s6 =	sadd.s32 @!p0 $0x88, s6;
	s7 =	simm.s32 @p2 $0x1082  }
0x22: {  	[simem:s7], [sflag:s8] =	dma.local @!p0 [hbm:s6], $0xF7A  }
0x23: {  	s9 =	sor.u32 $0xD0000000, s2;
	s6 =	simm.s32 $0x108;
	_ =	swait.ge @!p0 [sflag:s8], $0x0  }
0x24: {  	s3 =	sadd.s32 $0x88, s3;
	s6 =	simm.s32 @!p1 $0x1082;
	[sflag:s4] =	ssyncset.s32 $0xFFFFF086  }
0x25: {  	[simem:s6], [sflag:s4] =	dma.local [hbm:s3], $0xF7A  }
0x26: {  	[smem:$0x3F98] =	sst s1;
	(tag) =	ssettag s2;
	_ =	strace s9  }
0x27: {  	s1 =	sld [smem:$0x3FA8]  }
0x28: {  	s2 =	sld [smem:$0x3FA9]  }
0x29: {  	s4 =	sld [smem:$0x3FAB]  }
0x2a: {  	p0 =	seq.s32 s5, $0x0;
	s5 =	sld [smem:$0x3FAC]  }
0x2b: {  	s6 =	sld [smem:$0x3FAD]  }
0x2c: {  	s7 =	sld [smem:$0x3FAE]  }
0x2d: {  	s3 =	simm.s32 $0x108;
	s8 =	sld [smem:$0x3FAF]  }
0x2e: {  	s3 =	simm.s32 @!p0 $0x1082;
	s9 =	sld [smem:$0x3FB0]  }
0x2f: {  	lr =	sadd.s32 s0, s3;
	s0 =	sld [smem:$0x3FA7]  }
0x30: {  	s3 =	sld [smem:$0x3FAA]  }
0x31: {  	[smem:$0x3FB3] =	sst s10  }
0x32: {  	s10 =	sld [smem:$0x3FB1];
	_ =	sdelay $0x3  }
0x33: {  	p0 =	seq.s32 s10, $0x1;
	s10 =	sld [smem:$0x3FB3];
	_ =	sdelay $0x3  }
0x34: {  	[smem:$0x3FB3] =	sst s10  }
0x35: {  	s10 =	sld [smem:$0x3FB2];
	_ =	sdelay $0x3  }
0x36: {  	p1 =	seq.s32 s10, $0x1;
	s10 =	sld [smem:$0x3FB3];
	_ =	sdelay $0x3  }
0x37: {  	[smem:$0x3FB3] =	sst s10  }
0x38: {  	s10 =	sld [smem:$0x3FB4]  }
0x39: {  	_ = 	snop;
	(pc) =	sbr.ind lr, $3  }
0x3a: {  	_ = 	snop  }
0x3b: {  	_ = 	snop  }
0x3c: {  	p2 =	seq.s32 s10, $0x1;
	s10 =	sld [smem:$0x3FB3]  }
0x3d: {  	_ =	shalt  }
0x3e: {  	_ =	shalt  }
0x3f: {  	_ =	shalt  }
0x40: {  	_ =	shalt  }
0x41: {  	_ =	shalt  }
0x42: {  	_ =	shalt  }
0x43: {  	_ =	shalt  }
0x44: {  	_ =	shalt  }
0x45: {  	_ =	shalt  }
0x46: {  	_ =	shalt  }
0x47: {  	_ =	shalt  }
0x48: {  	_ =	shalt  }
0x49: {  	_ =	shalt  }
0x4a: {  	_ =	shalt  }
0x4b: {  	_ =	shalt  }
0x4c: {  	_ =	shalt  }
0x4d: {  	_ =	shalt  }
0x4e: {  	_ =	shalt  }
0x4f: {  	_ =	shalt  }
0x50: {  	_ =	shalt  }
0x51: {  	_ =	shalt  }
0x52: {  	_ =	shalt  }
0x53: {  	_ =	shalt  }
0x54: {  	_ =	shalt  }
0x55: {  	_ =	shalt  }
0x56: {  	_ =	shalt  }
0x57: {  	_ =	shalt  }
0x58: {  	_ =	shalt  }
0x59: {  	_ =	shalt  }
0x5a: {  	_ =	shalt  }
0x5b: {  	_ =	shalt  }
0x5c: {  	_ =	shalt  }
0x5d: {  	_ =	shalt  }
0x5e: {  	_ =	shalt  }
0x5f: {  	_ =	shalt  }
0x60: {  	_ =	shalt  }
0x61: {  	_ =	shalt  }
0x62: {  	_ =	shalt  }
0x63: {  	_ =	shalt  }
0x64: {  	_ =	shalt  }
0x65: {  	_ =	shalt  }
0x66: {  	_ =	shalt  }
0x67: {  	_ =	shalt  }
0x68: {  	_ =	shalt  }
0x69: {  	_ =	shalt  }
0x6a: {  	_ =	shalt  }
0x6b: {  	_ =	shalt  }
0x6c: {  	_ =	shalt  }
0x6d: {  	_ =	shalt  }
0x6e: {  	_ =	shalt  }
0x6f: {  	_ =	shalt  }
0x70: {  	_ =	shalt  }
0x71: {  	_ =	shalt  }
0x72: {  	_ =	shalt  }
0x73: {  	_ =	shalt  }
0x74: {  	_ =	shalt  }
0x75: {  	_ =	shalt  }
0x76: {  	_ =	shalt  }
0x77: {  	_ =	shalt  }
0x78: {  	_ =	shalt  }
0x79: {  	_ =	shalt  }
0x7a: {  	_ =	shalt  }
0x7b: {  	_ =	shalt  }
0x7c: {  	_ =	shalt  }
0x7d: {  	_ =	shalt  }
0x7e: {  	_ =	shalt  }
0x7f: {  	_ =	shalt  }
0x80: {  	_ =	shalt  }
0x81: {  	_ =	shalt  }
0x82: {  	_ =	shalt  }
0x83: {  	_ =	shalt  }
0x84: {  	_ =	shalt  }
0x85: {  	_ =	shalt  }
0x86: {  	_ =	shalt  }
0x87: {  	_ =	shalt  }
.Lfunc_end0:
.L_simem_size_0:
called_computation.2_lowered:
.L_overlay_start_0:
0x88: {  	s2 =	sld [smem:$0x3FD9]  }
0x89: {  	s3 =	sld [smem:$0x3FFE];
	_ =	sdelay $0x1  }
0x8a: {  	s1 =	srdreg.scid  }
0x8b: {  	s0 =	sand.u32 $0x1, s1  }
0x8c: {  	s17 =	sshll.u32 s0, $0xA;
	s2 =	sadd.s32 s3, s2  }
0x8d: {  	s2 =	sadd.s32 s2, s17  }
0x8e: {  	[smem:$0x3FBF] =	sst s2  }
0x8f: {  	_ = 	snop  }
0x90: {  	(tm) =	ssettm $0x1  }
0x91: {  	s18 =	sld [smem:$0x3FFB];
	_ =	sdelay $0x3  }
0x92: {  	_ =	strace s18  }
0x93: {  	s2 =	sld [smem:$0x3FFC];
	_ =	sdelay $0x3  }
0x94: {  	_ =	strace s2  }
0x95: {  	s2 =	sld [smem:$0x3FFD];
	_ =	sdelay $0x3  }
0x96: {  	_ =	strace s2  }
0x97: {  	_ =	strace $0x8FFFFFFF  }
0x98: {  	s19 =	sld [smem:$0x3FDB];
	_ =	sdelay $0x1  }
0x99: {  	s20 =	simm.s32 $_scs_section_size  }
0x9a: {  	s4 =	simm.s32 $_size__tile_overlayer_lowered;
	s5 =	simm.s32 $_tile_overlayer_lowered  }
0x9b: {  	s6 =	simm.s32 $0x1BFF;
	s21 =	sshll.u32 s5, $0x1;
	s3 =	sadd.s32 s20, s19  }
0x9c: {  	s22 =	simm.s32 $0x0;
	s4 =	sshll.u32 s4, $0x1;
	s5 =	sadd.s32 s21, s3  }
0x9d: {  	[timem:s22], [sflag:s6] =	dma.local [hbm:s5], s4  }
0x9e: {  	_ =	swait.ge [sflag:s6], s4  }
0x9f: {  	s4 =	ssub.s32 $0x0, s4;
	[sflag:s6] =	ssyncset.done $0x0  }
0xa0: {  	[sflag:s6] =	ssyncadd.s32 s4;
	_ =	sdelay $0x1  }
0xa1: {  	s23 =	simm.s32 $0x1B8B  }
0xa2: {  	_ =	swait.ge [sflag:s23], $0x1  }
0xa3: {  	[sflag:s23] =	ssyncset.done $0x0  }
0xa4: {  	[sflag:s23] =	ssyncadd.s32 $0xFFFFFFFF  }
0xa5: {  	s4 =	sld [smem:$0x0]  }
0xa6: {  	s5 =	sand.u32 $0xFFFFFFFE, s1  }
0xa7: {  	p0 =	sne.s32 s1, s5  }
0xa8: {  	s5 =	sshll.u32 @p0 s5, $0xE  }
0xa9: {  	s5 =	sadd.s32 @p0 $0x11B8D, s5;
	s6 =	sshll.u32 @p0 s4, $0x11  }
0xaa: {  	s5 =	sor.u32 @p0 s6, s5  }
0xab: {  	[sflag:s5] =	ssyncadd.remote.s32 @p0 $0x1;
	_ =	sdelay $0x1  }
0xac: {  	s5 =	simm.s32 @p0 $0x1B8D  }
0xad: {  	_ =	swait.eq @p0 [sflag:s5], $0x1  }
0xae: {  	[sflag:s5] =	ssyncadd.s32 @p0 $0xFFFFFFFF  }
0xaf: {  	s6 =	sshll.u32 @!p0 s1, $0xE  }
0xb0: {  	s6 =	sor.u32 @!p0 $0x4000, s6;
	s5 =	simm.s32 @!p0 $0x1B8D  }
0xb1: {  	s4 =	sshll.u32 @!p0 s4, $0x11;
	s6 =	sadd.s32 @!p0 $0x11B8D, s6;
	_ =	swait.eq @!p0 [sflag:s5], $0x1  }
0xb2: {  	s4 =	sor.u32 @!p0 s4, s6;
	[sflag:s5] =	ssyncadd.s32 @!p0 $0xFFFFFFFF  }
0xb3: {  	s25 =	simm.s32 $0x1B8E;
	s24 =	sld [smem:$0x3FFE];
	[sflag:s4] =	ssyncadd.remote.s32 @!p0 $0x1  }
0xb4: {  	s26 =	simm.s32 $execute0_lowered;
	[smem:$0x3FD2] =	sst s25  }
0xb5: {  	s5 =	sshll.u32 s26, $0x1;
	_ =	strace $0x8000004C;
	[dreg:$0x1] =	wrdreg $0xFFFFFFFF  }
0xb6: {  	s28 =	simm.s32 $_size_execute0_lowered;
	s3 =	sadd.s32 s3, s5;
	[dreg:$0x0] =	wrdreg $0x0  }
0xb7: {  	s5 =	sshll.u32 s28, $0x1;
	[dreg:$0x2] =	wrdreg s3  }
0xb8: {  	[dreg:$0x3] =	wrdreg s5  }
0xb9: {  	[dreg:$0x4] =	wrdreg $0xC0  }
0xba: {  	_ =	task [dreg:s22], $0x5FFFF  }
0xbb: {  	[dreg:$0x1] =	wrdreg $0xFFFFFFFF  }
0xbc: {  	[dreg:$0x0] =	wrdreg $0x60  }
0xbd: {  	[dreg:$0x2] =	wrdreg s24  }
0xbe: {  	[dreg:$0x3] =	wrdreg $0xB  }
0xbf: {  	_ =	task.clear_ibuf [dreg:s22], $0x4FFFF;
	_ =	strace $0x9000004C  }
0xc0: {  	s29 =	simm.s32 $0xB;
	_ =	strace $0x8000004E  }
0xc1: {  	_ =	swait.ge [sflag:s29], $0x1  }
0xc2: {  	[sflag:s29] =	ssyncadd.s32 $0xFFFFFFFF  }
0xc3: {  	_ =	strace $0x9000004E  }
0xc4: {  	_ =	sfence  }
0xc5: {  	s30 =	sld [smem:$0x0];
	_ =	sdelay $0x2  }
0xc6: {  	s31 =	sshll.u32 s1, $0xD;
	s1 =	sshrl.u32 s1, $0x2  }
0xc7: {  	s4 =	sand.u32 $0x4000, s31;
	s1 =	sadd.s32 s1, s30  }
0xc8: {  	s0 =	sor.u32 s4, s0;
	s1 =	sshll.u32 s1, $0x11  }
0xc9: {  	s0 =	sor.u32 s1, s0  }
0xca: {  	s0 =	sadd.s32 $0x8F2B, s0  }
0xcb: {  	[sflag:s0] =	ssyncadd.remote.s32 $0x1  }
0xcc: {  	_ =	sfence.sel $0xFFFF  }
0xcd: {  	[dreg:$0x0] =	wrdreg $0xFFFFFFFF;
	(pc) =	sbr.abs _section_cstart, $3  }
0xce: {  	[dreg:$0x1] =	wrdreg $0xFFFFFFFF  }
0xcf: {  	_ =	task.clear_ibuf [dreg:s22], $0x2FFFF;
	_ =	strace $0x9FFFFFFF  }
0xd0: {  	(tm) =	ssettm $0x7FFFFFFF  }
0xd1: {  	_ =	shalt  }
tec
execute0_lowered:
.L_overlay_start_1:
0x0: {  	(tag) =	ssettag $0x1  }
0x1: {  	s1 =	srdreg.scid;
	s0 =	stileid.u32  }
0x2: {  	s30 =	sand.u32 $0x1, s1;
	s26 =	sshll.u32 s0, $0x1  }
0x3: {  	s5 =	sor.u32 s30, s26  }
0x4: {  	s3 =	smul.u32 $0xA0, s5  }
0x5: {  	s8 =	rddreg [dreg:$0x0]  }
0x6: {  	s2 =	simm.s32 $0x0;
	s3 =	sadd.s32 s3, s8  }
0x7: {  	[smem:$0x7FF] =	sst s2;
	s3 =	sadd.s32 $0x177200, s3  }
0x8: {  	_ =	strace $0x8000004D;
	[dreg:$0x2] =	wrdreg s3  }
0x9: {  	s3 =	simm.s32 $0x5;
	s4 =	rddreg [dreg:$0x2]  }
0xa: {  	[tilespmem:s2], [sflag:$0x5] =	stream.linear.gather [hbm4b:s4+s2], $0x500, $0x38;
	[tilespmem:$0x8500] =	vst v63  }
0xb: {  	s6 =	simm.s32 $0x500;
	_ =	swait.ge [sflag:s3], $0x500  }
0xc: {  	s7 =	simm.s32 $0x1;
	s9 =	smul.u32 $0x5000, s5;
	[sflag:s3] =	ssyncset.done $0x0  }
0xd: {  	s5 =	simm.s32 $0x80;
	s4 =	sadd.s32 $0x167200, s8;
	[sflag:s3] =	ssyncadd.s32 $0xFFFFFB00  }
0xe: {  	[tilespmem:s6], [sflag:$0x1] =	stream.indirect.gather [hbm4b:s4+s5], $0x80, s2, s5, $0xb8;
	[tilespmem:$0x8500] =	vst v63  }
0xf: {  	_ =	swait.ge [sflag:s7], $0x4000  }
0x10: {  	s31 =	sadd.s32 s9, s8;
	[sflag:s7] =	ssyncset.done $0x0  }
0x11: {  	s8 =	sadd.s32 $0x188600, s31;
	[sflag:s7] =	ssyncadd.s32 $0xFFFFC000  }
0x12: {  	[hbm4b:s8+s2] =	stream.linear.scatter [tilespmem:s6], [sflag:$0x3], $0x4000, $0x38;
	[tilespmem:$0x8500] =	vst v63  }
0x13: {  	s10 =	simm.s32 $0x2;
	s9 =	simm.s32 $0x4500  }
0x14: {  	[tilespmem:s9], [sflag:$0x2] =	stream.indirect.gather [hbm4b:s4+s5], $0x80, s5, s5, $0xb8;
	[tilespmem:$0x8500] =	vst v63  }
0x15: {  	_ =	swait.ge [sflag:s10], $0x4000  }
0x16: {  	[sflag:s10] =	ssyncset.done $0x0  }
0x17: {  	s12 =	simm.s32 $0x3;
	s11 =	sadd.s32 $0x188E00, s31;
	[sflag:s10] =	ssyncadd.s32 $0xFFFFC000  }
0x18: {  	[hbm4b:s11+s2] =	stream.linear.scatter [tilespmem:s9], [sflag:$0x4], $0x4000, $0x38;
	[tilespmem:$0x8500] =	vst v63  }
0x19: {  	_ =	swait.ge [sflag:s12], $0x4000  }
0x1a: {  	[sflag:s12] =	ssyncset.done $0x0  }
0x1b: {  	s13 =	simm.s32 $0x100;
	[sflag:s12] =	ssyncadd.s32 $0xFFFFC000  }
0x1c: {  	[tilespmem:s6], [sflag:$0x1] =	stream.indirect.gather [hbm4b:s4+s5], $0x80, s13, s5, $0xb8;
	[tilespmem:$0x8500] =	vst v63  }
0x1d: {  	_ =	swait.ge [sflag:s7], $0x4000  }
0x1e: {  	[sflag:s7] =	ssyncset.done $0x0  }
0x1f: {  	s14 =	simm.s32 $0x4;
	s15 =	sadd.s32 $0x189600, s31;
	[sflag:s7] =	ssyncadd.s32 $0xFFFFC000  }
0x20: {  	[hbm4b:s15+s2] =	stream.linear.scatter [tilespmem:s6], [sflag:$0x3], $0x4000, $0x38;
	[tilespmem:$0x8500] =	vst v63  }
0x21: {  	_ =	swait.ge [sflag:s14], $0x4000  }
0x22: {  	[sflag:s14] =	ssyncset.done $0x0  }
0x23: {  	s16 =	simm.s32 $0x180;
	[sflag:s14] =	ssyncadd.s32 $0xFFFFC000  }
0x24: {  	[tilespmem:s9], [sflag:$0x2] =	stream.indirect.gather [hbm4b:s4+s5], $0x80, s16, s5, $0xb8;
	[tilespmem:$0x8500] =	vst v63  }
0x25: {  	_ =	swait.ge [sflag:s10], $0x4000  }
0x26: {  	[sflag:s10] =	ssyncset.done $0x0  }
0x27: {  	s17 =	sadd.s32 $0x189E00, s31;
	[sflag:s10] =	ssyncadd.s32 $0xFFFFC000  }
0x28: {  	[hbm4b:s17+s2] =	stream.linear.scatter [tilespmem:s9], [sflag:$0x4], $0x4000, $0x38;
	[tilespmem:$0x8500] =	vst v63  }
0x29: {  	_ =	swait.ge [sflag:s12], $0x4000  }
0x2a: {  	[sflag:s12] =	ssyncset.done $0x0  }
0x2b: {  	s18 =	simm.s32 $0x200;
	[sflag:s12] =	ssyncadd.s32 $0xFFFFC000  }
0x2c: {  	[tilespmem:s6], [sflag:$0x1] =	stream.indirect.gather [hbm4b:s4+s5], $0x80, s18, s5, $0xb8;
	[tilespmem:$0x8500] =	vst v63  }
0x2d: {  	_ =	swait.ge [sflag:s7], $0x4000  }
0x2e: {  	[sflag:s7] =	ssyncset.done $0x0  }
0x2f: {  	s19 =	sadd.s32 $0x18A600, s31;
	[sflag:s7] =	ssyncadd.s32 $0xFFFFC000  }
0x30: {  	[hbm4b:s19+s2] =	stream.linear.scatter [tilespmem:s6], [sflag:$0x3], $0x4000, $0x38;
	[tilespmem:$0x8500] =	vst v63  }
0x31: {  	_ =	swait.ge [sflag:s14], $0x4000  }
0x32: {  	[sflag:s14] =	ssyncset.done $0x0  }
0x33: {  	s20 =	simm.s32 $0x280;
	[sflag:s14] =	ssyncadd.s32 $0xFFFFC000  }
0x34: {  	[tilespmem:s9], [sflag:$0x2] =	stream.indirect.gather [hbm4b:s4+s5], $0x80, s20, s5, $0xb8;
	[tilespmem:$0x8500] =	vst v63  }
0x35: {  	_ =	swait.ge [sflag:s10], $0x4000  }
0x36: {  	[sflag:s10] =	ssyncset.done $0x0  }
0x37: {  	s21 =	sadd.s32 $0x18AE00, s31;
	[sflag:s10] =	ssyncadd.s32 $0xFFFFC000  }
0x38: {  	[hbm4b:s21+s2] =	stream.linear.scatter [tilespmem:s9], [sflag:$0x4], $0x4000, $0x38;
	[tilespmem:$0x8500] =	vst v63  }
0x39: {  	_ =	swait.ge [sflag:s12], $0x4000  }
0x3a: {  	[sflag:s12] =	ssyncset.done $0x0  }
0x3b: {  	s22 =	simm.s32 $0x300;
	[sflag:s12] =	ssyncadd.s32 $0xFFFFC000  }
0x3c: {  	[tilespmem:s6], [sflag:$0x1] =	stream.indirect.gather [hbm4b:s4+s5], $0x80, s22, s5, $0xb8;
	[tilespmem:$0x8500] =	vst v63  }
0x3d: {  	_ =	swait.ge [sflag:s7], $0x4000  }
0x3e: {  	[sflag:s7] =	ssyncset.done $0x0  }
0x3f: {  	s23 =	sadd.s32 $0x18B600, s31;
	[sflag:s7] =	ssyncadd.s32 $0xFFFFC000  }
0x40: {  	[hbm4b:s23+s2] =	stream.linear.scatter [tilespmem:s6], [sflag:$0x3], $0x4000, $0x38;
	[tilespmem:$0x8500] =	vst v63  }
0x41: {  	_ =	swait.ge [sflag:s14], $0x4000  }
0x42: {  	[sflag:s14] =	ssyncset.done $0x0  }
0x43: {  	s24 =	simm.s32 $0x380;
	[sflag:s14] =	ssyncadd.s32 $0xFFFFC000  }
0x44: {  	[tilespmem:s9], [sflag:$0x2] =	stream.indirect.gather [hbm4b:s4+s5], $0x80, s24, s5, $0xb8;
	[tilespmem:$0x8500] =	vst v63  }
0x45: {  	_ =	swait.ge [sflag:s10], $0x4000  }
0x46: {  	[sflag:s10] =	ssyncset.done $0x0  }
0x47: {  	s25 =	sadd.s32 $0x18BE00, s31;
	[sflag:s10] =	ssyncadd.s32 $0xFFFFC000  }
0x48: {  	[hbm4b:s25+s2] =	stream.linear.scatter [tilespmem:s9], [sflag:$0x4], $0x4000, $0x38;
	[tilespmem:$0x8500] =	vst v63  }
0x49: {  	_ =	swait.ge [sflag:s12], $0x4000  }
0x4a: {  	[sflag:s12] =	ssyncset.done $0x0  }
0x4b: {  	s26 =	simm.s32 $0x400;
	[sflag:s12] =	ssyncadd.s32 $0xFFFFC000  }
0x4c: {  	[tilespmem:s6], [sflag:$0x1] =	stream.indirect.gather [hbm4b:s4+s5], $0x80, s26, s5, $0xb8;
	[tilespmem:$0x8500] =	vst v63  }
0x4d: {  	_ =	swait.ge [sflag:s7], $0x4000  }
0x4e: {  	[sflag:s7] =	ssyncset.done $0x0  }
0x4f: {  	s28 =	sadd.s32 $0x18C600, s31;
	[sflag:s7] =	ssyncadd.s32 $0xFFFFC000  }
0x50: {  	[hbm4b:s28+s2] =	stream.linear.scatter [tilespmem:s6], [sflag:$0x3], $0x4000, $0x38;
	[tilespmem:$0x8500] =	vst v63  }
0x51: {  	_ =	swait.ge [sflag:s14], $0x4000  }
0x52: {  	s29 =	simm.s32 $0x480;
	s1 =	ssub.s32 $0x2, s30;
	[sflag:s14] =	ssyncset.done $0x0  }
0x53: {  	s30 =	sadd.s32 $0x18CE00, s31;
	s31 =	sshrl.u32 s1, $0x1;
	[sflag:s14] =	ssyncadd.s32 $0xFFFFC000  }
0x54: {  	[tilespmem:s9], [sflag:$0x2] =	stream.indirect.gather [hbm4b:s4+s5], $0x80, s29, s5, $0xb8;
	[tilespmem:$0x8500] =	vst v63  }
0x55: {  	s1 =	ssub.s32 s1, s31;
	_ =	swait.ge [sflag:s10], $0x4000  }
0x56: {  	s1 =	smax.u32 s1, $0x1;
	[sflag:s10] =	ssyncset.done $0x0  }
0x57: {  	p0 =	sne.s32 s1, $0x1;
	[sflag:s10] =	ssyncadd.s32 $0xFFFFC000  }
0x58: {  	[hbm4b:s30+s2] =	stream.linear.scatter [tilespmem:s9], [sflag:$0x4], $0x4000, $0x38;
	[tilespmem:$0x8500] =	vst v63  }
.Ltmp0:
0x59: {  	_ =	swait.ge [sflag:s12], $0x4000;
	(pc) =	sbr.rel @!p0 .LBB2_2-.Ltmp0, $4  }
0x5a: {  	[sflag:s12] =	ssyncset.done $0x0  }
0x5b: {  	[sflag:s12] =	ssyncadd.s32 $0xFFFFC000  }
0x5c: {  	_ =	swait.ge [sflag:s14], $0x4000  }
0x5d: {  	s31 =	sadd.s32 $0xFFFFFFFF, s1;
	[sflag:s14] =	ssyncset.done $0x0  }
.LBB2_1:
0x5e: {  	s1 =	rddreg [dreg:$0x2];
	[sflag:s14] =	ssyncadd.s32 $0xFFFFC000  }
0x5f: {  	[tilespmem:s2], [sflag:$0x5] =	stream.linear.gather [hbm4b:s1+s2], $0x500, $0x38;
	[tilespmem:$0x8500] =	vst v63  }
0x60: {  	_ =	swait.ge [sflag:s3], $0x500  }
0x61: {  	[sflag:s3] =	ssyncset.done $0x0  }
0x62: {  	[sflag:s3] =	ssyncadd.s32 $0xFFFFFB00  }
0x63: {  	[tilespmem:s6], [sflag:$0x1] =	stream.indirect.gather [hbm4b:s4+s5], $0x80, s2, s5, $0xb8;
	[tilespmem:$0x8500] =	vst v63  }
0x64: {  	_ =	swait.ge [sflag:s7], $0x4000  }
0x65: {  	[sflag:s7] =	ssyncset.done $0x0  }
0x66: {  	[sflag:s7] =	ssyncadd.s32 $0xFFFFC000  }
0x67: {  	[hbm4b:s8+s2] =	stream.linear.scatter [tilespmem:s6], [sflag:$0x3], $0x4000, $0x38;
	[tilespmem:$0x8500] =	vst v63  }
0x68: {  	_ = 	snop  }
0x69: {  	[tilespmem:s9], [sflag:$0x2] =	stream.indirect.gather [hbm4b:s4+s5], $0x80, s5, s5, $0xb8;
	[tilespmem:$0x8500] =	vst v63  }
0x6a: {  	_ =	swait.ge [sflag:s10], $0x4000  }
0x6b: {  	[sflag:s10] =	ssyncset.done $0x0  }
0x6c: {  	[sflag:s10] =	ssyncadd.s32 $0xFFFFC000  }
0x6d: {  	[hbm4b:s11+s2] =	stream.linear.scatter [tilespmem:s9], [sflag:$0x4], $0x4000, $0x38;
	[tilespmem:$0x8500] =	vst v63  }
0x6e: {  	_ =	swait.ge [sflag:s12], $0x4000  }
0x6f: {  	[sflag:s12] =	ssyncset.done $0x0  }
0x70: {  	[sflag:s12] =	ssyncadd.s32 $0xFFFFC000  }
0x71: {  	[tilespmem:s6], [sflag:$0x1] =	stream.indirect.gather [hbm4b:s4+s5], $0x80, s13, s5, $0xb8;
	[tilespmem:$0x8500] =	vst v63  }
0x72: {  	_ =	swait.ge [sflag:s7], $0x4000  }
0x73: {  	[sflag:s7] =	ssyncset.done $0x0  }
0x74: {  	[sflag:s7] =	ssyncadd.s32 $0xFFFFC000  }
0x75: {  	[hbm4b:s15+s2] =	stream.linear.scatter [tilespmem:s6], [sflag:$0x3], $0x4000, $0x38;
	[tilespmem:$0x8500] =	vst v63  }
0x76: {  	_ =	swait.ge [sflag:s14], $0x4000  }
0x77: {  	[sflag:s14] =	ssyncset.done $0x0  }
0x78: {  	[sflag:s14] =	ssyncadd.s32 $0xFFFFC000  }
0x79: {  	[tilespmem:s9], [sflag:$0x2] =	stream.indirect.gather [hbm4b:s4+s5], $0x80, s16, s5, $0xb8;
	[tilespmem:$0x8500] =	vst v63  }
0x7a: {  	_ =	swait.ge [sflag:s10], $0x4000  }
0x7b: {  	[sflag:s10] =	ssyncset.done $0x0  }
0x7c: {  	[sflag:s10] =	ssyncadd.s32 $0xFFFFC000  }
0x7d: {  	[hbm4b:s17+s2] =	stream.linear.scatter [tilespmem:s9], [sflag:$0x4], $0x4000, $0x38;
	[tilespmem:$0x8500] =	vst v63  }
0x7e: {  	_ =	swait.ge [sflag:s12], $0x4000  }
0x7f: {  	[sflag:s12] =	ssyncset.done $0x0  }
0x80: {  	[sflag:s12] =	ssyncadd.s32 $0xFFFFC000  }
0x81: {  	[tilespmem:s6], [sflag:$0x1] =	stream.indirect.gather [hbm4b:s4+s5], $0x80, s18, s5, $0xb8;
	[tilespmem:$0x8500] =	vst v63  }
0x82: {  	_ =	swait.ge [sflag:s7], $0x4000  }
0x83: {  	[sflag:s7] =	ssyncset.done $0x0  }
0x84: {  	[sflag:s7] =	ssyncadd.s32 $0xFFFFC000  }
0x85: {  	[hbm4b:s19+s2] =	stream.linear.scatter [tilespmem:s6], [sflag:$0x3], $0x4000, $0x38;
	[tilespmem:$0x8500] =	vst v63  }
0x86: {  	_ =	swait.ge [sflag:s14], $0x4000  }
0x87: {  	[sflag:s14] =	ssyncset.done $0x0  }
0x88: {  	[sflag:s14] =	ssyncadd.s32 $0xFFFFC000  }
0x89: {  	[tilespmem:s9], [sflag:$0x2] =	stream.indirect.gather [hbm4b:s4+s5], $0x80, s20, s5, $0xb8;
	[tilespmem:$0x8500] =	vst v63  }
0x8a: {  	_ =	swait.ge [sflag:s10], $0x4000  }
0x8b: {  	[sflag:s10] =	ssyncset.done $0x0  }
0x8c: {  	[sflag:s10] =	ssyncadd.s32 $0xFFFFC000  }
0x8d: {  	[hbm4b:s21+s2] =	stream.linear.scatter [tilespmem:s9], [sflag:$0x4], $0x4000, $0x38;
	[tilespmem:$0x8500] =	vst v63  }
0x8e: {  	_ =	swait.ge [sflag:s12], $0x4000  }
0x8f: {  	[sflag:s12] =	ssyncset.done $0x0  }
0x90: {  	[sflag:s12] =	ssyncadd.s32 $0xFFFFC000  }
0x91: {  	[tilespmem:s6], [sflag:$0x1] =	stream.indirect.gather [hbm4b:s4+s5], $0x80, s22, s5, $0xb8;
	[tilespmem:$0x8500] =	vst v63  }
0x92: {  	_ =	swait.ge [sflag:s7], $0x4000  }
0x93: {  	[sflag:s7] =	ssyncset.done $0x0  }
0x94: {  	[sflag:s7] =	ssyncadd.s32 $0xFFFFC000  }
0x95: {  	[hbm4b:s23+s2] =	stream.linear.scatter [tilespmem:s6], [sflag:$0x3], $0x4000, $0x38;
	[tilespmem:$0x8500] =	vst v63  }
0x96: {  	_ =	swait.ge [sflag:s14], $0x4000  }
0x97: {  	[sflag:s14] =	ssyncset.done $0x0  }
0x98: {  	[sflag:s14] =	ssyncadd.s32 $0xFFFFC000  }
0x99: {  	[tilespmem:s9], [sflag:$0x2] =	stream.indirect.gather [hbm4b:s4+s5], $0x80, s24, s5, $0xb8;
	[tilespmem:$0x8500] =	vst v63  }
0x9a: {  	_ =	swait.ge [sflag:s10], $0x4000  }
0x9b: {  	[sflag:s10] =	ssyncset.done $0x0  }
0x9c: {  	[sflag:s10] =	ssyncadd.s32 $0xFFFFC000  }
0x9d: {  	[hbm4b:s25+s2] =	stream.linear.scatter [tilespmem:s9], [sflag:$0x4], $0x4000, $0x38;
	[tilespmem:$0x8500] =	vst v63  }
0x9e: {  	_ =	swait.ge [sflag:s12], $0x4000  }
0x9f: {  	[sflag:s12] =	ssyncset.done $0x0  }
0xa0: {  	[sflag:s12] =	ssyncadd.s32 $0xFFFFC000  }
0xa1: {  	[tilespmem:s6], [sflag:$0x1] =	stream.indirect.gather [hbm4b:s4+s5], $0x80, s26, s5, $0xb8;
	[tilespmem:$0x8500] =	vst v63  }
0xa2: {  	_ =	swait.ge [sflag:s7], $0x4000  }
0xa3: {  	[sflag:s7] =	ssyncset.done $0x0  }
0xa4: {  	[sflag:s7] =	ssyncadd.s32 $0xFFFFC000  }
0xa5: {  	[hbm4b:s28+s2] =	stream.linear.scatter [tilespmem:s6], [sflag:$0x3], $0x4000, $0x38;
	[tilespmem:$0x8500] =	vst v63  }
0xa6: {  	_ =	swait.ge [sflag:s14], $0x4000  }
0xa7: {  	[sflag:s14] =	ssyncset.done $0x0  }
0xa8: {  	[sflag:s14] =	ssyncadd.s32 $0xFFFFC000  }
0xa9: {  	[tilespmem:s9], [sflag:$0x2] =	stream.indirect.gather [hbm4b:s4+s5], $0x80, s29, s5, $0xb8;
	[tilespmem:$0x8500] =	vst v63  }
0xaa: {  	_ =	swait.ge [sflag:s10], $0x4000  }
0xab: {  	[sflag:s10] =	ssyncset.done $0x0  }
0xac: {  	p0 =	sne.s32 s31, $0x1;
	[sflag:s10] =	ssyncadd.s32 $0xFFFFC000  }
0xad: {  	[hbm4b:s30+s2] =	stream.linear.scatter [tilespmem:s9], [sflag:$0x4], $0x4000, $0x38;
	[tilespmem:$0x8500] =	vst v63  }
.Ltmp1:
0xae: {  	_ =	swait.ge [sflag:s12], $0x4000;
	(pc) =	sbr.rel @p0 .LBB2_1-.Ltmp1, $4  }
0xaf: {  	[sflag:s12] =	ssyncset.done $0x0  }
0xb0: {  	[sflag:s12] =	ssyncadd.s32 $0xFFFFC000  }
0xb1: {  	_ =	swait.ge [sflag:s14], $0x4000  }
0xb2: {  	s31 =	sadd.s32 $0xFFFFFFFF, s31;
	[sflag:s14] =	ssyncset.done $0x0  }
.LBB2_2:
0xb3: {  	[sflag:s14] =	ssyncadd.s32 $0xFFFFC000  }
0xb4: {  	_ =	sfence.sel $0x180000  }
0xb5: {  	[bflag:$0x0] =	sbarrier.arrive $0xFFFF  }
0xb6: {  	_ =	strace $0x9000004D  }
0xb7: {  	[bflag:$0x2] =	sbarrier.arrive $0xFFFF  }
0xb8: {  	p0 =	sne.s32 s0, $0x0;
	s0 =	rddreg [dreg:$0x1]  }
0xb9: {  	s0 =	sadd.s32 @!p0 $0x100000, s0  }
0xba: {  	[sflag:s0] =	ssyncadd.tile.s32 @!p0 $0x1;
	_ =	shalt  }
.Lfunc_end2:
_tile_overlayer_lowered:
.L_overlay_start_2:
0xbb: {  	(tag) =	ssettag $0x2  }
0xbc: {  	s0 =	rddreg [dreg:$0x0];
	s2 =	stileid.u32  }
0xbd: {  	s1 =	rddreg [dreg:$0x1];
	p0 =	sne.s32 s2, $0x0  }
0xbe: {  	s3 =	rddreg [dreg:$0x2];
	[bflag:$0x3] =	sbarrier.arrive $0xFFFF;
	s2 =	simm.s32 @!p0 $0x1C05  }
0xbf: {  	[timem:s3], [sflag:s2] =	dma.local @!p0 [hbm:s0], s1  }
0xc0: {  	s0 =	simm.s32 @!p0 $0x5  }
0xc1: {  	_ =	swait.ge @!p0 [sflag:s0], s1  }
0xc2: {  	s1 =	ssub.s32 @!p0 $0x0, s1;
	[sflag:s0] =	ssyncset.done @!p0 $0x0  }
0xc3: {  	[sflag:s0] =	ssyncadd.s32 @!p0 s1  }
0xc4: {  	[bflag:$0x3] =	sbarrier.arrive $0xFFFF  }
0xc5: {  	_ =	shalt  }

// kernel: kernel.23.cloned.1.call-start
scs
__scs_entry_jumppad:
0x0: {  	(pc) =	sbr.rel $0x88, $3  }
0x1: {  	(tag) =	ssettag $0x0;
	lr =	simm.s32 $0x1  }
0x2: {  	[smem:$0x3F98] =	sst lr;
	_ =	strace $0xD0000000  }
0x3: {  	_ = 	snop  }
0x4: {  	_ = 	snop  }
0x5: {  	_ = 	snop  }
0x6: {  	_ = 	snop  }
0x7: {  	_ = 	snop  }
__scs_overlays_trampoline_lowered:
0x8: {  	[smem:$0x3FA7] =	sst s0  }
0x9: {  	[smem:$0x3FA8] =	sst s1  }
0xa: {  	[smem:$0x3FA9] =	sst s2  }
0xb: {  	[smem:$0x3FAA] =	sst s3  }
0xc: {  	[smem:$0x3FAB] =	sst s4  }
0xd: {  	[smem:$0x3FAC] =	sst s5  }
0xe: {  	[smem:$0x3FAD] =	sst s6  }
0xf: {  	[smem:$0x3FAE] =	sst s7  }
0x10: {  	[smem:$0x3FAF] =	sst s8  }
0x11: {  	[smem:$0x3FB0] =	sst s9;
	s0 =	simm.s32 @!p0 $0x0  }
0x12: {  	s1 =	sld [smem:$0x3F96];
	s0 =	simm.s32 @p0 $0x1  }
0x13: {  	[smem:$0x3FB1] =	sst s0;
	s0 =	simm.s32 @!p1 $0x0  }
0x14: {  	s2 =	sld [smem:$0x3F95];
	s0 =	simm.s32 @p1 $0x1  }
0x15: {  	[smem:$0x3FB2] =	sst s0;
	s0 =	simm.s32 @!p2 $0x0  }
0x16: {  	s3 =	sld [smem:$0x3FDB];
	s0 =	simm.s32 @p2 $0x1  }
0x17: {  	s4 =	simm.s32 $0x1BF5;
	[smem:$0x3FB4] =	sst s0  }
0x18: {  	s0 =	sld [smem:$0x3F97];
	_ =	swait.ge [sflag:s4], $0x0  }
0x19: {  	s7 =	sld [smem:$0x3F98]  }
0x1a: {  	s8 =	sadd.s32 $0xFFFFE003, lr  }
0x1b: {  	s9 =	sadd.s32 $0xFFFFFEF7, lr;
	s5 =	simm.s32 $0xFFFFFFFF;
	p2 =	slt.u32 s8, $0xFFFFF086  }
0x1c: {  	p1 =	slt.u32 s9, $0xF7A;
	s5 =	simm.s32 @!p2 $0x0  }
0x1d: {  	s5 =	simm.s32 @p1 $0x1;
	p0 =	seq.s32 s7, s2  }
0x1e: {  	s7 =	smul.u32 @!p0 $0xF7A, s2;
	p2 =	seq.s32 @!p0 s5, $0x0  }
0x1f: {  	s9 =	smul.u32 $0xF7A, s1;
	s8 =	simm.s32 @!p0 $0x1BF5;
	p2 =	por !p2, p0  }
0x20: {  	[sflag:s8] =	ssyncset.s32 @!p0 $0xFFFFF086;
	s6 =	sadd.s32 @!p0 s3, s7;
	s7 =	simm.s32 @!p0 $0x108  }
0x21: {  	s3 =	sadd.s32 s3, s9;
	s6 =	sadd.s32 @!p0 $0x88, s6;
	s7 =	simm.s32 @p2 $0x1082  }
0x22: {  	[simem:s7], [sflag:s8] =	dma.local @!p0 [hbm:s6], $0xF7A  }
0x23: {  	s9 =	sor.u32 $0xD0000000, s2;
	s6 =	simm.s32 $0x108;
	_ =	swait.ge @!p0 [sflag:s8], $0x0  }
0x24: {  	s3 =	sadd.s32 $0x88, s3;
	s6 =	simm.s32 @!p1 $0x1082;
	[sflag:s4] =	ssyncset.s32 $0xFFFFF086  }
0x25: {  	[simem:s6], [sflag:s4] =	dma.local [hbm:s3], $0xF7A  }
0x26: {  	[smem:$0x3F98] =	sst s1;
	(tag) =	ssettag s2;
	_ =	strace s9  }
0x27: {  	s1 =	sld [smem:$0x3FA8]  }
0x28: {  	s2 =	sld [smem:$0x3FA9]  }
0x29: {  	s4 =	sld [smem:$0x3FAB]  }
0x2a: {  	p0 =	seq.s32 s5, $0x0;
	s5 =	sld [smem:$0x3FAC]  }
0x2b: {  	s6 =	sld [smem:$0x3FAD]  }
0x2c: {  	s7 =	sld [smem:$0x3FAE]  }
0x2d: {  	s3 =	simm.s32 $0x108;
	s8 =	sld [smem:$0x3FAF]  }
0x2e: {  	s3 =	simm.s32 @!p0 $0x1082;
	s9 =	sld [smem:$0x3FB0]  }
0x2f: {  	lr =	sadd.s32 s0, s3;
	s0 =	sld [smem:$0x3FA7]  }
0x30: {  	s3 =	sld [smem:$0x3FAA]  }
0x31: {  	[smem:$0x3FB3] =	sst s10  }
0x32: {  	s10 =	sld [smem:$0x3FB1];
	_ =	sdelay $0x3  }
0x33: {  	p0 =	seq.s32 s10, $0x1;
	s10 =	sld [smem:$0x3FB3];
	_ =	sdelay $0x3  }
0x34: {  	[smem:$0x3FB3] =	sst s10  }
0x35: {  	s10 =	sld [smem:$0x3FB2];
	_ =	sdelay $0x3  }
0x36: {  	p1 =	seq.s32 s10, $0x1;
	s10 =	sld [smem:$0x3FB3];
	_ =	sdelay $0x3  }
0x37: {  	[smem:$0x3FB3] =	sst s10  }
0x38: {  	s10 =	sld [smem:$0x3FB4]  }
0x39: {  	_ = 	snop;
	(pc) =	sbr.ind lr, $3  }
0x3a: {  	_ = 	snop  }
0x3b: {  	_ = 	snop  }
0x3c: {  	p2 =	seq.s32 s10, $0x1;
	s10 =	sld [smem:$0x3FB3]  }
0x3d: {  	_ =	shalt  }
0x3e: {  	_ =	shalt  }
0x3f: {  	_ =	shalt  }
0x40: {  	_ =	shalt  }
0x41: {  	_ =	shalt  }
0x42: {  	_ =	shalt  }
0x43: {  	_ =	shalt  }
0x44: {  	_ =	shalt  }
0x45: {  	_ =	shalt  }
0x46: {  	_ =	shalt  }
0x47: {  	_ =	shalt  }
0x48: {  	_ =	shalt  }
0x49: {  	_ =	shalt  }
0x4a: {  	_ =	shalt  }
0x4b: {  	_ =	shalt  }
0x4c: {  	_ =	shalt  }
0x4d: {  	_ =	shalt  }
0x4e: {  	_ =	shalt  }
0x4f: {  	_ =	shalt  }
0x50: {  	_ =	shalt  }
0x51: {  	_ =	shalt  }
0x52: {  	_ =	shalt  }
0x53: {  	_ =	shalt  }
0x54: {  	_ =	shalt  }
0x55: {  	_ =	shalt  }
0x56: {  	_ =	shalt  }
0x57: {  	_ =	shalt  }
0x58: {  	_ =	shalt  }
0x59: {  	_ =	shalt  }
0x5a: {  	_ =	shalt  }
0x5b: {  	_ =	shalt  }
0x5c: {  	_ =	shalt  }
0x5d: {  	_ =	shalt  }
0x5e: {  	_ =	shalt  }
0x5f: {  	_ =	shalt  }
0x60: {  	_ =	shalt  }
0x61: {  	_ =	shalt  }
0x62: {  	_ =	shalt  }
0x63: {  	_ =	shalt  }
0x64: {  	_ =	shalt  }
0x65: {  	_ =	shalt  }
0x66: {  	_ =	shalt  }
0x67: {  	_ =	shalt  }
0x68: {  	_ =	shalt  }
0x69: {  	_ =	shalt  }
0x6a: {  	_ =	shalt  }
0x6b: {  	_ =	shalt  }
0x6c: {  	_ =	shalt  }
0x6d: {  	_ =	shalt  }
0x6e: {  	_ =	shalt  }
0x6f: {  	_ =	shalt  }
0x70: {  	_ =	shalt  }
0x71: {  	_ =	shalt  }
0x72: {  	_ =	shalt  }
0x73: {  	_ =	shalt  }
0x74: {  	_ =	shalt  }
0x75: {  	_ =	shalt  }
0x76: {  	_ =	shalt  }
0x77: {  	_ =	shalt  }
0x78: {  	_ =	shalt  }
0x79: {  	_ =	shalt  }
0x7a: {  	_ =	shalt  }
0x7b: {  	_ =	shalt  }
0x7c: {  	_ =	shalt  }
0x7d: {  	_ =	shalt  }
0x7e: {  	_ =	shalt  }
0x7f: {  	_ =	shalt  }
0x80: {  	_ =	shalt  }
0x81: {  	_ =	shalt  }
0x82: {  	_ =	shalt  }
0x83: {  	_ =	shalt  }
0x84: {  	_ =	shalt  }
0x85: {  	_ =	shalt  }
0x86: {  	_ =	shalt  }
0x87: {  	_ =	shalt  }
.Lfunc_end0:
.L_simem_size_0:
called_computation.3_lowered:
.L_overlay_start_0:
0x88: {  	s2 =	sld [smem:$0x3FD9]  }
0x89: {  	s3 =	sld [smem:$0x3FFE];
	_ =	sdelay $0x1  }
0x8a: {  	s1 =	srdreg.scid  }
0x8b: {  	s0 =	sand.u32 $0x1, s1  }
0x8c: {  	s17 =	sshll.u32 s0, $0xA;
	s2 =	sadd.s32 s3, s2  }
0x8d: {  	s2 =	sadd.s32 s2, s17  }
0x8e: {  	[smem:$0x3FBF] =	sst s2  }
0x8f: {  	_ = 	snop  }
0x90: {  	s18 =	sld [smem:$0x3FD0];
	(tm) =	ssettm $0x1  }
0x91: {  	s19 =	sld [smem:$0x3FFB];
	_ =	sdelay $0x3  }
0x92: {  	_ =	strace s19  }
0x93: {  	s2 =	sld [smem:$0x3FFC];
	_ =	sdelay $0x3  }
0x94: {  	_ =	strace s2  }
0x95: {  	s2 =	sld [smem:$0x3FFD];
	_ =	sdelay $0x3  }
0x96: {  	_ =	strace s2  }
0x97: {  	_ =	strace $0x8FFFFFFF  }
0x98: {  	s20 =	sld [smem:$0x3FDB];
	_ =	sdelay $0x1  }
0x99: {  	s4 =	simm.s32 $_scs_section_size  }
0x9a: {  	s5 =	simm.s32 $_size__tile_overlayer_lowered;
	s6 =	simm.s32 $_tile_overlayer_lowered  }
0x9b: {  	s7 =	simm.s32 $0x1BFF;
	s21 =	sshll.u32 s6, $0x1;
	s4 =	sadd.s32 s4, s20  }
0x9c: {  	s22 =	simm.s32 $0x0;
	s5 =	sshll.u32 s5, $0x1;
	s6 =	sadd.s32 s21, s4  }
0x9d: {  	[timem:s22], [sflag:s7] =	dma.local [hbm:s6], s5  }
0x9e: {  	_ =	swait.ge [sflag:s7], s5  }
0x9f: {  	s5 =	ssub.s32 $0x0, s5;
	[sflag:s7] =	ssyncset.done $0x0  }
0xa0: {  	[sflag:s7] =	ssyncadd.s32 s5;
	_ =	sdelay $0x1  }
0xa1: {  	s23 =	simm.s32 $0x1B8B  }
0xa2: {  	_ =	swait.ge [sflag:s23], $0x1  }
0xa3: {  	[sflag:s23] =	ssyncset.done $0x0  }
0xa4: {  	[sflag:s23] =	ssyncadd.s32 $0xFFFFFFFF  }
0xa5: {  	s5 =	sld [smem:$0x0]  }
0xa6: {  	s6 =	sand.u32 $0xFFFFFFFE, s1  }
0xa7: {  	p0 =	sne.s32 s1, s6  }
0xa8: {  	s6 =	sshll.u32 @p0 s6, $0xE  }
0xa9: {  	s6 =	sadd.s32 @p0 $0x11B8D, s6;
	s7 =	sshll.u32 @p0 s5, $0x11  }
0xaa: {  	s6 =	sor.u32 @p0 s7, s6  }
0xab: {  	[sflag:s6] =	ssyncadd.remote.s32 @p0 $0x1;
	_ =	sdelay $0x1  }
0xac: {  	s6 =	simm.s32 @p0 $0x1B8D  }
0xad: {  	_ =	swait.eq @p0 [sflag:s6], $0x1  }
0xae: {  	[sflag:s6] =	ssyncadd.s32 @p0 $0xFFFFFFFF  }
0xaf: {  	s7 =	sshll.u32 @!p0 s1, $0xE  }
0xb0: {  	s7 =	sor.u32 @!p0 $0x4000, s7;
	s6 =	simm.s32 @!p0 $0x1B8D  }
0xb1: {  	s5 =	sshll.u32 @!p0 s5, $0x11;
	s7 =	sadd.s32 @!p0 $0x11B8D, s7;
	_ =	swait.eq @!p0 [sflag:s6], $0x1  }
0xb2: {  	s5 =	sor.u32 @!p0 s5, s7;
	[sflag:s6] =	ssyncadd.s32 @!p0 $0xFFFFFFFF  }
0xb3: {  	s25 =	simm.s32 $0x1B8E;
	s24 =	sld [smem:$0x3FFE];
	[sflag:s5] =	ssyncadd.remote.s32 @!p0 $0x1  }
0xb4: {  	s26 =	simm.s32 $execute0_lowered;
	[smem:$0x3FD2] =	sst s25  }
0xb5: {  	s6 =	sshll.u32 s26, $0x1;
	_ =	strace $0x8000004F;
	[dreg:$0x1] =	wrdreg $0xFFFFFFFF  }
0xb6: {  	s28 =	simm.s32 $_size_execute0_lowered;
	s4 =	sadd.s32 s4, s6;
	[dreg:$0x0] =	wrdreg $0x0  }
0xb7: {  	s6 =	sshll.u32 s28, $0x1;
	[dreg:$0x2] =	wrdreg s4  }
0xb8: {  	[dreg:$0x3] =	wrdreg s6  }
0xb9: {  	[dreg:$0x4] =	wrdreg $0xC0  }
0xba: {  	_ =	task [dreg:s22], $0x5FFFF  }
0xbb: {  	[dreg:$0x1] =	wrdreg $0xFFFFFFFF  }
0xbc: {  	[dreg:$0x0] =	wrdreg $0x60  }
0xbd: {  	[dreg:$0x2] =	wrdreg s18  }
0xbe: {  	[dreg:$0x3] =	wrdreg s24  }
0xbf: {  	[dreg:$0x4] =	wrdreg $0xC  }
0xc0: {  	_ =	task.clear_ibuf [dreg:s22], $0x5FFFF;
	_ =	strace $0x9000004F  }
0xc1: {  	s29 =	simm.s32 $0xC;
	_ =	strace $0x80000051  }
0xc2: {  	_ =	swait.ge [sflag:s29], $0x1  }
0xc3: {  	[sflag:s29] =	ssyncadd.s32 $0xFFFFFFFF  }
0xc4: {  	_ =	strace $0x90000051  }
0xc5: {  	_ =	sfence  }
0xc6: {  	s30 =	sld [smem:$0x0];
	_ =	sdelay $0x2  }
0xc7: {  	s31 =	sshll.u32 s1, $0xD;
	s1 =	sshrl.u32 s1, $0x2  }
0xc8: {  	s4 =	sand.u32 $0x4000, s31;
	s1 =	sadd.s32 s1, s30  }
0xc9: {  	s0 =	sor.u32 s4, s0;
	s1 =	sshll.u32 s1, $0x11  }
0xca: {  	s0 =	sor.u32 s1, s0  }
0xcb: {  	s0 =	sadd.s32 $0x8F2B, s0  }
0xcc: {  	[sflag:s0] =	ssyncadd.remote.s32 $0x1  }
0xcd: {  	_ =	sfence.sel $0xFFFF  }
0xce: {  	[dreg:$0x0] =	wrdreg $0xFFFFFFFF;
	(pc) =	sbr.abs _section_cstart, $3  }
0xcf: {  	[dreg:$0x1] =	wrdreg $0xFFFFFFFF  }
0xd0: {  	_ =	task.clear_ibuf [dreg:s22], $0x2FFFF;
	_ =	strace $0x9FFFFFFF  }
0xd1: {  	(tm) =	ssettm $0x7FFFFFFF  }
tec
execute0_lowered:
.L_overlay_start_1:
0x0: {  	(tag) =	ssettag $0x1  }
0x1: {  	s1 =	srdreg.scid;
	s0 =	stileid.u32  }
0x2: {  	s30 =	sand.u32 $0x1, s1;
	s26 =	sshll.u32 s0, $0x1  }
0x3: {  	s5 =	sor.u32 s30, s26  }
0x4: {  	s4 =	smul.u32 $0xA0, s5  }
0x5: {  	s8 =	rddreg [dreg:$0x1]  }
0x6: {  	s2 =	rddreg [dreg:$0x0];
	s3 =	simm.s32 $0x0;
	s4 =	sadd.s32 s4, s8  }
0x7: {  	[smem:$0x7FF] =	sst s3;
	s4 =	sadd.s32 $0x228600, s4  }
0x8: {  	_ =	strace $0x80000050;
	[dreg:$0x3] =	wrdreg s4  }
0x9: {  	s4 =	simm.s32 $0x5;
	s6 =	rddreg [dreg:$0x3]  }
0xa: {  	[tilespmem:s3], [sflag:$0x5] =	stream.linear.gather [hbm4b:s6+s3], $0x500, $0x38;
	[tilespmem:$0x8500] =	vst v63  }
0xb: {  	_ =	swait.ge [sflag:s4], $0x500  }
0xc: {  	s7 =	simm.s32 $0x1;
	s9 =	smul.u32 $0x5000, s5;
	[sflag:s4] =	ssyncset.done $0x0  }
0xd: {  	s5 =	simm.s32 $0x80;
	s6 =	simm.s32 $0x500;
	[sflag:s4] =	ssyncadd.s32 $0xFFFFFB00  }
0xe: {  	[tilespmem:s6], [sflag:$0x1] =	stream.indirect.gather [hbm4b:s2+s5], $0x80, s3, s5, $0xb8;
	[tilespmem:$0x8500] =	vst v63  }
0xf: {  	_ =	swait.ge [sflag:s7], $0x4000  }
0x10: {  	s31 =	sadd.s32 s9, s8;
	[sflag:s7] =	ssyncset.done $0x0  }
0x11: {  	s8 =	sadd.s32 $0x239A00, s31;
	[sflag:s7] =	ssyncadd.s32 $0xFFFFC000  }
0x12: {  	[hbm4b:s8+s3] =	stream.linear.scatter [tilespmem:s6], [sflag:$0x3], $0x4000, $0x38;
	[tilespmem:$0x8500] =	vst v63  }
0x13: {  	s10 =	simm.s32 $0x2;
	s9 =	simm.s32 $0x4500  }
0x14: {  	[tilespmem:s9], [sflag:$0x2] =	stream.indirect.gather [hbm4b:s2+s5], $0x80, s5, s5, $0xb8;
	[tilespmem:$0x8500] =	vst v63  }
0x15: {  	_ =	swait.ge [sflag:s10], $0x4000  }
0x16: {  	[sflag:s10] =	ssyncset.done $0x0  }
0x17: {  	s12 =	simm.s32 $0x3;
	s11 =	sadd.s32 $0x23A200, s31;
	[sflag:s10] =	ssyncadd.s32 $0xFFFFC000  }
0x18: {  	[hbm4b:s11+s3] =	stream.linear.scatter [tilespmem:s9], [sflag:$0x4], $0x4000, $0x38;
	[tilespmem:$0x8500] =	vst v63  }
0x19: {  	_ =	swait.ge [sflag:s12], $0x4000  }
0x1a: {  	[sflag:s12] =	ssyncset.done $0x0  }
0x1b: {  	s13 =	simm.s32 $0x100;
	[sflag:s12] =	ssyncadd.s32 $0xFFFFC000  }
0x1c: {  	[tilespmem:s6], [sflag:$0x1] =	stream.indirect.gather [hbm4b:s2+s5], $0x80, s13, s5, $0xb8;
	[tilespmem:$0x8500] =	vst v63  }
0x1d: {  	_ =	swait.ge [sflag:s7], $0x4000  }
0x1e: {  	[sflag:s7] =	ssyncset.done $0x0  }
0x1f: {  	s14 =	simm.s32 $0x4;
	s15 =	sadd.s32 $0x23AA00, s31;
	[sflag:s7] =	ssyncadd.s32 $0xFFFFC000  }
0x20: {  	[hbm4b:s15+s3] =	stream.linear.scatter [tilespmem:s6], [sflag:$0x3], $0x4000, $0x38;
	[tilespmem:$0x8500] =	vst v63  }
0x21: {  	_ =	swait.ge [sflag:s14], $0x4000  }
0x22: {  	[sflag:s14] =	ssyncset.done $0x0  }
0x23: {  	s16 =	simm.s32 $0x180;
	[sflag:s14] =	ssyncadd.s32 $0xFFFFC000  }
0x24: {  	[tilespmem:s9], [sflag:$0x2] =	stream.indirect.gather [hbm4b:s2+s5], $0x80, s16, s5, $0xb8;
	[tilespmem:$0x8500] =	vst v63  }
0x25: {  	_ =	swait.ge [sflag:s10], $0x4000  }
0x26: {  	[sflag:s10] =	ssyncset.done $0x0  }
0x27: {  	s17 =	sadd.s32 $0x23B200, s31;
	[sflag:s10] =	ssyncadd.s32 $0xFFFFC000  }
0x28: {  	[hbm4b:s17+s3] =	stream.linear.scatter [tilespmem:s9], [sflag:$0x4], $0x4000, $0x38;
	[tilespmem:$0x8500] =	vst v63  }
0x29: {  	_ =	swait.ge [sflag:s12], $0x4000  }
0x2a: {  	[sflag:s12] =	ssyncset.done $0x0  }
0x2b: {  	s18 =	simm.s32 $0x200;
	[sflag:s12] =	ssyncadd.s32 $0xFFFFC000  }
0x2c: {  	[tilespmem:s6], [sflag:$0x1] =	stream.indirect.gather [hbm4b:s2+s5], $0x80, s18, s5, $0xb8;
	[tilespmem:$0x8500] =	vst v63  }
0x2d: {  	_ =	swait.ge [sflag:s7], $0x4000  }
0x2e: {  	[sflag:s7] =	ssyncset.done $0x0  }
0x2f: {  	s19 =	sadd.s32 $0x23BA00, s31;
	[sflag:s7] =	ssyncadd.s32 $0xFFFFC000  }
0x30: {  	[hbm4b:s19+s3] =	stream.linear.scatter [tilespmem:s6], [sflag:$0x3], $0x4000, $0x38;
	[tilespmem:$0x8500] =	vst v63  }
0x31: {  	_ =	swait.ge [sflag:s14], $0x4000  }
0x32: {  	[sflag:s14] =	ssyncset.done $0x0  }
0x33: {  	s20 =	simm.s32 $0x280;
	[sflag:s14] =	ssyncadd.s32 $0xFFFFC000  }
0x34: {  	[tilespmem:s9], [sflag:$0x2] =	stream.indirect.gather [hbm4b:s2+s5], $0x80, s20, s5, $0xb8;
	[tilespmem:$0x8500] =	vst v63  }
0x35: {  	_ =	swait.ge [sflag:s10], $0x4000  }
0x36: {  	[sflag:s10] =	ssyncset.done $0x0  }
0x37: {  	s21 =	sadd.s32 $0x23C200, s31;
	[sflag:s10] =	ssyncadd.s32 $0xFFFFC000  }
0x38: {  	[hbm4b:s21+s3] =	stream.linear.scatter [tilespmem:s9], [sflag:$0x4], $0x4000, $0x38;
	[tilespmem:$0x8500] =	vst v63  }
0x39: {  	_ =	swait.ge [sflag:s12], $0x4000  }
0x3a: {  	[sflag:s12] =	ssyncset.done $0x0  }
0x3b: {  	s22 =	simm.s32 $0x300;
	[sflag:s12] =	ssyncadd.s32 $0xFFFFC000  }
0x3c: {  	[tilespmem:s6], [sflag:$0x1] =	stream.indirect.gather [hbm4b:s2+s5], $0x80, s22, s5, $0xb8;
	[tilespmem:$0x8500] =	vst v63  }
0x3d: {  	_ =	swait.ge [sflag:s7], $0x4000  }
0x3e: {  	[sflag:s7] =	ssyncset.done $0x0  }
0x3f: {  	s23 =	sadd.s32 $0x23CA00, s31;
	[sflag:s7] =	ssyncadd.s32 $0xFFFFC000  }
0x40: {  	[hbm4b:s23+s3] =	stream.linear.scatter [tilespmem:s6], [sflag:$0x3], $0x4000, $0x38;
	[tilespmem:$0x8500] =	vst v63  }
0x41: {  	_ =	swait.ge [sflag:s14], $0x4000  }
0x42: {  	[sflag:s14] =	ssyncset.done $0x0  }
0x43: {  	s24 =	simm.s32 $0x380;
	[sflag:s14] =	ssyncadd.s32 $0xFFFFC000  }
0x44: {  	[tilespmem:s9], [sflag:$0x2] =	stream.indirect.gather [hbm4b:s2+s5], $0x80, s24, s5, $0xb8;
	[tilespmem:$0x8500] =	vst v63  }
0x45: {  	_ =	swait.ge [sflag:s10], $0x4000  }
0x46: {  	[sflag:s10] =	ssyncset.done $0x0  }
0x47: {  	s25 =	sadd.s32 $0x23D200, s31;
	[sflag:s10] =	ssyncadd.s32 $0xFFFFC000  }
0x48: {  	[hbm4b:s25+s3] =	stream.linear.scatter [tilespmem:s9], [sflag:$0x4], $0x4000, $0x38;
	[tilespmem:$0x8500] =	vst v63  }
0x49: {  	_ =	swait.ge [sflag:s12], $0x4000  }
0x4a: {  	[sflag:s12] =	ssyncset.done $0x0  }
0x4b: {  	s26 =	simm.s32 $0x400;
	[sflag:s12] =	ssyncadd.s32 $0xFFFFC000  }
0x4c: {  	[tilespmem:s6], [sflag:$0x1] =	stream.indirect.gather [hbm4b:s2+s5], $0x80, s26, s5, $0xb8;
	[tilespmem:$0x8500] =	vst v63  }
0x4d: {  	_ =	swait.ge [sflag:s7], $0x4000  }
0x4e: {  	[sflag:s7] =	ssyncset.done $0x0  }
0x4f: {  	s28 =	sadd.s32 $0x23DA00, s31;
	[sflag:s7] =	ssyncadd.s32 $0xFFFFC000  }
0x50: {  	[hbm4b:s28+s3] =	stream.linear.scatter [tilespmem:s6], [sflag:$0x3], $0x4000, $0x38;
	[tilespmem:$0x8500] =	vst v63  }
0x51: {  	_ =	swait.ge [sflag:s14], $0x4000  }
0x52: {  	s29 =	simm.s32 $0x480;
	s1 =	ssub.s32 $0x2, s30;
	[sflag:s14] =	ssyncset.done $0x0  }
0x53: {  	s30 =	sadd.s32 $0x23E200, s31;
	s31 =	sshrl.u32 s1, $0x1;
	[sflag:s14] =	ssyncadd.s32 $0xFFFFC000  }
0x54: {  	[tilespmem:s9], [sflag:$0x2] =	stream.indirect.gather [hbm4b:s2+s5], $0x80, s29, s5, $0xb8;
	[tilespmem:$0x8500] =	vst v63  }
0x55: {  	s1 =	ssub.s32 s1, s31;
	_ =	swait.ge [sflag:s10], $0x4000  }
0x56: {  	s1 =	smax.u32 s1, $0x1;
	[sflag:s10] =	ssyncset.done $0x0  }
0x57: {  	p0 =	sne.s32 s1, $0x1;
	[sflag:s10] =	ssyncadd.s32 $0xFFFFC000  }
0x58: {  	[hbm4b:s30+s3] =	stream.linear.scatter [tilespmem:s9], [sflag:$0x4], $0x4000, $0x38;
	[tilespmem:$0x8500] =	vst v63  }
.Ltmp0:
0x59: {  	_ =	swait.ge [sflag:s12], $0x4000;
	(pc) =	sbr.rel @!p0 .LBB2_2-.Ltmp0, $4  }
0x5a: {  	[sflag:s12] =	ssyncset.done $0x0  }
0x5b: {  	[sflag:s12] =	ssyncadd.s32 $0xFFFFC000  }
0x5c: {  	_ =	swait.ge [sflag:s14], $0x4000  }
0x5d: {  	s31 =	sadd.s32 $0xFFFFFFFF, s1;
	[sflag:s14] =	ssyncset.done $0x0  }
.LBB2_1:
0x5e: {  	s1 =	rddreg [dreg:$0x3];
	[sflag:s14] =	ssyncadd.s32 $0xFFFFC000  }
0x5f: {  	[tilespmem:s3], [sflag:$0x5] =	stream.linear.gather [hbm4b:s1+s3], $0x500, $0x38;
	[tilespmem:$0x8500] =	vst v63  }
0x60: {  	_ =	swait.ge [sflag:s4], $0x500  }
0x61: {  	[sflag:s4] =	ssyncset.done $0x0  }
0x62: {  	[sflag:s4] =	ssyncadd.s32 $0xFFFFFB00  }
0x63: {  	[tilespmem:s6], [sflag:$0x1] =	stream.indirect.gather [hbm4b:s2+s5], $0x80, s3, s5, $0xb8;
	[tilespmem:$0x8500] =	vst v63  }
0x64: {  	_ =	swait.ge [sflag:s7], $0x4000  }
0x65: {  	[sflag:s7] =	ssyncset.done $0x0  }
0x66: {  	[sflag:s7] =	ssyncadd.s32 $0xFFFFC000  }
0x67: {  	[hbm4b:s8+s3] =	stream.linear.scatter [tilespmem:s6], [sflag:$0x3], $0x4000, $0x38;
	[tilespmem:$0x8500] =	vst v63  }
0x68: {  	_ = 	snop  }
0x69: {  	[tilespmem:s9], [sflag:$0x2] =	stream.indirect.gather [hbm4b:s2+s5], $0x80, s5, s5, $0xb8;
	[tilespmem:$0x8500] =	vst v63  }
0x6a: {  	_ =	swait.ge [sflag:s10], $0x4000  }
0x6b: {  	[sflag:s10] =	ssyncset.done $0x0  }
0x6c: {  	[sflag:s10] =	ssyncadd.s32 $0xFFFFC000  }
0x6d: {  	[hbm4b:s11+s3] =	stream.linear.scatter [tilespmem:s9], [sflag:$0x4], $0x4000, $0x38;
	[tilespmem:$0x8500] =	vst v63  }
0x6e: {  	_ =	swait.ge [sflag:s12], $0x4000  }
0x6f: {  	[sflag:s12] =	ssyncset.done $0x0  }
0x70: {  	[sflag:s12] =	ssyncadd.s32 $0xFFFFC000  }
0x71: {  	[tilespmem:s6], [sflag:$0x1] =	stream.indirect.gather [hbm4b:s2+s5], $0x80, s13, s5, $0xb8;
	[tilespmem:$0x8500] =	vst v63  }
0x72: {  	_ =	swait.ge [sflag:s7], $0x4000  }
0x73: {  	[sflag:s7] =	ssyncset.done $0x0  }
0x74: {  	[sflag:s7] =	ssyncadd.s32 $0xFFFFC000  }
0x75: {  	[hbm4b:s15+s3] =	stream.linear.scatter [tilespmem:s6], [sflag:$0x3], $0x4000, $0x38;
	[tilespmem:$0x8500] =	vst v63  }
0x76: {  	_ =	swait.ge [sflag:s14], $0x4000  }
0x77: {  	[sflag:s14] =	ssyncset.done $0x0  }
0x78: {  	[sflag:s14] =	ssyncadd.s32 $0xFFFFC000  }
0x79: {  	[tilespmem:s9], [sflag:$0x2] =	stream.indirect.gather [hbm4b:s2+s5], $0x80, s16, s5, $0xb8;
	[tilespmem:$0x8500] =	vst v63  }
0x7a: {  	_ =	swait.ge [sflag:s10], $0x4000  }
0x7b: {  	[sflag:s10] =	ssyncset.done $0x0  }
0x7c: {  	[sflag:s10] =	ssyncadd.s32 $0xFFFFC000  }
0x7d: {  	[hbm4b:s17+s3] =	stream.linear.scatter [tilespmem:s9], [sflag:$0x4], $0x4000, $0x38;
	[tilespmem:$0x8500] =	vst v63  }
0x7e: {  	_ =	swait.ge [sflag:s12], $0x4000  }
0x7f: {  	[sflag:s12] =	ssyncset.done $0x0  }
0x80: {  	[sflag:s12] =	ssyncadd.s32 $0xFFFFC000  }
0x81: {  	[tilespmem:s6], [sflag:$0x1] =	stream.indirect.gather [hbm4b:s2+s5], $0x80, s18, s5, $0xb8;
	[tilespmem:$0x8500] =	vst v63  }
0x82: {  	_ =	swait.ge [sflag:s7], $0x4000  }
0x83: {  	[sflag:s7] =	ssyncset.done $0x0  }
0x84: {  	[sflag:s7] =	ssyncadd.s32 $0xFFFFC000  }
0x85: {  	[hbm4b:s19+s3] =	stream.linear.scatter [tilespmem:s6], [sflag:$0x3], $0x4000, $0x38;
	[tilespmem:$0x8500] =	vst v63  }
0x86: {  	_ =	swait.ge [sflag:s14], $0x4000  }
0x87: {  	[sflag:s14] =	ssyncset.done $0x0  }
0x88: {  	[sflag:s14] =	ssyncadd.s32 $0xFFFFC000  }
0x89: {  	[tilespmem:s9], [sflag:$0x2] =	stream.indirect.gather [hbm4b:s2+s5], $0x80, s20, s5, $0xb8;
	[tilespmem:$0x8500] =	vst v63  }
0x8a: {  	_ =	swait.ge [sflag:s10], $0x4000  }
0x8b: {  	[sflag:s10] =	ssyncset.done $0x0  }
0x8c: {  	[sflag:s10] =	ssyncadd.s32 $0xFFFFC000  }
0x8d: {  	[hbm4b:s21+s3] =	stream.linear.scatter [tilespmem:s9], [sflag:$0x4], $0x4000, $0x38;
	[tilespmem:$0x8500] =	vst v63  }
0x8e: {  	_ =	swait.ge [sflag:s12], $0x4000  }
0x8f: {  	[sflag:s12] =	ssyncset.done $0x0  }
0x90: {  	[sflag:s12] =	ssyncadd.s32 $0xFFFFC000  }
0x91: {  	[tilespmem:s6], [sflag:$0x1] =	stream.indirect.gather [hbm4b:s2+s5], $0x80, s22, s5, $0xb8;
	[tilespmem:$0x8500] =	vst v63  }
0x92: {  	_ =	swait.ge [sflag:s7], $0x4000  }
0x93: {  	[sflag:s7] =	ssyncset.done $0x0  }
0x94: {  	[sflag:s7] =	ssyncadd.s32 $0xFFFFC000  }
0x95: {  	[hbm4b:s23+s3] =	stream.linear.scatter [tilespmem:s6], [sflag:$0x3], $0x4000, $0x38;
	[tilespmem:$0x8500] =	vst v63  }
0x96: {  	_ =	swait.ge [sflag:s14], $0x4000  }
0x97: {  	[sflag:s14] =	ssyncset.done $0x0  }
0x98: {  	[sflag:s14] =	ssyncadd.s32 $0xFFFFC000  }
0x99: {  	[tilespmem:s9], [sflag:$0x2] =	stream.indirect.gather [hbm4b:s2+s5], $0x80, s24, s5, $0xb8;
	[tilespmem:$0x8500] =	vst v63  }
0x9a: {  	_ =	swait.ge [sflag:s10], $0x4000  }
0x9b: {  	[sflag:s10] =	ssyncset.done $0x0  }
0x9c: {  	[sflag:s10] =	ssyncadd.s32 $0xFFFFC000  }
0x9d: {  	[hbm4b:s25+s3] =	stream.linear.scatter [tilespmem:s9], [sflag:$0x4], $0x4000, $0x38;
	[tilespmem:$0x8500] =	vst v63  }
0x9e: {  	_ =	swait.ge [sflag:s12], $0x4000  }
0x9f: {  	[sflag:s12] =	ssyncset.done $0x0  }
0xa0: {  	[sflag:s12] =	ssyncadd.s32 $0xFFFFC000  }
0xa1: {  	[tilespmem:s6], [sflag:$0x1] =	stream.indirect.gather [hbm4b:s2+s5], $0x80, s26, s5, $0xb8;
	[tilespmem:$0x8500] =	vst v63  }
0xa2: {  	_ =	swait.ge [sflag:s7], $0x4000  }
0xa3: {  	[sflag:s7] =	ssyncset.done $0x0  }
0xa4: {  	[sflag:s7] =	ssyncadd.s32 $0xFFFFC000  }
0xa5: {  	[hbm4b:s28+s3] =	stream.linear.scatter [tilespmem:s6], [sflag:$0x3], $0x4000, $0x38;
	[tilespmem:$0x8500] =	vst v63  }
0xa6: {  	_ =	swait.ge [sflag:s14], $0x4000  }
0xa7: {  	[sflag:s14] =	ssyncset.done $0x0  }
0xa8: {  	[sflag:s14] =	ssyncadd.s32 $0xFFFFC000  }
0xa9: {  	[tilespmem:s9], [sflag:$0x2] =	stream.indirect.gather [hbm4b:s2+s5], $0x80, s29, s5, $0xb8;
	[tilespmem:$0x8500] =	vst v63  }
0xaa: {  	_ =	swait.ge [sflag:s10], $0x4000  }
0xab: {  	[sflag:s10] =	ssyncset.done $0x0  }
0xac: {  	p0 =	sne.s32 s31, $0x1;
	[sflag:s10] =	ssyncadd.s32 $0xFFFFC000  }
0xad: {  	[hbm4b:s30+s3] =	stream.linear.scatter [tilespmem:s9], [sflag:$0x4], $0x4000, $0x38;
	[tilespmem:$0x8500] =	vst v63  }
.Ltmp1:
0xae: {  	_ =	swait.ge [sflag:s12], $0x4000;
	(pc) =	sbr.rel @p0 .LBB2_1-.Ltmp1, $4  }
0xaf: {  	[sflag:s12] =	ssyncset.done $0x0  }
0xb0: {  	[sflag:s12] =	ssyncadd.s32 $0xFFFFC000  }
0xb1: {  	_ =	swait.ge [sflag:s14], $0x4000  }
0xb2: {  	s31 =	sadd.s32 $0xFFFFFFFF, s31;
	[sflag:s14] =	ssyncset.done $0x0  }
.LBB2_2:
0xb3: {  	[sflag:s14] =	ssyncadd.s32 $0xFFFFC000  }
0xb4: {  	_ =	sfence.sel $0x180000  }
0xb5: {  	[bflag:$0x0] =	sbarrier.arrive $0xFFFF  }
0xb6: {  	_ =	strace $0x90000050  }
0xb7: {  	[bflag:$0x2] =	sbarrier.arrive $0xFFFF  }
0xb8: {  	p0 =	sne.s32 s0, $0x0;
	s0 =	rddreg [dreg:$0x2]  }
0xb9: {  	s0 =	sadd.s32 @!p0 $0x100000, s0  }
0xba: {  	[sflag:s0] =	ssyncadd.tile.s32 @!p0 $0x1;
	_ =	shalt  }
.Lfunc_end2:
_tile_overlayer_lowered:
.L_overlay_start_2:
0xbb: {  	(tag) =	ssettag $0x2  }
0xbc: {  	s0 =	rddreg [dreg:$0x0];
	s2 =	stileid.u32  }
0xbd: {  	s1 =	rddreg [dreg:$0x1];
	p0 =	sne.s32 s2, $0x0  }
0xbe: {  	s3 =	rddreg [dreg:$0x2];
	[bflag:$0x3] =	sbarrier.arrive $0xFFFF;
	s2 =	simm.s32 @!p0 $0x1C05  }
0xbf: {  	[timem:s3], [sflag:s2] =	dma.local @!p0 [hbm:s0], s1  }
0xc0: {  	s0 =	simm.s32 @!p0 $0x5  }
0xc1: {  	_ =	swait.ge @!p0 [sflag:s0], s1  }
0xc2: {  	s1 =	ssub.s32 @!p0 $0x0, s1;
	[sflag:s0] =	ssyncset.done @!p0 $0x0  }
0xc3: {  	[sflag:s0] =	ssyncadd.s32 @!p0 s1  }
0xc4: {  	[bflag:$0x3] =	sbarrier.arrive $0xFFFF  }
0xc5: {  	_ =	shalt  }

</sc_bundles>
